<compile_context>
chip_gen: v7x
topology: tpu7x:2x2x1
jax: 0.10.2.dev20260603
libtpu: 0.0.44.dev20260713+nightly
codegen_flags: <defaults>
</compile_context>

<pallas_src>
import functools

import jax
import jax.numpy as jnp
from jax import lax
from jax.experimental import pallas as pl
from jax.experimental.pallas import tpu as pltpu
from jax.experimental.pallas import tpu_sc as plsc

N_NODES = 10000
N_EDGES = 320000
N_FEAT = 128
N_HIDDEN = 128
LRELU_ALPHA = 0.05

NC = 2
NS = 16
NW = NC * NS
CE = N_EDGES // NW
K = 80
CHUNKS = CE // K
PAIRS = (CHUNKS - 1) // 2
ROWS_PER_TILE = 624
TAIL_ROWS = N_NODES - NS * ROWS_PER_TILE



def _tc1_body(x_ref, wt_ref, ap_ref, bv_ref, z_ref, s_ref):
    z = jnp.dot(x_ref[...], wt_ref[...], preferred_element_type=jnp.float32)
    z_ref[...] = z
    s_ref[...] = (
        jnp.dot(z, ap_ref[...], preferred_element_type=jnp.float32)
        + bv_ref[...]
    )


def _tc1(x, Wt, Apad, bvec):
    blk = 1000
    grid = (N_NODES // blk,)
    return pl.pallas_call(
        _tc1_body,
        grid=grid,
        in_specs=[
            pl.BlockSpec((blk, N_FEAT), lambda i: (i, 0)),
            pl.BlockSpec((N_FEAT, N_HIDDEN), lambda i: (0, 0)),
            pl.BlockSpec((N_HIDDEN, N_HIDDEN), lambda i: (0, 0)),
            pl.BlockSpec((1, N_HIDDEN), lambda i: (0, 0)),
        ],
        out_specs=[
            pl.BlockSpec((blk, N_HIDDEN), lambda i: (i, 0)),
            pl.BlockSpec((blk, N_HIDDEN), lambda i: (i, 0)),
        ],
        out_shape=[
            jax.ShapeDtypeStruct((N_NODES, N_HIDDEN), jnp.float32),
            jax.ShapeDtypeStruct((N_NODES, N_HIDDEN), jnp.float32),
        ],
    )(x, Wt, Apad, bvec)


def _tc2_body(a_ref, b_ref, o_ref):
    o_ref[...] = a_ref[...] + b_ref[...]


def _tc2(p0, p1):
    blk = 1000
    grid = (N_NODES // blk,)
    return pl.pallas_call(
        _tc2_body,
        grid=grid,
        in_specs=[
            pl.BlockSpec((blk, N_HIDDEN), lambda i: (i, 0)),
            pl.BlockSpec((blk, N_HIDDEN), lambda i: (i, 0)),
        ],
        out_specs=pl.BlockSpec((blk, N_HIDDEN), lambda i: (i, 0)),
        out_shape=jax.ShapeDtypeStruct((N_NODES, N_HIDDEN), jnp.float32),
    )(p0, p1)



_SC_MESH = plsc.VectorSubcoreMesh(core_axis_name="c", subcore_axis_name="s")


def _sc1_body(s1_hbm, s2_hbm, src_hbm, dst_hbm, zeros1_hbm,
              h_hbm, hsum_parts_hbm,
              s1_v, s2_v, srcall_v, dstall_v, hall_v, srcc2_v,
              sem_a0, sem_a1, hsum_sh):
    cid = lax.axis_index("c")
    sid = lax.axis_index("s")
    wid = cid * NS + sid
    base = wid * CE

    @pl.when(sid == 0)
    def _():
        pltpu.sync_copy(zeros1_hbm, hsum_sh)

    pltpu.sync_copy(s1_hbm, s1_v)
    pltpu.sync_copy(s2_hbm, s2_v)
    pltpu.sync_copy(src_hbm.at[pl.ds(base, CE)], srcall_v)
    pltpu.sync_copy(dst_hbm.at[pl.ds(base, CE)], dstall_v)
    plsc.subcore_barrier()

    sems = (sem_a0, sem_a1)

    def compute_chunk(c):
        for j in range(K // 16):
            sl = pl.ds(c * K + j * 16, 16)
            t = (plsc.load_gather(s1_v, [srcall_v[sl]])
                 + plsc.load_gather(s2_v, [dstall_v[sl]]))
            t = jnp.where(t > 0, t, LRELU_ALPHA * t)
            hall_v[sl] = jnp.exp(t)

    def issue_scatter(c, b):
        for j in range(K // 16):
            srcc2_v[b, pl.ds(j * 16, 16)] = srcall_v[pl.ds(c * K + j * 16, 16)]
        pltpu.async_copy(
            hall_v.at[pl.ds(c * K, K)],
            hsum_sh.at[srcc2_v.at[b]],
            sems[b],
            add=True,
        )

    def wait_scatter(c, b):
        pltpu.make_async_copy(
            hall_v.at[pl.ds(c * K, K)],
            hsum_sh.at[srcc2_v.at[b]],
            sems[b],
        ).wait()

    def pair(c0, carry):
        for b in range(2):
            c = 2 * c0 + b
            compute_chunk(c)

            @pl.when(c >= 2)
            def _():
                wait_scatter(c - 2, b)

            issue_scatter(c, b)
        return carry

    lax.fori_loop(0, PAIRS, pair, 0)
    compute_chunk(CHUNKS - 1)
    wait_scatter(CHUNKS - 3, 0)
    issue_scatter(CHUNKS - 1, 0)
    wait_scatter(CHUNKS - 2, 1)
    wait_scatter(CHUNKS - 1, 0)

    pltpu.sync_copy(hall_v, h_hbm.at[pl.ds(base, CE)])
    plsc.subcore_barrier()

    @pl.when(sid == 0)
    def _():
        pltpu.sync_copy(hsum_sh, hsum_parts_hbm.at[cid])


def _sc1(s1, s2, src, dst, zeros1):
    return pl.kernel(
        _sc1_body,
        out_type=[
            jax.ShapeDtypeStruct((N_EDGES,), jnp.float32),
            jax.ShapeDtypeStruct((NC, N_NODES), jnp.float32),
        ],
        mesh=_SC_MESH,
        compiler_params=pltpu.CompilerParams(needs_layout_passes=False),
        scratch_types=[
            pltpu.VMEM((N_NODES,), jnp.float32),
            pltpu.VMEM((N_NODES,), jnp.float32),
            pltpu.VMEM((CE,), jnp.int32),
            pltpu.VMEM((CE,), jnp.int32),
            pltpu.VMEM((CE,), jnp.float32),
            pltpu.VMEM((2, K), jnp.int32),
            pltpu.SemaphoreType.DMA,
            pltpu.SemaphoreType.DMA,
            pltpu.VMEM_SHARED((N_NODES,), jnp.float32),
        ],
    )(s1, s2, src, dst, zeros1)


def _sc2_body(h_hbm, hsum_parts_hbm, src_hbm, dst_hbm, z_hbm, zeros2_hbm,
              alpha_hbm, out_parts_hbm,
              hsum_v, tmp_v, srcc2_v, dstc2_v, hc2_v, rows0_v, rows1_v,
              sem_i0, sem_i1, sem_g0, sem_g1, sem_s0, sem_s1,
              sem_a0, sem_a1, out_sh):
    cid = lax.axis_index("c")
    sid = lax.axis_index("s")
    wid = cid * NS + sid
    base = wid * CE

    rsl = pl.ds(sid * ROWS_PER_TILE, ROWS_PER_TILE)
    tsl = pl.ds(NS * ROWS_PER_TILE, TAIL_ROWS)
    pltpu.sync_copy(zeros2_hbm.at[rsl], out_sh.at[rsl])

    @pl.when(sid == 0)
    def _():
        pltpu.sync_copy(zeros2_hbm.at[tsl], out_sh.at[tsl])

    pltpu.sync_copy(hsum_parts_hbm.at[0], hsum_v)
    pltpu.sync_copy(hsum_parts_hbm.at[1], tmp_v)

    def addv(i, carry):
        sl = pl.ds(i * 16, 16)
        hsum_v[sl] = hsum_v[sl] + tmp_v[sl]
        return carry

    lax.fori_loop(0, N_NODES // 16, addv, 0)
    plsc.subcore_barrier()

    rows = (rows0_v, rows1_v)
    sem_i = (sem_i0, sem_i1)
    sem_g = (sem_g0, sem_g1)
    sem_s = (sem_s0, sem_s1)
    sem_a = (sem_a0, sem_a1)

    def issue_stage(c, b):
        off = base + c * K
        pltpu.async_copy(src_hbm.at[pl.ds(off, K)], srcc2_v.at[b], sem_i[b])
        pltpu.async_copy(dst_hbm.at[pl.ds(off, K)], dstc2_v.at[b], sem_i[b])
        pltpu.async_copy(h_hbm.at[pl.ds(off, K)], hc2_v.at[b], sem_i[b])

    def wait_stage(c, b):
        off = base + c * K
        pltpu.make_async_copy(
            src_hbm.at[pl.ds(off, K)], srcc2_v.at[b], sem_i[b]).wait()
        pltpu.make_async_copy(
            dst_hbm.at[pl.ds(off, K)], dstc2_v.at[b], sem_i[b]).wait()
        pltpu.make_async_copy(
            h_hbm.at[pl.ds(off, K)], hc2_v.at[b], sem_i[b]).wait()

    def issue_gather(c, b):
        pltpu.async_copy(z_hbm.at[dstc2_v.at[b]], rows[b], sem_g[b])

    def wait_gather(c, b):
        pltpu.make_async_copy(
            z_hbm.at[dstc2_v.at[b]], rows[b], sem_g[b]).wait()

    def issue_scatter(c, b):
        pltpu.async_copy(rows[b], out_sh.at[srcc2_v.at[b]], sem_s[b], add=True)

    def wait_scatter(c, b):
        pltpu.make_async_copy(
            rows[b], out_sh.at[srcc2_v.at[b]], sem_s[b]).wait()

    def issue_alpha(c, b):
        pltpu.async_copy(
            hc2_v.at[b], alpha_hbm.at[pl.ds(base + c * K, K)], sem_a[b])

    def wait_alpha(c, b):
        pltpu.make_async_copy(
            hc2_v.at[b], alpha_hbm.at[pl.ds(base + c * K, K)], sem_a[b]).wait()

    def compute_alpha(b):
        for j in range(K // 16):
            sl = pl.ds(j * 16, 16)
            hs = plsc.load_gather(hsum_v, [srcc2_v[b, sl]])
            hc2_v[b, sl] = hc2_v[b, sl] / hs

    def scale_rows(b):
        rows_v = rows[b]
        hrow = hc2_v.at[b]

        @plsc.parallel_loop(0, K, 1, unroll=4)
        def _(r):
            a = plsc.load_gather(hrow, [jnp.full((16,), 0, jnp.int32) + r])
            for jj in range(N_HIDDEN // 16):
                csl = pl.ds(jj * 16, 16)
                rows_v[r, csl] = rows_v[r, csl] * a

    def step(c, b):
        @pl.when(c >= 1)
        def _():
            wait_scatter(c - 1, 1 - b)
            wait_alpha(c - 1, 1 - b)

        @pl.when(c + 1 < CHUNKS)
        def _():
            issue_stage(c + 1, 1 - b)

        wait_gather(c, b)
        compute_alpha(b)
        issue_alpha(c, b)

        @pl.when(c + 1 < CHUNKS)
        def _():
            wait_stage(c + 1, 1 - b)
            issue_gather(c + 1, 1 - b)

        scale_rows(b)
        issue_scatter(c, b)

    issue_stage(0, 0)
    wait_stage(0, 0)
    issue_gather(0, 0)

    def pair(c0, carry):
        for b in range(2):
            step(2 * c0 + b, b)
        return carry

    lax.fori_loop(0, PAIRS, pair, 0)
    step(CHUNKS - 1, 0)
    wait_scatter(CHUNKS - 1, 0)
    wait_alpha(CHUNKS - 1, 0)

    plsc.subcore_barrier()
    pltpu.sync_copy(out_sh.at[rsl], out_parts_hbm.at[cid, rsl])

    @pl.when(sid == 0)
    def _():
        pltpu.sync_copy(out_sh.at[tsl], out_parts_hbm.at[cid, tsl])


def _sc2(h, hsum_parts, src, dst, z, zeros2):
    return pl.kernel(
        _sc2_body,
        out_type=[
            jax.ShapeDtypeStruct((N_EDGES,), jnp.float32),
            jax.ShapeDtypeStruct((NC, N_NODES, N_HIDDEN), jnp.float32),
        ],
        mesh=_SC_MESH,
        compiler_params=pltpu.CompilerParams(needs_layout_passes=False),
        scratch_types=[
            pltpu.VMEM((N_NODES,), jnp.float32),
            pltpu.VMEM((N_NODES,), jnp.float32),
            pltpu.VMEM((2, K), jnp.int32),
            pltpu.VMEM((2, K), jnp.int32),
            pltpu.VMEM((2, K), jnp.float32),
            pltpu.VMEM((K, N_HIDDEN), jnp.float32),
            pltpu.VMEM((K, N_HIDDEN), jnp.float32),
            pltpu.SemaphoreType.DMA,
            pltpu.SemaphoreType.DMA,
            pltpu.SemaphoreType.DMA,
            pltpu.SemaphoreType.DMA,
            pltpu.SemaphoreType.DMA,
            pltpu.SemaphoreType.DMA,
            pltpu.SemaphoreType.DMA,
            pltpu.SemaphoreType.DMA,
            pltpu.VMEM_SHARED((N_NODES, N_HIDDEN), jnp.float32),
        ],
    )(h, hsum_parts, src, dst, z, zeros2)



@jax.jit
def _run(x, edge_index, W, a_w, a_b):
    src = edge_index[0, :].astype(jnp.int32)
    dst = edge_index[1, :].astype(jnp.int32)

    a1 = a_w[0, :N_HIDDEN]
    a2 = a_w[0, N_HIDDEN:]
    Apad = jnp.zeros((N_HIDDEN, N_HIDDEN), jnp.float32)
    Apad = Apad.at[:, 0].set(a1).at[:, 1].set(a2)
    bvec = jnp.zeros((1, N_HIDDEN), jnp.float32).at[0, 0].set(a_b[0])

    z, S = _tc1(x, W.T, Apad, bvec)
    s1 = S[:, 0]
    s2 = S[:, 1]

    zeros1 = jnp.zeros((N_NODES,), jnp.float32)
    h, hsum_parts = _sc1(s1, s2, src, dst, zeros1)

    zeros2 = jnp.zeros((N_NODES, N_HIDDEN), jnp.float32)
    alpha, out_parts = _sc2(h, hsum_parts, src, dst, z, zeros2)

    out = _tc2(out_parts[0], out_parts[1])
    return out, alpha


def kernel(x, edge_index, W, a_w, a_b):
    return _run(x, edge_index, W, a_w, a_b)

# --- scband reference (transcript-rebuilt; emitter-appended) ---
"""Pipeline reference for scband-gatlayer-257698038185 (READ-ONLY COPY).

The authoritative reference and input builder live on the scoring server;
editing this copy changes nothing except your own understanding.
"""

import jax, jax.numpy as jnp
import numpy as np

N_NODES = 10000
N_EDGES = 320000
N_FEAT = 128
N_HIDDEN = 128
ALPHA = 0.05


def setup_inputs(seed: int = 0) -> dict:
    key = jax.random.key(seed)
    k1, k2, k3, k4, k5 = jax.random.split(key, 5)
    x = jax.random.normal(k1, (N_NODES, N_FEAT), dtype=jnp.float32)
    edge_index = jax.random.randint(k2, (2, N_EDGES), 0, N_NODES, dtype=jnp.int64)
    # fc: Linear(n_feat, n_hidden, bias=False) -> weight [n_hidden, n_feat]
    W = jax.random.normal(k3, (N_HIDDEN, N_FEAT), dtype=jnp.float32) * (1.0 / np.sqrt(N_FEAT))
    # a: Linear(2*n_hidden, 1) -> weight [1, 2*n_hidden], bias [1]
    a_w = jax.random.normal(k4, (1, 2 * N_HIDDEN), dtype=jnp.float32) * (1.0 / np.sqrt(2 * N_HIDDEN))
    a_b = jax.random.normal(k5, (1,), dtype=jnp.float32) * 0.01
    return {"x": x, "edge_index": edge_index, "W": W, "a_w": a_w, "a_b": a_b}


def reference(x, edge_index, W, a_w, a_b):
    src = edge_index[0, :]
    dst = edge_index[1, :]
    # z = self.fc(x)
    z = x @ W.T  # [N, n_hidden]
    # h = cat(z[src], z[dst]) @ a.T + b
    h = jnp.concatenate((z[src, :], z[dst, :]), axis=1)  # [E, 2*n_hidden]
    h = h @ a_w.T + a_b  # [E, 1]
    # leakyrelu with negative_slope=alpha
    h = jnp.where(h > 0, h, ALPHA * h)
    h = jnp.exp(jnp.squeeze(h))  # [E]
    # scatter_add over source nodes (softmax denominator)
    h_sum = jnp.zeros((N_NODES,), dtype=h.dtype).at[src].add(h)
    h_norm = h_sum[src]  # gather
    alpha = h / h_norm  # [E]
    # out = sparse.mm(adj_att, z): out[i] = sum_{(i,j) in E} alpha_ij * z[j]
    out = jnp.zeros((N_NODES, N_HIDDEN), dtype=z.dtype).at[src].add(alpha[:, None] * z[dst, :])
    return (out, alpha)

if __name__ == "__main__":
    import jax
    _d = setup_inputs()
    print(jax.jit(kernel)(*tuple(_d.values())))

</pallas_src>

<mosaic_0001>
#map = affine_map<(d0, d1) -> (0)>
#map1 = affine_map<(d0, d1) -> (0, 0)>
module attributes {stable_mosaic.version = 14 : i64} {
  func.func @_sc1_body(%arg0: i32, %arg1: i32, %arg2: memref<10000xf32, #tpu.memory_space<hbm>>, %arg3: memref<10000xf32, #tpu.memory_space<hbm>>, %arg4: memref<320000xi32, #tpu.memory_space<hbm>>, %arg5: memref<320000xi32, #tpu.memory_space<hbm>>, %arg6: memref<10000xf32, #tpu.memory_space<hbm>>, %arg7: memref<320000xf32, #tpu.memory_space<hbm>>, %arg8: memref<2x10000xf32, #tpu.memory_space<hbm>>, %arg9: memref<10000xf32, #tpu.memory_space<vmem>>, %arg10: memref<10000xf32, #tpu.memory_space<vmem>>, %arg11: memref<10000xi32, #tpu.memory_space<vmem>>, %arg12: memref<10000xi32, #tpu.memory_space<vmem>>, %arg13: memref<10000xf32, #tpu.memory_space<vmem>>, %arg14: memref<2x80xi32, #tpu.memory_space<vmem>>, %arg15: memref<!tpu.dma_semaphore, #tpu.memory_space<semaphore_mem>>, %arg16: memref<!tpu.dma_semaphore, #tpu.memory_space<semaphore_mem>>, %arg17: memref<10000xf32, #tpu.memory_space<vmem_shared>>) attributes {dimension_semantics = [#tpu.dimension_semantics<core_parallel>, #tpu.dimension_semantics<subcore_parallel>], iteration_bounds = array<i64: 2, 16>, scalar_prefetch = 0 : i64, scratch_operands = 9 : i64, tpu.core_type = #tpu.core_type<sc_vector_subcore>, window_params = [{transform_indices = #map}, {transform_indices = #map}, {transform_indices = #map}, {transform_indices = #map}, {transform_indices = #map}, {transform_indices = #map}, {transform_indices = #map1}]} {
    %mul3A = arith.constant 16 : i32
    %mul3A_0 = arith.muli %arg0, %mul3A : i32
    %add3A = arith.addi %mul3A_0, %arg1 : i32
    %mul3A_1 = arith.constant 10000 : i32
    %mul3A_2 = arith.muli %add3A, %mul3A_1 : i32
    %eq3A = arith.constant 0 : i32
    %eq3A_3 = arith.cmpi eq, %arg1, %eq3A : i32
    %convert_element_type3A = arith.extui %eq3A_3 : i1 to i32
    %cond3A = arith.constant 0 : i32
    %cond3A_4 = arith.cmpi ne, %convert_element_type3A, %cond3A : i32
    scf.if %cond3A_4 {
      "tpu.region"() ({
        %run_scoped3A = tpu.sem_alloc : memref<!tpu.dma_semaphore, #tpu.memory_space<semaphore_mem>>
        tpu.enqueue_dma source(%arg6 : memref<10000xf32, #tpu.memory_space<hbm>>) target(%arg17 : memref<10000xf32, #tpu.memory_space<vmem_shared>>) target_semaphore(%run_scoped3A : memref<!tpu.dma_semaphore, #tpu.memory_space<semaphore_mem>>)
        tpu.wait_dma2 semaphore(%run_scoped3A : memref<!tpu.dma_semaphore, #tpu.memory_space<semaphore_mem>>) src(%arg6 : memref<10000xf32, #tpu.memory_space<hbm>>) dst(%arg17 : memref<10000xf32, #tpu.memory_space<vmem_shared>>)
        tpu.yield
      }) : () -> ()
    } else {
    }
    "tpu.region"() ({
      %run_scoped3A = tpu.sem_alloc : memref<!tpu.dma_semaphore, #tpu.memory_space<semaphore_mem>>
      tpu.enqueue_dma source(%arg2 : memref<10000xf32, #tpu.memory_space<hbm>>) target(%arg9 : memref<10000xf32, #tpu.memory_space<vmem>>) target_semaphore(%run_scoped3A : memref<!tpu.dma_semaphore, #tpu.memory_space<semaphore_mem>>)
      tpu.wait_dma2 semaphore(%run_scoped3A : memref<!tpu.dma_semaphore, #tpu.memory_space<semaphore_mem>>) src(%arg2 : memref<10000xf32, #tpu.memory_space<hbm>>) dst(%arg9 : memref<10000xf32, #tpu.memory_space<vmem>>)
      tpu.yield
    }) : () -> ()
    "tpu.region"() ({
      %run_scoped3A = tpu.sem_alloc : memref<!tpu.dma_semaphore, #tpu.memory_space<semaphore_mem>>
      tpu.enqueue_dma source(%arg3 : memref<10000xf32, #tpu.memory_space<hbm>>) target(%arg10 : memref<10000xf32, #tpu.memory_space<vmem>>) target_semaphore(%run_scoped3A : memref<!tpu.dma_semaphore, #tpu.memory_space<semaphore_mem>>)
      tpu.wait_dma2 semaphore(%run_scoped3A : memref<!tpu.dma_semaphore, #tpu.memory_space<semaphore_mem>>) src(%arg3 : memref<10000xf32, #tpu.memory_space<hbm>>) dst(%arg10 : memref<10000xf32, #tpu.memory_space<vmem>>)
      tpu.yield
    }) : () -> ()
    "tpu.region"() ({
      %run_scoped3A = tpu.sem_alloc : memref<!tpu.dma_semaphore, #tpu.memory_space<semaphore_mem>>
      %dma_start3A_155 = tpu.memref_slice %arg4[%mul3A_2] : memref<320000xi32, #tpu.memory_space<hbm>> -> memref<10000xi32, #tpu.memory_space<hbm>>
      %dma_start3A_156 = tpu.memref_slice %arg4[%mul3A_2] : memref<320000xi32, #tpu.memory_space<hbm>> -> memref<10000xi32, #tpu.memory_space<hbm>>
      tpu.enqueue_dma source(%dma_start3A_156 : memref<10000xi32, #tpu.memory_space<hbm>>) target(%arg11 : memref<10000xi32, #tpu.memory_space<vmem>>) target_semaphore(%run_scoped3A : memref<!tpu.dma_semaphore, #tpu.memory_space<semaphore_mem>>)
      %dma_wait3A_157 = tpu.memref_slice %arg4[%mul3A_2] : memref<320000xi32, #tpu.memory_space<hbm>> -> memref<10000xi32, #tpu.memory_space<hbm>>
      %dma_wait3A_158 = tpu.memref_slice %arg4[%mul3A_2] : memref<320000xi32, #tpu.memory_space<hbm>> -> memref<10000xi32, #tpu.memory_space<hbm>>
      tpu.wait_dma2 semaphore(%run_scoped3A : memref<!tpu.dma_semaphore, #tpu.memory_space<semaphore_mem>>) src(%dma_wait3A_158 : memref<10000xi32, #tpu.memory_space<hbm>>) dst(%arg11 : memref<10000xi32, #tpu.memory_space<vmem>>)
      tpu.yield
    }) : () -> ()
    "tpu.region"() ({
      %run_scoped3A = tpu.sem_alloc : memref<!tpu.dma_semaphore, #tpu.memory_space<semaphore_mem>>
      %dma_start3A_155 = tpu.memref_slice %arg5[%mul3A_2] : memref<320000xi32, #tpu.memory_space<hbm>> -> memref<10000xi32, #tpu.memory_space<hbm>>
      %dma_start3A_156 = tpu.memref_slice %arg5[%mul3A_2] : memref<320000xi32, #tpu.memory_space<hbm>> -> memref<10000xi32, #tpu.memory_space<hbm>>
      tpu.enqueue_dma source(%dma_start3A_156 : memref<10000xi32, #tpu.memory_space<hbm>>) target(%arg12 : memref<10000xi32, #tpu.memory_space<vmem>>) target_semaphore(%run_scoped3A : memref<!tpu.dma_semaphore, #tpu.memory_space<semaphore_mem>>)
      %dma_wait3A_157 = tpu.memref_slice %arg5[%mul3A_2] : memref<320000xi32, #tpu.memory_space<hbm>> -> memref<10000xi32, #tpu.memory_space<hbm>>
      %dma_wait3A_158 = tpu.memref_slice %arg5[%mul3A_2] : memref<320000xi32, #tpu.memory_space<hbm>> -> memref<10000xi32, #tpu.memory_space<hbm>>
      tpu.wait_dma2 semaphore(%run_scoped3A : memref<!tpu.dma_semaphore, #tpu.memory_space<semaphore_mem>>) src(%dma_wait3A_158 : memref<10000xi32, #tpu.memory_space<hbm>>) dst(%arg12 : memref<10000xi32, #tpu.memory_space<vmem>>)
      tpu.yield
    }) : () -> ()
    %barrier3A = arith.constant 0 : index
    tpu.barrier barrier_id(%barrier3A)
    %scan3A = arith.constant 0 : i32
    %scan3A_5 = arith.constant 0 : i32
    %scan3A_6 = arith.constant 62 : i32
    %scan3A_7 = arith.addi %scan3A_5, %scan3A_6 : i32
    %scan3A_8 = arith.constant 1 : i32
    scf.for %scan3A_155 = %scan3A_5 to %scan3A_7 step %scan3A_8  : i32 {
      %mul3A_156 = arith.constant 2 : i32
      %mul3A_157 = arith.muli %mul3A_156, %scan3A_155 : i32
      %add3A_158 = arith.constant 0 : i32
      %add3A_159 = arith.addi %mul3A_157, %add3A_158 : i32
      %mul3A_160 = arith.constant 80 : i32
      %mul3A_161 = arith.muli %add3A_159, %mul3A_160 : i32
      %add3A_162 = arith.constant 0 : i32
      %add3A_163 = arith.addi %mul3A_161, %add3A_162 : i32
      %get3A_164 = arith.index_cast %add3A_163 : i32 to index
      %get3A_165 = tpu.vector_load %arg11[%get3A_164] {strides = array<i32>} : memref<10000xi32, #tpu.memory_space<vmem>>, vector<16xi32>,
      %gather3A_166 = tpu.vector_load_idx %arg9[%get3A_165] : memref<10000xf32, #tpu.memory_space<vmem>>[vector<16xi32>], vector<16xf32>,
      %get3A_167 = arith.index_cast %add3A_163 : i32 to index
      %get3A_168 = tpu.vector_load %arg12[%get3A_167] {strides = array<i32>} : memref<10000xi32, #tpu.memory_space<vmem>>, vector<16xi32>,
      %gather3A_169 = tpu.vector_load_idx %arg10[%get3A_168] : memref<10000xf32, #tpu.memory_space<vmem>>[vector<16xi32>], vector<16xf32>,
      %add3A_170 = arith.addf %gather3A_166, %gather3A_169 : vector<16xf32>
      %gt3A_171 = arith.constant 0.000000e+00 : f32
      %gt3A_172 = vector.broadcast %gt3A_171 : f32 to vector<16xf32>
      %gt3A_173 = arith.cmpf ogt, %add3A_170, %gt3A_172 : vector<16xf32>
      %mul3A_174 = arith.constant 5.000000e-02 : f32
      %mul3A_175 = vector.broadcast %mul3A_174 : f32 to vector<16xf32>
      %mul3A_176 = arith.mulf %mul3A_175, %add3A_170 : vector<16xf32>
      %select_n3A_177 = arith.select %gt3A_173, %add3A_170, %mul3A_176 : vector<16xi1>, vector<16xf32>
      %exp3A_178 = math.exp %select_n3A_177 : vector<16xf32>
      %swap3A_179 = arith.index_cast %add3A_163 : i32 to index
      %swap3A_180 = tpu.vector_load %arg13[%swap3A_179] {strides = array<i32>} : memref<10000xf32, #tpu.memory_space<vmem>>, vector<16xf32>,
      tpu.vector_store %arg13[%swap3A_179], %exp3A_178 {strides = array<i32>} : memref<10000xf32, #tpu.memory_space<vmem>>, vector<16xf32>,
      %mul3A_181 = arith.constant 80 : i32
      %mul3A_182 = arith.muli %add3A_159, %mul3A_181 : i32
      %add3A_183 = arith.constant 16 : i32
      %add3A_184 = arith.addi %mul3A_182, %add3A_183 : i32
      %get3A_185 = arith.index_cast %add3A_184 : i32 to index
      %get3A_186 = tpu.vector_load %arg11[%get3A_185] {strides = array<i32>} : memref<10000xi32, #tpu.memory_space<vmem>>, vector<16xi32>,
      %gather3A_187 = tpu.vector_load_idx %arg9[%get3A_186] : memref<10000xf32, #tpu.memory_space<vmem>>[vector<16xi32>], vector<16xf32>,
      %get3A_188 = arith.index_cast %add3A_184 : i32 to index
      %get3A_189 = tpu.vector_load %arg12[%get3A_188] {strides = array<i32>} : memref<10000xi32, #tpu.memory_space<vmem>>, vector<16xi32>,
      %gather3A_190 = tpu.vector_load_idx %arg10[%get3A_189] : memref<10000xf32, #tpu.memory_space<vmem>>[vector<16xi32>], vector<16xf32>,
      %add3A_191 = arith.addf %gather3A_187, %gather3A_190 : vector<16xf32>
      %gt3A_192 = arith.constant 0.000000e+00 : f32
      %gt3A_193 = vector.broadcast %gt3A_192 : f32 to vector<16xf32>
      %gt3A_194 = arith.cmpf ogt, %add3A_191, %gt3A_193 : vector<16xf32>
      %mul3A_195 = arith.constant 5.000000e-02 : f32
      %mul3A_196 = vector.broadcast %mul3A_195 : f32 to vector<16xf32>
      %mul3A_197 = arith.mulf %mul3A_196, %add3A_191 : vector<16xf32>
      %select_n3A_198 = arith.select %gt3A_194, %add3A_191, %mul3A_197 : vector<16xi1>, vector<16xf32>
      %exp3A_199 = math.exp %select_n3A_198 : vector<16xf32>
      %swap3A_200 = arith.index_cast %add3A_184 : i32 to index
      %swap3A_201 = tpu.vector_load %arg13[%swap3A_200] {strides = array<i32>} : memref<10000xf32, #tpu.memory_space<vmem>>, vector<16xf32>,
      tpu.vector_store %arg13[%swap3A_200], %exp3A_199 {strides = array<i32>} : memref<10000xf32, #tpu.memory_space<vmem>>, vector<16xf32>,
      %mul3A_202 = arith.constant 80 : i32
      %mul3A_203 = arith.muli %add3A_159, %mul3A_202 : i32
      %add3A_204 = arith.constant 32 : i32
      %add3A_205 = arith.addi %mul3A_203, %add3A_204 : i32
      %get3A_206 = arith.index_cast %add3A_205 : i32 to index
      %get3A_207 = tpu.vector_load %arg11[%get3A_206] {strides = array<i32>} : memref<10000xi32, #tpu.memory_space<vmem>>, vector<16xi32>,
      %gather3A_208 = tpu.vector_load_idx %arg9[%get3A_207] : memref<10000xf32, #tpu.memory_space<vmem>>[vector<16xi32>], vector<16xf32>,
      %get3A_209 = arith.index_cast %add3A_205 : i32 to index
      %get3A_210 = tpu.vector_load %arg12[%get3A_209] {strides = array<i32>} : memref<10000xi32, #tpu.memory_space<vmem>>, vector<16xi32>,
      %gather3A_211 = tpu.vector_load_idx %arg10[%get3A_210] : memref<10000xf32, #tpu.memory_space<vmem>>[vector<16xi32>], vector<16xf32>,
      %add3A_212 = arith.addf %gather3A_208, %gather3A_211 : vector<16xf32>
      %gt3A_213 = arith.constant 0.000000e+00 : f32
      %gt3A_214 = vector.broadcast %gt3A_213 : f32 to vector<16xf32>
      %gt3A_215 = arith.cmpf ogt, %add3A_212, %gt3A_214 : vector<16xf32>
      %mul3A_216 = arith.constant 5.000000e-02 : f32
      %mul3A_217 = vector.broadcast %mul3A_216 : f32 to vector<16xf32>
      %mul3A_218 = arith.mulf %mul3A_217, %add3A_212 : vector<16xf32>
      %select_n3A_219 = arith.select %gt3A_215, %add3A_212, %mul3A_218 : vector<16xi1>, vector<16xf32>
      %exp3A_220 = math.exp %select_n3A_219 : vector<16xf32>
      %swap3A_221 = arith.index_cast %add3A_205 : i32 to index
      %swap3A_222 = tpu.vector_load %arg13[%swap3A_221] {strides = array<i32>} : memref<10000xf32, #tpu.memory_space<vmem>>, vector<16xf32>,
      tpu.vector_store %arg13[%swap3A_221], %exp3A_220 {strides = array<i32>} : memref<10000xf32, #tpu.memory_space<vmem>>, vector<16xf32>,
      %mul3A_223 = arith.constant 80 : i32
      %mul3A_224 = arith.muli %add3A_159, %mul3A_223 : i32
      %add3A_225 = arith.constant 48 : i32
      %add3A_226 = arith.addi %mul3A_224, %add3A_225 : i32
      %get3A_227 = arith.index_cast %add3A_226 : i32 to index
      %get3A_228 = tpu.vector_load %arg11[%get3A_227] {strides = array<i32>} : memref<10000xi32, #tpu.memory_space<vmem>>, vector<16xi32>,
      %gather3A_229 = tpu.vector_load_idx %arg9[%get3A_228] : memref<10000xf32, #tpu.memory_space<vmem>>[vector<16xi32>], vector<16xf32>,
      %get3A_230 = arith.index_cast %add3A_226 : i32 to index
      %get3A_231 = tpu.vector_load %arg12[%get3A_230] {strides = array<i32>} : memref<10000xi32, #tpu.memory_space<vmem>>, vector<16xi32>,
      %gather3A_232 = tpu.vector_load_idx %arg10[%get3A_231] : memref<10000xf32, #tpu.memory_space<vmem>>[vector<16xi32>], vector<16xf32>,
      %add3A_233 = arith.addf %gather3A_229, %gather3A_232 : vector<16xf32>
      %gt3A_234 = arith.constant 0.000000e+00 : f32
      %gt3A_235 = vector.broadcast %gt3A_234 : f32 to vector<16xf32>
      %gt3A_236 = arith.cmpf ogt, %add3A_233, %gt3A_235 : vector<16xf32>
      %mul3A_237 = arith.constant 5.000000e-02 : f32
      %mul3A_238 = vector.broadcast %mul3A_237 : f32 to vector<16xf32>
      %mul3A_239 = arith.mulf %mul3A_238, %add3A_233 : vector<16xf32>
      %select_n3A_240 = arith.select %gt3A_236, %add3A_233, %mul3A_239 : vector<16xi1>, vector<16xf32>
      %exp3A_241 = math.exp %select_n3A_240 : vector<16xf32>
      %swap3A_242 = arith.index_cast %add3A_226 : i32 to index
      %swap3A_243 = tpu.vector_load %arg13[%swap3A_242] {strides = array<i32>} : memref<10000xf32, #tpu.memory_space<vmem>>, vector<16xf32>,
      tpu.vector_store %arg13[%swap3A_242], %exp3A_241 {strides = array<i32>} : memref<10000xf32, #tpu.memory_space<vmem>>, vector<16xf32>,
      %mul3A_244 = arith.constant 80 : i32
      %mul3A_245 = arith.muli %add3A_159, %mul3A_244 : i32
      %add3A_246 = arith.constant 64 : i32
      %add3A_247 = arith.addi %mul3A_245, %add3A_246 : i32
      %get3A_248 = arith.index_cast %add3A_247 : i32 to index
      %get3A_249 = tpu.vector_load %arg11[%get3A_248] {strides = array<i32>} : memref<10000xi32, #tpu.memory_space<vmem>>, vector<16xi32>,
      %gather3A_250 = tpu.vector_load_idx %arg9[%get3A_249] : memref<10000xf32, #tpu.memory_space<vmem>>[vector<16xi32>], vector<16xf32>,
      %get3A_251 = arith.index_cast %add3A_247 : i32 to index
      %get3A_252 = tpu.vector_load %arg12[%get3A_251] {strides = array<i32>} : memref<10000xi32, #tpu.memory_space<vmem>>, vector<16xi32>,
      %gather3A_253 = tpu.vector_load_idx %arg10[%get3A_252] : memref<10000xf32, #tpu.memory_space<vmem>>[vector<16xi32>], vector<16xf32>,
      %add3A_254 = arith.addf %gather3A_250, %gather3A_253 : vector<16xf32>
      %gt3A_255 = arith.constant 0.000000e+00 : f32
      %gt3A_256 = vector.broadcast %gt3A_255 : f32 to vector<16xf32>
      %gt3A_257 = arith.cmpf ogt, %add3A_254, %gt3A_256 : vector<16xf32>
      %mul3A_258 = arith.constant 5.000000e-02 : f32
      %mul3A_259 = vector.broadcast %mul3A_258 : f32 to vector<16xf32>
      %mul3A_260 = arith.mulf %mul3A_259, %add3A_254 : vector<16xf32>
      %select_n3A_261 = arith.select %gt3A_257, %add3A_254, %mul3A_260 : vector<16xi1>, vector<16xf32>
      %exp3A_262 = math.exp %select_n3A_261 : vector<16xf32>
      %swap3A_263 = arith.index_cast %add3A_247 : i32 to index
      %swap3A_264 = tpu.vector_load %arg13[%swap3A_263] {strides = array<i32>} : memref<10000xf32, #tpu.memory_space<vmem>>, vector<16xf32>,
      tpu.vector_store %arg13[%swap3A_263], %exp3A_262 {strides = array<i32>} : memref<10000xf32, #tpu.memory_space<vmem>>, vector<16xf32>,
      %ge3A = arith.constant 2 : i32
      %ge3A_265 = arith.cmpi sge, %add3A_159, %ge3A : i32
      %convert_element_type3A_266 = arith.extui %ge3A_265 : i1 to i32
      %cond3A_267 = arith.constant 0 : i32
      %cond3A_268 = arith.cmpi ne, %convert_element_type3A_266, %cond3A_267 : i32
      scf.if %cond3A_268 {
        %sub3A = arith.constant 2 : i32
        %sub3A_501 = arith.subi %add3A_159, %sub3A : i32
        %mul3A_502 = arith.constant 80 : i32
        %mul3A_503 = arith.muli %sub3A_501, %mul3A_502 : i32
        %dma_wait3A_504 = arith.constant 0 : i32
        %dma_wait3A_505 = tpu.memref_slice %arg13[%mul3A_503] : memref<10000xf32, #tpu.memory_space<vmem>> -> memref<80xf32, #tpu.memory_space<vmem>>
        %dma_wait3A_506 = arith.constant 0 : i32
        %dma_wait3A_507 = tpu.memref_slice %arg14[%dma_wait3A_504, %dma_wait3A_506] : memref<2x80xi32, #tpu.memory_space<vmem>> -> memref<1x80xi32, #tpu.memory_space<vmem>>
        %dma_wait3A_508 = tpu.memref_squeeze %dma_wait3A_507 : memref<1x80xi32, #tpu.memory_space<vmem>> -> memref<80xi32, #tpu.memory_space<vmem>>
        %dma_wait3A_509 = arith.constant 0 : i32
        %dma_wait3A_510 = tpu.memref_slice %arg17[%dma_wait3A_509] : memref<10000xf32, #tpu.memory_space<vmem_shared>> -> memref<10000xf32, #tpu.memory_space<vmem_shared>>
        tpu.wait_indirect_dma semaphore(%arg15 : memref<!tpu.dma_semaphore, #tpu.memory_space<semaphore_mem>>) src(%dma_wait3A_505 : memref<80xf32, #tpu.memory_space<vmem>>) dst(%dma_wait3A_510 : memref<10000xf32, #tpu.memory_space<vmem_shared>>)
      } else {
      }
      %mul3A_269 = arith.constant 80 : i32
      %mul3A_270 = arith.muli %add3A_159, %mul3A_269 : i32
      %add3A_271 = arith.constant 0 : i32
      %add3A_272 = arith.addi %mul3A_270, %add3A_271 : i32
      %get3A_273 = arith.index_cast %add3A_272 : i32 to index
      %get3A_274 = tpu.vector_load %arg11[%get3A_273] {strides = array<i32>} : memref<10000xi32, #tpu.memory_space<vmem>>, vector<16xi32>,
      %swap3A_275 = arith.constant 0 : i32
      %swap3A_276 = arith.index_cast %swap3A_275 : i32 to index
      %swap3A_277 = arith.constant 0 : index
      %swap3A_278 = tpu.vector_load %arg14[%swap3A_276, %swap3A_277] {strides = array<i32>} : memref<2x80xi32, #tpu.memory_space<vmem>>, vector<16xi32>,
      tpu.vector_store %arg14[%swap3A_276, %swap3A_277], %get3A_274 {strides = array<i32>} : memref<2x80xi32, #tpu.memory_space<vmem>>, vector<16xi32>,
      %mul3A_279 = arith.constant 80 : i32
      %mul3A_280 = arith.muli %add3A_159, %mul3A_279 : i32
      %add3A_281 = arith.constant 16 : i32
      %add3A_282 = arith.addi %mul3A_280, %add3A_281 : i32
      %get3A_283 = arith.index_cast %add3A_282 : i32 to index
      %get3A_284 = tpu.vector_load %arg11[%get3A_283] {strides = array<i32>} : memref<10000xi32, #tpu.memory_space<vmem>>, vector<16xi32>,
      %swap3A_285 = arith.constant 0 : i32
      %swap3A_286 = arith.index_cast %swap3A_285 : i32 to index
      %swap3A_287 = arith.constant 16 : index
      %swap3A_288 = tpu.vector_load %arg14[%swap3A_286, %swap3A_287] {strides = array<i32>} : memref<2x80xi32, #tpu.memory_space<vmem>>, vector<16xi32>,
      tpu.vector_store %arg14[%swap3A_286, %swap3A_287], %get3A_284 {strides = array<i32>} : memref<2x80xi32, #tpu.memory_space<vmem>>, vector<16xi32>,
      %mul3A_289 = arith.constant 80 : i32
      %mul3A_290 = arith.muli %add3A_159, %mul3A_289 : i32
      %add3A_291 = arith.constant 32 : i32
      %add3A_292 = arith.addi %mul3A_290, %add3A_291 : i32
      %get3A_293 = arith.index_cast %add3A_292 : i32 to index
      %get3A_294 = tpu.vector_load %arg11[%get3A_293] {strides = array<i32>} : memref<10000xi32, #tpu.memory_space<vmem>>, vector<16xi32>,
      %swap3A_295 = arith.constant 0 : i32
      %swap3A_296 = arith.index_cast %swap3A_295 : i32 to index
      %swap3A_297 = arith.constant 32 : index
      %swap3A_298 = tpu.vector_load %arg14[%swap3A_296, %swap3A_297] {strides = array<i32>} : memref<2x80xi32, #tpu.memory_space<vmem>>, vector<16xi32>,
      tpu.vector_store %arg14[%swap3A_296, %swap3A_297], %get3A_294 {strides = array<i32>} : memref<2x80xi32, #tpu.memory_space<vmem>>, vector<16xi32>,
      %mul3A_299 = arith.constant 80 : i32
      %mul3A_300 = arith.muli %add3A_159, %mul3A_299 : i32
      %add3A_301 = arith.constant 48 : i32
      %add3A_302 = arith.addi %mul3A_300, %add3A_301 : i32
      %get3A_303 = arith.index_cast %add3A_302 : i32 to index
      %get3A_304 = tpu.vector_load %arg11[%get3A_303] {strides = array<i32>} : memref<10000xi32, #tpu.memory_space<vmem>>, vector<16xi32>,
      %swap3A_305 = arith.constant 0 : i32
      %swap3A_306 = arith.index_cast %swap3A_305 : i32 to index
      %swap3A_307 = arith.constant 48 : index
      %swap3A_308 = tpu.vector_load %arg14[%swap3A_306, %swap3A_307] {strides = array<i32>} : memref<2x80xi32, #tpu.memory_space<vmem>>, vector<16xi32>,
      tpu.vector_store %arg14[%swap3A_306, %swap3A_307], %get3A_304 {strides = array<i32>} : memref<2x80xi32, #tpu.memory_space<vmem>>, vector<16xi32>,
      %mul3A_309 = arith.constant 80 : i32
      %mul3A_310 = arith.muli %add3A_159, %mul3A_309 : i32
      %add3A_311 = arith.constant 64 : i32
      %add3A_312 = arith.addi %mul3A_310, %add3A_311 : i32
      %get3A_313 = arith.index_cast %add3A_312 : i32 to index
      %get3A_314 = tpu.vector_load %arg11[%get3A_313] {strides = array<i32>} : memref<10000xi32, #tpu.memory_space<vmem>>, vector<16xi32>,
      %swap3A_315 = arith.constant 0 : i32
      %swap3A_316 = arith.index_cast %swap3A_315 : i32 to index
      %swap3A_317 = arith.constant 64 : index
      %swap3A_318 = tpu.vector_load %arg14[%swap3A_316, %swap3A_317] {strides = array<i32>} : memref<2x80xi32, #tpu.memory_space<vmem>>, vector<16xi32>,
      tpu.vector_store %arg14[%swap3A_316, %swap3A_317], %get3A_314 {strides = array<i32>} : memref<2x80xi32, #tpu.memory_space<vmem>>, vector<16xi32>,
      %mul3A_319 = arith.constant 80 : i32
      %mul3A_320 = arith.muli %add3A_159, %mul3A_319 : i32
      %dma_start3A_321 = arith.constant 0 : i32
      %dma_start3A_322 = tpu.memref_slice %arg13[%mul3A_320] : memref<10000xf32, #tpu.memory_space<vmem>> -> memref<80xf32, #tpu.memory_space<vmem>>
      %dma_start3A_323 = arith.constant 0 : i32
      %dma_start3A_324 = tpu.memref_slice %arg14[%dma_start3A_321, %dma_start3A_323] : memref<2x80xi32, #tpu.memory_space<vmem>> -> memref<1x80xi32, #tpu.memory_space<vmem>>
      %dma_start3A_325 = tpu.memref_squeeze %dma_start3A_324 : memref<1x80xi32, #tpu.memory_space<vmem>> -> memref<80xi32, #tpu.memory_space<vmem>>
      %dma_start3A_326 = arith.constant 0 : i32
      %dma_start3A_327 = tpu.memref_slice %arg17[%dma_start3A_326] : memref<10000xf32, #tpu.memory_space<vmem_shared>> -> memref<10000xf32, #tpu.memory_space<vmem_shared>>
      tpu.enqueue_indirect_dma source(%dma_start3A_322 : memref<80xf32, #tpu.memory_space<vmem>>) target(%dma_start3A_327 : memref<10000xf32, #tpu.memory_space<vmem_shared>>) offsets(%dma_start3A_325 : memref<80xi32, #tpu.memory_space<vmem>>) semaphore(%arg15 : memref<!tpu.dma_semaphore, #tpu.memory_space<semaphore_mem>>) {add = true}
      %mul3A_328 = arith.constant 2 : i32
      %mul3A_329 = arith.muli %mul3A_328, %scan3A_155 : i32
      %add3A_330 = arith.constant 1 : i32
      %add3A_331 = arith.addi %mul3A_329, %add3A_330 : i32
      %mul3A_332 = arith.constant 80 : i32
      %mul3A_333 = arith.muli %add3A_331, %mul3A_332 : i32
      %add3A_334 = arith.constant 0 : i32
      %add3A_335 = arith.addi %mul3A_333, %add3A_334 : i32
      %get3A_336 = arith.index_cast %add3A_335 : i32 to index
      %get3A_337 = tpu.vector_load %arg11[%get3A_336] {strides = array<i32>} : memref<10000xi32, #tpu.memory_space<vmem>>, vector<16xi32>,
      %gather3A_338 = tpu.vector_load_idx %arg9[%get3A_337] : memref<10000xf32, #tpu.memory_space<vmem>>[vector<16xi32>], vector<16xf32>,
      %get3A_339 = arith.index_cast %add3A_335 : i32 to index
      %get3A_340 = tpu.vector_load %arg12[%get3A_339] {strides = array<i32>} : memref<10000xi32, #tpu.memory_space<vmem>>, vector<16xi32>,
      %gather3A_341 = tpu.vector_load_idx %arg10[%get3A_340] : memref<10000xf32, #tpu.memory_space<vmem>>[vector<16xi32>], vector<16xf32>,
      %add3A_342 = arith.addf %gather3A_338, %gather3A_341 : vector<16xf32>
      %gt3A_343 = arith.constant 0.000000e+00 : f32
      %gt3A_344 = vector.broadcast %gt3A_343 : f32 to vector<16xf32>
      %gt3A_345 = arith.cmpf ogt, %add3A_342, %gt3A_344 : vector<16xf32>
      %mul3A_346 = arith.constant 5.000000e-02 : f32
      %mul3A_347 = vector.broadcast %mul3A_346 : f32 to vector<16xf32>
      %mul3A_348 = arith.mulf %mul3A_347, %add3A_342 : vector<16xf32>
      %select_n3A_349 = arith.select %gt3A_345, %add3A_342, %mul3A_348 : vector<16xi1>, vector<16xf32>
      %exp3A_350 = math.exp %select_n3A_349 : vector<16xf32>
      %swap3A_351 = arith.index_cast %add3A_335 : i32 to index
      %swap3A_352 = tpu.vector_load %arg13[%swap3A_351] {strides = array<i32>} : memref<10000xf32, #tpu.memory_space<vmem>>, vector<16xf32>,
      tpu.vector_store %arg13[%swap3A_351], %exp3A_350 {strides = array<i32>} : memref<10000xf32, #tpu.memory_space<vmem>>, vector<16xf32>,
      %mul3A_353 = arith.constant 80 : i32
      %mul3A_354 = arith.muli %add3A_331, %mul3A_353 : i32
      %add3A_355 = arith.constant 16 : i32
      %add3A_356 = arith.addi %mul3A_354, %add3A_355 : i32
      %get3A_357 = arith.index_cast %add3A_356 : i32 to index
      %get3A_358 = tpu.vector_load %arg11[%get3A_357] {strides = array<i32>} : memref<10000xi32, #tpu.memory_space<vmem>>, vector<16xi32>,
      %gather3A_359 = tpu.vector_load_idx %arg9[%get3A_358] : memref<10000xf32, #tpu.memory_space<vmem>>[vector<16xi32>], vector<16xf32>,
      %get3A_360 = arith.index_cast %add3A_356 : i32 to index
      %get3A_361 = tpu.vector_load %arg12[%get3A_360] {strides = array<i32>} : memref<10000xi32, #tpu.memory_space<vmem>>, vector<16xi32>,
      %gather3A_362 = tpu.vector_load_idx %arg10[%get3A_361] : memref<10000xf32, #tpu.memory_space<vmem>>[vector<16xi32>], vector<16xf32>,
      %add3A_363 = arith.addf %gather3A_359, %gather3A_362 : vector<16xf32>
      %gt3A_364 = arith.constant 0.000000e+00 : f32
      %gt3A_365 = vector.broadcast %gt3A_364 : f32 to vector<16xf32>
      %gt3A_366 = arith.cmpf ogt, %add3A_363, %gt3A_365 : vector<16xf32>
      %mul3A_367 = arith.constant 5.000000e-02 : f32
      %mul3A_368 = vector.broadcast %mul3A_367 : f32 to vector<16xf32>
      %mul3A_369 = arith.mulf %mul3A_368, %add3A_363 : vector<16xf32>
      %select_n3A_370 = arith.select %gt3A_366, %add3A_363, %mul3A_369 : vector<16xi1>, vector<16xf32>
      %exp3A_371 = math.exp %select_n3A_370 : vector<16xf32>
      %swap3A_372 = arith.index_cast %add3A_356 : i32 to index
      %swap3A_373 = tpu.vector_load %arg13[%swap3A_372] {strides = array<i32>} : memref<10000xf32, #tpu.memory_space<vmem>>, vector<16xf32>,
      tpu.vector_store %arg13[%swap3A_372], %exp3A_371 {strides = array<i32>} : memref<10000xf32, #tpu.memory_space<vmem>>, vector<16xf32>,
      %mul3A_374 = arith.constant 80 : i32
      %mul3A_375 = arith.muli %add3A_331, %mul3A_374 : i32
      %add3A_376 = arith.constant 32 : i32
      %add3A_377 = arith.addi %mul3A_375, %add3A_376 : i32
      %get3A_378 = arith.index_cast %add3A_377 : i32 to index
      %get3A_379 = tpu.vector_load %arg11[%get3A_378] {strides = array<i32>} : memref<10000xi32, #tpu.memory_space<vmem>>, vector<16xi32>,
      %gather3A_380 = tpu.vector_load_idx %arg9[%get3A_379] : memref<10000xf32, #tpu.memory_space<vmem>>[vector<16xi32>], vector<16xf32>,
      %get3A_381 = arith.index_cast %add3A_377 : i32 to index
      %get3A_382 = tpu.vector_load %arg12[%get3A_381] {strides = array<i32>} : memref<10000xi32, #tpu.memory_space<vmem>>, vector<16xi32>,
      %gather3A_383 = tpu.vector_load_idx %arg10[%get3A_382] : memref<10000xf32, #tpu.memory_space<vmem>>[vector<16xi32>], vector<16xf32>,
      %add3A_384 = arith.addf %gather3A_380, %gather3A_383 : vector<16xf32>
      %gt3A_385 = arith.constant 0.000000e+00 : f32
      %gt3A_386 = vector.broadcast %gt3A_385 : f32 to vector<16xf32>
      %gt3A_387 = arith.cmpf ogt, %add3A_384, %gt3A_386 : vector<16xf32>
      %mul3A_388 = arith.constant 5.000000e-02 : f32
      %mul3A_389 = vector.broadcast %mul3A_388 : f32 to vector<16xf32>
      %mul3A_390 = arith.mulf %mul3A_389, %add3A_384 : vector<16xf32>
      %select_n3A_391 = arith.select %gt3A_387, %add3A_384, %mul3A_390 : vector<16xi1>, vector<16xf32>
      %exp3A_392 = math.exp %select_n3A_391 : vector<16xf32>
      %swap3A_393 = arith.index_cast %add3A_377 : i32 to index
      %swap3A_394 = tpu.vector_load %arg13[%swap3A_393] {strides = array<i32>} : memref<10000xf32, #tpu.memory_space<vmem>>, vector<16xf32>,
      tpu.vector_store %arg13[%swap3A_393], %exp3A_392 {strides = array<i32>} : memref<10000xf32, #tpu.memory_space<vmem>>, vector<16xf32>,
      %mul3A_395 = arith.constant 80 : i32
      %mul3A_396 = arith.muli %add3A_331, %mul3A_395 : i32
      %add3A_397 = arith.constant 48 : i32
      %add3A_398 = arith.addi %mul3A_396, %add3A_397 : i32
      %get3A_399 = arith.index_cast %add3A_398 : i32 to index
      %get3A_400 = tpu.vector_load %arg11[%get3A_399] {strides = array<i32>} : memref<10000xi32, #tpu.memory_space<vmem>>, vector<16xi32>,
      %gather3A_401 = tpu.vector_load_idx %arg9[%get3A_400] : memref<10000xf32, #tpu.memory_space<vmem>>[vector<16xi32>], vector<16xf32>,
      %get3A_402 = arith.index_cast %add3A_398 : i32 to index
      %get3A_403 = tpu.vector_load %arg12[%get3A_402] {strides = array<i32>} : memref<10000xi32, #tpu.memory_space<vmem>>, vector<16xi32>,
      %gather3A_404 = tpu.vector_load_idx %arg10[%get3A_403] : memref<10000xf32, #tpu.memory_space<vmem>>[vector<16xi32>], vector<16xf32>,
      %add3A_405 = arith.addf %gather3A_401, %gather3A_404 : vector<16xf32>
      %gt3A_406 = arith.constant 0.000000e+00 : f32
      %gt3A_407 = vector.broadcast %gt3A_406 : f32 to vector<16xf32>
      %gt3A_408 = arith.cmpf ogt, %add3A_405, %gt3A_407 : vector<16xf32>
      %mul3A_409 = arith.constant 5.000000e-02 : f32
      %mul3A_410 = vector.broadcast %mul3A_409 : f32 to vector<16xf32>
      %mul3A_411 = arith.mulf %mul3A_410, %add3A_405 : vector<16xf32>
      %select_n3A_412 = arith.select %gt3A_408, %add3A_405, %mul3A_411 : vector<16xi1>, vector<16xf32>
      %exp3A_413 = math.exp %select_n3A_412 : vector<16xf32>
      %swap3A_414 = arith.index_cast %add3A_398 : i32 to index
      %swap3A_415 = tpu.vector_load %arg13[%swap3A_414] {strides = array<i32>} : memref<10000xf32, #tpu.memory_space<vmem>>, vector<16xf32>,
      tpu.vector_store %arg13[%swap3A_414], %exp3A_413 {strides = array<i32>} : memref<10000xf32, #tpu.memory_space<vmem>>, vector<16xf32>,
      %mul3A_416 = arith.constant 80 : i32
      %mul3A_417 = arith.muli %add3A_331, %mul3A_416 : i32
      %add3A_418 = arith.constant 64 : i32
      %add3A_419 = arith.addi %mul3A_417, %add3A_418 : i32
      %get3A_420 = arith.index_cast %add3A_419 : i32 to index
      %get3A_421 = tpu.vector_load %arg11[%get3A_420] {strides = array<i32>} : memref<10000xi32, #tpu.memory_space<vmem>>, vector<16xi32>,
      %gather3A_422 = tpu.vector_load_idx %arg9[%get3A_421] : memref<10000xf32, #tpu.memory_space<vmem>>[vector<16xi32>], vector<16xf32>,
      %get3A_423 = arith.index_cast %add3A_419 : i32 to index
      %get3A_424 = tpu.vector_load %arg12[%get3A_423] {strides = array<i32>} : memref<10000xi32, #tpu.memory_space<vmem>>, vector<16xi32>,
      %gather3A_425 = tpu.vector_load_idx %arg10[%get3A_424] : memref<10000xf32, #tpu.memory_space<vmem>>[vector<16xi32>], vector<16xf32>,
      %add3A_426 = arith.addf %gather3A_422, %gather3A_425 : vector<16xf32>
      %gt3A_427 = arith.constant 0.000000e+00 : f32
      %gt3A_428 = vector.broadcast %gt3A_427 : f32 to vector<16xf32>
      %gt3A_429 = arith.cmpf ogt, %add3A_426, %gt3A_428 : vector<16xf32>
      %mul3A_430 = arith.constant 5.000000e-02 : f32
      %mul3A_431 = vector.broadcast %mul3A_430 : f32 to vector<16xf32>
      %mul3A_432 = arith.mulf %mul3A_431, %add3A_426 : vector<16xf32>
      %select_n3A_433 = arith.select %gt3A_429, %add3A_426, %mul3A_432 : vector<16xi1>, vector<16xf32>
      %exp3A_434 = math.exp %select_n3A_433 : vector<16xf32>
      %swap3A_435 = arith.index_cast %add3A_419 : i32 to index
      %swap3A_436 = tpu.vector_load %arg13[%swap3A_435] {strides = array<i32>} : memref<10000xf32, #tpu.memory_space<vmem>>, vector<16xf32>,
      tpu.vector_store %arg13[%swap3A_435], %exp3A_434 {strides = array<i32>} : memref<10000xf32, #tpu.memory_space<vmem>>, vector<16xf32>,
      %ge3A_437 = arith.constant 2 : i32
      %ge3A_438 = arith.cmpi sge, %add3A_331, %ge3A_437 : i32
      %convert_element_type3A_439 = arith.extui %ge3A_438 : i1 to i32
      %cond3A_440 = arith.constant 0 : i32
      %cond3A_441 = arith.cmpi ne, %convert_element_type3A_439, %cond3A_440 : i32
      scf.if %cond3A_441 {
        %sub3A = arith.constant 2 : i32
        %sub3A_501 = arith.subi %add3A_331, %sub3A : i32
        %mul3A_502 = arith.constant 80 : i32
        %mul3A_503 = arith.muli %sub3A_501, %mul3A_502 : i32
        %dma_wait3A_504 = arith.constant 1 : i32
        %dma_wait3A_505 = tpu.memref_slice %arg13[%mul3A_503] : memref<10000xf32, #tpu.memory_space<vmem>> -> memref<80xf32, #tpu.memory_space<vmem>>
        %dma_wait3A_506 = arith.constant 0 : i32
        %dma_wait3A_507 = tpu.memref_slice %arg14[%dma_wait3A_504, %dma_wait3A_506] : memref<2x80xi32, #tpu.memory_space<vmem>> -> memref<1x80xi32, #tpu.memory_space<vmem>>
        %dma_wait3A_508 = tpu.memref_squeeze %dma_wait3A_507 : memref<1x80xi32, #tpu.memory_space<vmem>> -> memref<80xi32, #tpu.memory_space<vmem>>
        %dma_wait3A_509 = arith.constant 0 : i32
        %dma_wait3A_510 = tpu.memref_slice %arg17[%dma_wait3A_509] : memref<10000xf32, #tpu.memory_space<vmem_shared>> -> memref<10000xf32, #tpu.memory_space<vmem_shared>>
        tpu.wait_indirect_dma semaphore(%arg16 : memref<!tpu.dma_semaphore, #tpu.memory_space<semaphore_mem>>) src(%dma_wait3A_505 : memref<80xf32, #tpu.memory_space<vmem>>) dst(%dma_wait3A_510 : memref<10000xf32, #tpu.memory_space<vmem_shared>>)
      } else {
      }
      %mul3A_442 = arith.constant 80 : i32
      %mul3A_443 = arith.muli %add3A_331, %mul3A_442 : i32
      %add3A_444 = arith.constant 0 : i32
      %add3A_445 = arith.addi %mul3A_443, %add3A_444 : i32
      %get3A_446 = arith.index_cast %add3A_445 : i32 to index
      %get3A_447 = tpu.vector_load %arg11[%get3A_446] {strides = array<i32>} : memref<10000xi32, #tpu.memory_space<vmem>>, vector<16xi32>,
      %swap3A_448 = arith.constant 1 : i32
      %swap3A_449 = arith.index_cast %swap3A_448 : i32 to index
      %swap3A_450 = arith.constant 0 : index
      %swap3A_451 = tpu.vector_load %arg14[%swap3A_449, %swap3A_450] {strides = array<i32>} : memref<2x80xi32, #tpu.memory_space<vmem>>, vector<16xi32>,
      tpu.vector_store %arg14[%swap3A_449, %swap3A_450], %get3A_447 {strides = array<i32>} : memref<2x80xi32, #tpu.memory_space<vmem>>, vector<16xi32>,
      %mul3A_452 = arith.constant 80 : i32
      %mul3A_453 = arith.muli %add3A_331, %mul3A_452 : i32
      %add3A_454 = arith.constant 16 : i32
      %add3A_455 = arith.addi %mul3A_453, %add3A_454 : i32
      %get3A_456 = arith.index_cast %add3A_455 : i32 to index
      %get3A_457 = tpu.vector_load %arg11[%get3A_456] {strides = array<i32>} : memref<10000xi32, #tpu.memory_space<vmem>>, vector<16xi32>,
      %swap3A_458 = arith.constant 1 : i32
      %swap3A_459 = arith.index_cast %swap3A_458 : i32 to index
      %swap3A_460 = arith.constant 16 : index
      %swap3A_461 = tpu.vector_load %arg14[%swap3A_459, %swap3A_460] {strides = array<i32>} : memref<2x80xi32, #tpu.memory_space<vmem>>, vector<16xi32>,
      tpu.vector_store %arg14[%swap3A_459, %swap3A_460], %get3A_457 {strides = array<i32>} : memref<2x80xi32, #tpu.memory_space<vmem>>, vector<16xi32>,
      %mul3A_462 = arith.constant 80 : i32
      %mul3A_463 = arith.muli %add3A_331, %mul3A_462 : i32
      %add3A_464 = arith.constant 32 : i32
      %add3A_465 = arith.addi %mul3A_463, %add3A_464 : i32
      %get3A_466 = arith.index_cast %add3A_465 : i32 to index
      %get3A_467 = tpu.vector_load %arg11[%get3A_466] {strides = array<i32>} : memref<10000xi32, #tpu.memory_space<vmem>>, vector<16xi32>,
      %swap3A_468 = arith.constant 1 : i32
      %swap3A_469 = arith.index_cast %swap3A_468 : i32 to index
      %swap3A_470 = arith.constant 32 : index
      %swap3A_471 = tpu.vector_load %arg14[%swap3A_469, %swap3A_470] {strides = array<i32>} : memref<2x80xi32, #tpu.memory_space<vmem>>, vector<16xi32>,
      tpu.vector_store %arg14[%swap3A_469, %swap3A_470], %get3A_467 {strides = array<i32>} : memref<2x80xi32, #tpu.memory_space<vmem>>, vector<16xi32>,
      %mul3A_472 = arith.constant 80 : i32
      %mul3A_473 = arith.muli %add3A_331, %mul3A_472 : i32
      %add3A_474 = arith.constant 48 : i32
      %add3A_475 = arith.addi %mul3A_473, %add3A_474 : i32
      %get3A_476 = arith.index_cast %add3A_475 : i32 to index
      %get3A_477 = tpu.vector_load %arg11[%get3A_476] {strides = array<i32>} : memref<10000xi32, #tpu.memory_space<vmem>>, vector<16xi32>,
      %swap3A_478 = arith.constant 1 : i32
      %swap3A_479 = arith.index_cast %swap3A_478 : i32 to index
      %swap3A_480 = arith.constant 48 : index
      %swap3A_481 = tpu.vector_load %arg14[%swap3A_479, %swap3A_480] {strides = array<i32>} : memref<2x80xi32, #tpu.memory_space<vmem>>, vector<16xi32>,
      tpu.vector_store %arg14[%swap3A_479, %swap3A_480], %get3A_477 {strides = array<i32>} : memref<2x80xi32, #tpu.memory_space<vmem>>, vector<16xi32>,
      %mul3A_482 = arith.constant 80 : i32
      %mul3A_483 = arith.muli %add3A_331, %mul3A_482 : i32
      %add3A_484 = arith.constant 64 : i32
      %add3A_485 = arith.addi %mul3A_483, %add3A_484 : i32
      %get3A_486 = arith.index_cast %add3A_485 : i32 to index
      %get3A_487 = tpu.vector_load %arg11[%get3A_486] {strides = array<i32>} : memref<10000xi32, #tpu.memory_space<vmem>>, vector<16xi32>,
      %swap3A_488 = arith.constant 1 : i32
      %swap3A_489 = arith.index_cast %swap3A_488 : i32 to index
      %swap3A_490 = arith.constant 64 : index
      %swap3A_491 = tpu.vector_load %arg14[%swap3A_489, %swap3A_490] {strides = array<i32>} : memref<2x80xi32, #tpu.memory_space<vmem>>, vector<16xi32>,
      tpu.vector_store %arg14[%swap3A_489, %swap3A_490], %get3A_487 {strides = array<i32>} : memref<2x80xi32, #tpu.memory_space<vmem>>, vector<16xi32>,
      %mul3A_492 = arith.constant 80 : i32
      %mul3A_493 = arith.muli %add3A_331, %mul3A_492 : i32
      %dma_start3A_494 = arith.constant 1 : i32
      %dma_start3A_495 = tpu.memref_slice %arg13[%mul3A_493] : memref<10000xf32, #tpu.memory_space<vmem>> -> memref<80xf32, #tpu.memory_space<vmem>>
      %dma_start3A_496 = arith.constant 0 : i32
      %dma_start3A_497 = tpu.memref_slice %arg14[%dma_start3A_494, %dma_start3A_496] : memref<2x80xi32, #tpu.memory_space<vmem>> -> memref<1x80xi32, #tpu.memory_space<vmem>>
      %dma_start3A_498 = tpu.memref_squeeze %dma_start3A_497 : memref<1x80xi32, #tpu.memory_space<vmem>> -> memref<80xi32, #tpu.memory_space<vmem>>
      %dma_start3A_499 = arith.constant 0 : i32
      %dma_start3A_500 = tpu.memref_slice %arg17[%dma_start3A_499] : memref<10000xf32, #tpu.memory_space<vmem_shared>> -> memref<10000xf32, #tpu.memory_space<vmem_shared>>
      tpu.enqueue_indirect_dma source(%dma_start3A_495 : memref<80xf32, #tpu.memory_space<vmem>>) target(%dma_start3A_500 : memref<10000xf32, #tpu.memory_space<vmem_shared>>) offsets(%dma_start3A_498 : memref<80xi32, #tpu.memory_space<vmem>>) semaphore(%arg16 : memref<!tpu.dma_semaphore, #tpu.memory_space<semaphore_mem>>) {add = true}
    }
    %scan3A_9 = arith.constant 62 : i32
    %get3A = arith.constant 9920 : index
    %get3A_10 = tpu.vector_load %arg11[%get3A] {strides = array<i32>} : memref<10000xi32, #tpu.memory_space<vmem>>, vector<16xi32>,
    %gather3A = tpu.vector_load_idx %arg9[%get3A_10] : memref<10000xf32, #tpu.memory_space<vmem>>[vector<16xi32>], vector<16xf32>,
    %get3A_11 = arith.constant 9920 : index
    %get3A_12 = tpu.vector_load %arg12[%get3A_11] {strides = array<i32>} : memref<10000xi32, #tpu.memory_space<vmem>>, vector<16xi32>,
    %gather3A_13 = tpu.vector_load_idx %arg10[%get3A_12] : memref<10000xf32, #tpu.memory_space<vmem>>[vector<16xi32>], vector<16xf32>,
    %add3A_14 = arith.addf %gather3A, %gather3A_13 : vector<16xf32>
    %gt3A = arith.constant 0.000000e+00 : f32
    %gt3A_15 = vector.broadcast %gt3A : f32 to vector<16xf32>
    %gt3A_16 = arith.cmpf ogt, %add3A_14, %gt3A_15 : vector<16xf32>
    %mul3A_17 = arith.constant 5.000000e-02 : f32
    %mul3A_18 = vector.broadcast %mul3A_17 : f32 to vector<16xf32>
    %mul3A_19 = arith.mulf %mul3A_18, %add3A_14 : vector<16xf32>
    %select_n3A = arith.select %gt3A_16, %add3A_14, %mul3A_19 : vector<16xi1>, vector<16xf32>
    %exp3A = math.exp %select_n3A : vector<16xf32>
    %swap3A = arith.constant 9920 : index
    %swap3A_20 = tpu.vector_load %arg13[%swap3A] {strides = array<i32>} : memref<10000xf32, #tpu.memory_space<vmem>>, vector<16xf32>,
    tpu.vector_store %arg13[%swap3A], %exp3A {strides = array<i32>} : memref<10000xf32, #tpu.memory_space<vmem>>, vector<16xf32>,
    %get3A_21 = arith.constant 9936 : index
    %get3A_22 = tpu.vector_load %arg11[%get3A_21] {strides = array<i32>} : memref<10000xi32, #tpu.memory_space<vmem>>, vector<16xi32>,
    %gather3A_23 = tpu.vector_load_idx %arg9[%get3A_22] : memref<10000xf32, #tpu.memory_space<vmem>>[vector<16xi32>], vector<16xf32>,
    %get3A_24 = arith.constant 9936 : index
    %get3A_25 = tpu.vector_load %arg12[%get3A_24] {strides = array<i32>} : memref<10000xi32, #tpu.memory_space<vmem>>, vector<16xi32>,
    %gather3A_26 = tpu.vector_load_idx %arg10[%get3A_25] : memref<10000xf32, #tpu.memory_space<vmem>>[vector<16xi32>], vector<16xf32>,
    %add3A_27 = arith.addf %gather3A_23, %gather3A_26 : vector<16xf32>
    %gt3A_28 = arith.constant 0.000000e+00 : f32
    %gt3A_29 = vector.broadcast %gt3A_28 : f32 to vector<16xf32>
    %gt3A_30 = arith.cmpf ogt, %add3A_27, %gt3A_29 : vector<16xf32>
    %mul3A_31 = arith.constant 5.000000e-02 : f32
    %mul3A_32 = vector.broadcast %mul3A_31 : f32 to vector<16xf32>
    %mul3A_33 = arith.mulf %mul3A_32, %add3A_27 : vector<16xf32>
    %select_n3A_34 = arith.select %gt3A_30, %add3A_27, %mul3A_33 : vector<16xi1>, vector<16xf32>
    %exp3A_35 = math.exp %select_n3A_34 : vector<16xf32>
    %swap3A_36 = arith.constant 9936 : index
    %swap3A_37 = tpu.vector_load %arg13[%swap3A_36] {strides = array<i32>} : memref<10000xf32, #tpu.memory_space<vmem>>, vector<16xf32>,
    tpu.vector_store %arg13[%swap3A_36], %exp3A_35 {strides = array<i32>} : memref<10000xf32, #tpu.memory_space<vmem>>, vector<16xf32>,
    %get3A_38 = arith.constant 9952 : index
    %get3A_39 = tpu.vector_load %arg11[%get3A_38] {strides = array<i32>} : memref<10000xi32, #tpu.memory_space<vmem>>, vector<16xi32>,
    %gather3A_40 = tpu.vector_load_idx %arg9[%get3A_39] : memref<10000xf32, #tpu.memory_space<vmem>>[vector<16xi32>], vector<16xf32>,
    %get3A_41 = arith.constant 9952 : index
    %get3A_42 = tpu.vector_load %arg12[%get3A_41] {strides = array<i32>} : memref<10000xi32, #tpu.memory_space<vmem>>, vector<16xi32>,
    %gather3A_43 = tpu.vector_load_idx %arg10[%get3A_42] : memref<10000xf32, #tpu.memory_space<vmem>>[vector<16xi32>], vector<16xf32>,
    %add3A_44 = arith.addf %gather3A_40, %gather3A_43 : vector<16xf32>
    %gt3A_45 = arith.constant 0.000000e+00 : f32
    %gt3A_46 = vector.broadcast %gt3A_45 : f32 to vector<16xf32>
    %gt3A_47 = arith.cmpf ogt, %add3A_44, %gt3A_46 : vector<16xf32>
    %mul3A_48 = arith.constant 5.000000e-02 : f32
    %mul3A_49 = vector.broadcast %mul3A_48 : f32 to vector<16xf32>
    %mul3A_50 = arith.mulf %mul3A_49, %add3A_44 : vector<16xf32>
    %select_n3A_51 = arith.select %gt3A_47, %add3A_44, %mul3A_50 : vector<16xi1>, vector<16xf32>
    %exp3A_52 = math.exp %select_n3A_51 : vector<16xf32>
    %swap3A_53 = arith.constant 9952 : index
    %swap3A_54 = tpu.vector_load %arg13[%swap3A_53] {strides = array<i32>} : memref<10000xf32, #tpu.memory_space<vmem>>, vector<16xf32>,
    tpu.vector_store %arg13[%swap3A_53], %exp3A_52 {strides = array<i32>} : memref<10000xf32, #tpu.memory_space<vmem>>, vector<16xf32>,
    %get3A_55 = arith.constant 9968 : index
    %get3A_56 = tpu.vector_load %arg11[%get3A_55] {strides = array<i32>} : memref<10000xi32, #tpu.memory_space<vmem>>, vector<16xi32>,
    %gather3A_57 = tpu.vector_load_idx %arg9[%get3A_56] : memref<10000xf32, #tpu.memory_space<vmem>>[vector<16xi32>], vector<16xf32>,
    %get3A_58 = arith.constant 9968 : index
    %get3A_59 = tpu.vector_load %arg12[%get3A_58] {strides = array<i32>} : memref<10000xi32, #tpu.memory_space<vmem>>, vector<16xi32>,
    %gather3A_60 = tpu.vector_load_idx %arg10[%get3A_59] : memref<10000xf32, #tpu.memory_space<vmem>>[vector<16xi32>], vector<16xf32>,
    %add3A_61 = arith.addf %gather3A_57, %gather3A_60 : vector<16xf32>
    %gt3A_62 = arith.constant 0.000000e+00 : f32
    %gt3A_63 = vector.broadcast %gt3A_62 : f32 to vector<16xf32>
    %gt3A_64 = arith.cmpf ogt, %add3A_61, %gt3A_63 : vector<16xf32>
    %mul3A_65 = arith.constant 5.000000e-02 : f32
    %mul3A_66 = vector.broadcast %mul3A_65 : f32 to vector<16xf32>
    %mul3A_67 = arith.mulf %mul3A_66, %add3A_61 : vector<16xf32>
    %select_n3A_68 = arith.select %gt3A_64, %add3A_61, %mul3A_67 : vector<16xi1>, vector<16xf32>
    %exp3A_69 = math.exp %select_n3A_68 : vector<16xf32>
    %swap3A_70 = arith.constant 9968 : index
    %swap3A_71 = tpu.vector_load %arg13[%swap3A_70] {strides = array<i32>} : memref<10000xf32, #tpu.memory_space<vmem>>, vector<16xf32>,
    tpu.vector_store %arg13[%swap3A_70], %exp3A_69 {strides = array<i32>} : memref<10000xf32, #tpu.memory_space<vmem>>, vector<16xf32>,
    %get3A_72 = arith.constant 9984 : index
    %get3A_73 = tpu.vector_load %arg11[%get3A_72] {strides = array<i32>} : memref<10000xi32, #tpu.memory_space<vmem>>, vector<16xi32>,
    %gather3A_74 = tpu.vector_load_idx %arg9[%get3A_73] : memref<10000xf32, #tpu.memory_space<vmem>>[vector<16xi32>], vector<16xf32>,
    %get3A_75 = arith.constant 9984 : index
    %get3A_76 = tpu.vector_load %arg12[%get3A_75] {strides = array<i32>} : memref<10000xi32, #tpu.memory_space<vmem>>, vector<16xi32>,
    %gather3A_77 = tpu.vector_load_idx %arg10[%get3A_76] : memref<10000xf32, #tpu.memory_space<vmem>>[vector<16xi32>], vector<16xf32>,
    %add3A_78 = arith.addf %gather3A_74, %gather3A_77 : vector<16xf32>
    %gt3A_79 = arith.constant 0.000000e+00 : f32
    %gt3A_80 = vector.broadcast %gt3A_79 : f32 to vector<16xf32>
    %gt3A_81 = arith.cmpf ogt, %add3A_78, %gt3A_80 : vector<16xf32>
    %mul3A_82 = arith.constant 5.000000e-02 : f32
    %mul3A_83 = vector.broadcast %mul3A_82 : f32 to vector<16xf32>
    %mul3A_84 = arith.mulf %mul3A_83, %add3A_78 : vector<16xf32>
    %select_n3A_85 = arith.select %gt3A_81, %add3A_78, %mul3A_84 : vector<16xi1>, vector<16xf32>
    %exp3A_86 = math.exp %select_n3A_85 : vector<16xf32>
    %swap3A_87 = arith.constant 9984 : index
    %swap3A_88 = tpu.vector_load %arg13[%swap3A_87] {strides = array<i32>} : memref<10000xf32, #tpu.memory_space<vmem>>, vector<16xf32>,
    tpu.vector_store %arg13[%swap3A_87], %exp3A_86 {strides = array<i32>} : memref<10000xf32, #tpu.memory_space<vmem>>, vector<16xf32>,
    %dma_wait3A = arith.constant 0 : i32
    %dma_wait3A_89 = arith.constant 9760 : i32
    %dma_wait3A_90 = tpu.memref_slice %arg13[%dma_wait3A_89] : memref<10000xf32, #tpu.memory_space<vmem>> -> memref<80xf32, #tpu.memory_space<vmem>>
    %dma_wait3A_91 = arith.constant 0 : i32
    %dma_wait3A_92 = tpu.memref_slice %arg14[%dma_wait3A, %dma_wait3A_91] : memref<2x80xi32, #tpu.memory_space<vmem>> -> memref<1x80xi32, #tpu.memory_space<vmem>>
    %dma_wait3A_93 = tpu.memref_squeeze %dma_wait3A_92 : memref<1x80xi32, #tpu.memory_space<vmem>> -> memref<80xi32, #tpu.memory_space<vmem>>
    %dma_wait3A_94 = arith.constant 0 : i32
    %dma_wait3A_95 = tpu.memref_slice %arg17[%dma_wait3A_94] : memref<10000xf32, #tpu.memory_space<vmem_shared>> -> memref<10000xf32, #tpu.memory_space<vmem_shared>>
    tpu.wait_indirect_dma semaphore(%arg15 : memref<!tpu.dma_semaphore, #tpu.memory_space<semaphore_mem>>) src(%dma_wait3A_90 : memref<80xf32, #tpu.memory_space<vmem>>) dst(%dma_wait3A_95 : memref<10000xf32, #tpu.memory_space<vmem_shared>>)
    %get3A_96 = arith.constant 9920 : index
    %get3A_97 = tpu.vector_load %arg11[%get3A_96] {strides = array<i32>} : memref<10000xi32, #tpu.memory_space<vmem>>, vector<16xi32>,
    %swap3A_98 = arith.constant 0 : i32
    %swap3A_99 = arith.index_cast %swap3A_98 : i32 to index
    %swap3A_100 = arith.constant 0 : index
    %swap3A_101 = tpu.vector_load %arg14[%swap3A_99, %swap3A_100] {strides = array<i32>} : memref<2x80xi32, #tpu.memory_space<vmem>>, vector<16xi32>,
    tpu.vector_store %arg14[%swap3A_99, %swap3A_100], %get3A_97 {strides = array<i32>} : memref<2x80xi32, #tpu.memory_space<vmem>>, vector<16xi32>,
    %get3A_102 = arith.constant 9936 : index
    %get3A_103 = tpu.vector_load %arg11[%get3A_102] {strides = array<i32>} : memref<10000xi32, #tpu.memory_space<vmem>>, vector<16xi32>,
    %swap3A_104 = arith.constant 0 : i32
    %swap3A_105 = arith.index_cast %swap3A_104 : i32 to index
    %swap3A_106 = arith.constant 16 : index
    %swap3A_107 = tpu.vector_load %arg14[%swap3A_105, %swap3A_106] {strides = array<i32>} : memref<2x80xi32, #tpu.memory_space<vmem>>, vector<16xi32>,
    tpu.vector_store %arg14[%swap3A_105, %swap3A_106], %get3A_103 {strides = array<i32>} : memref<2x80xi32, #tpu.memory_space<vmem>>, vector<16xi32>,
    %get3A_108 = arith.constant 9952 : index
    %get3A_109 = tpu.vector_load %arg11[%get3A_108] {strides = array<i32>} : memref<10000xi32, #tpu.memory_space<vmem>>, vector<16xi32>,
    %swap3A_110 = arith.constant 0 : i32
    %swap3A_111 = arith.index_cast %swap3A_110 : i32 to index
    %swap3A_112 = arith.constant 32 : index
    %swap3A_113 = tpu.vector_load %arg14[%swap3A_111, %swap3A_112] {strides = array<i32>} : memref<2x80xi32, #tpu.memory_space<vmem>>, vector<16xi32>,
    tpu.vector_store %arg14[%swap3A_111, %swap3A_112], %get3A_109 {strides = array<i32>} : memref<2x80xi32, #tpu.memory_space<vmem>>, vector<16xi32>,
    %get3A_114 = arith.constant 9968 : index
    %get3A_115 = tpu.vector_load %arg11[%get3A_114] {strides = array<i32>} : memref<10000xi32, #tpu.memory_space<vmem>>, vector<16xi32>,
    %swap3A_116 = arith.constant 0 : i32
    %swap3A_117 = arith.index_cast %swap3A_116 : i32 to index
    %swap3A_118 = arith.constant 48 : index
    %swap3A_119 = tpu.vector_load %arg14[%swap3A_117, %swap3A_118] {strides = array<i32>} : memref<2x80xi32, #tpu.memory_space<vmem>>, vector<16xi32>,
    tpu.vector_store %arg14[%swap3A_117, %swap3A_118], %get3A_115 {strides = array<i32>} : memref<2x80xi32, #tpu.memory_space<vmem>>, vector<16xi32>,
    %get3A_120 = arith.constant 9984 : index
    %get3A_121 = tpu.vector_load %arg11[%get3A_120] {strides = array<i32>} : memref<10000xi32, #tpu.memory_space<vmem>>, vector<16xi32>,
    %swap3A_122 = arith.constant 0 : i32
    %swap3A_123 = arith.index_cast %swap3A_122 : i32 to index
    %swap3A_124 = arith.constant 64 : index
    %swap3A_125 = tpu.vector_load %arg14[%swap3A_123, %swap3A_124] {strides = array<i32>} : memref<2x80xi32, #tpu.memory_space<vmem>>, vector<16xi32>,
    tpu.vector_store %arg14[%swap3A_123, %swap3A_124], %get3A_121 {strides = array<i32>} : memref<2x80xi32, #tpu.memory_space<vmem>>, vector<16xi32>,
    %dma_start3A = arith.constant 0 : i32
    %dma_start3A_126 = arith.constant 9920 : i32
    %dma_start3A_127 = tpu.memref_slice %arg13[%dma_start3A_126] : memref<10000xf32, #tpu.memory_space<vmem>> -> memref<80xf32, #tpu.memory_space<vmem>>
    %dma_start3A_128 = arith.constant 0 : i32
    %dma_start3A_129 = tpu.memref_slice %arg14[%dma_start3A, %dma_start3A_128] : memref<2x80xi32, #tpu.memory_space<vmem>> -> memref<1x80xi32, #tpu.memory_space<vmem>>
    %dma_start3A_130 = tpu.memref_squeeze %dma_start3A_129 : memref<1x80xi32, #tpu.memory_space<vmem>> -> memref<80xi32, #tpu.memory_space<vmem>>
    %dma_start3A_131 = arith.constant 0 : i32
    %dma_start3A_132 = tpu.memref_slice %arg17[%dma_start3A_131] : memref<10000xf32, #tpu.memory_space<vmem_shared>> -> memref<10000xf32, #tpu.memory_space<vmem_shared>>
    tpu.enqueue_indirect_dma source(%dma_start3A_127 : memref<80xf32, #tpu.memory_space<vmem>>) target(%dma_start3A_132 : memref<10000xf32, #tpu.memory_space<vmem_shared>>) offsets(%dma_start3A_130 : memref<80xi32, #tpu.memory_space<vmem>>) semaphore(%arg15 : memref<!tpu.dma_semaphore, #tpu.memory_space<semaphore_mem>>) {add = true}
    %dma_wait3A_133 = arith.constant 1 : i32
    %dma_wait3A_134 = arith.constant 9840 : i32
    %dma_wait3A_135 = tpu.memref_slice %arg13[%dma_wait3A_134] : memref<10000xf32, #tpu.memory_space<vmem>> -> memref<80xf32, #tpu.memory_space<vmem>>
    %dma_wait3A_136 = arith.constant 0 : i32
    %dma_wait3A_137 = tpu.memref_slice %arg14[%dma_wait3A_133, %dma_wait3A_136] : memref<2x80xi32, #tpu.memory_space<vmem>> -> memref<1x80xi32, #tpu.memory_space<vmem>>
    %dma_wait3A_138 = tpu.memref_squeeze %dma_wait3A_137 : memref<1x80xi32, #tpu.memory_space<vmem>> -> memref<80xi32, #tpu.memory_space<vmem>>
    %dma_wait3A_139 = arith.constant 0 : i32
    %dma_wait3A_140 = tpu.memref_slice %arg17[%dma_wait3A_139] : memref<10000xf32, #tpu.memory_space<vmem_shared>> -> memref<10000xf32, #tpu.memory_space<vmem_shared>>
    tpu.wait_indirect_dma semaphore(%arg16 : memref<!tpu.dma_semaphore, #tpu.memory_space<semaphore_mem>>) src(%dma_wait3A_135 : memref<80xf32, #tpu.memory_space<vmem>>) dst(%dma_wait3A_140 : memref<10000xf32, #tpu.memory_space<vmem_shared>>)
    %dma_wait3A_141 = arith.constant 0 : i32
    %dma_wait3A_142 = arith.constant 9920 : i32
    %dma_wait3A_143 = tpu.memref_slice %arg13[%dma_wait3A_142] : memref<10000xf32, #tpu.memory_space<vmem>> -> memref<80xf32, #tpu.memory_space<vmem>>
    %dma_wait3A_144 = arith.constant 0 : i32
    %dma_wait3A_145 = tpu.memref_slice %arg14[%dma_wait3A_141, %dma_wait3A_144] : memref<2x80xi32, #tpu.memory_space<vmem>> -> memref<1x80xi32, #tpu.memory_space<vmem>>
    %dma_wait3A_146 = tpu.memref_squeeze %dma_wait3A_145 : memref<1x80xi32, #tpu.memory_space<vmem>> -> memref<80xi32, #tpu.memory_space<vmem>>
    %dma_wait3A_147 = arith.constant 0 : i32
    %dma_wait3A_148 = tpu.memref_slice %arg17[%dma_wait3A_147] : memref<10000xf32, #tpu.memory_space<vmem_shared>> -> memref<10000xf32, #tpu.memory_space<vmem_shared>>
    tpu.wait_indirect_dma semaphore(%arg15 : memref<!tpu.dma_semaphore, #tpu.memory_space<semaphore_mem>>) src(%dma_wait3A_143 : memref<80xf32, #tpu.memory_space<vmem>>) dst(%dma_wait3A_148 : memref<10000xf32, #tpu.memory_space<vmem_shared>>)
    "tpu.region"() ({
      %run_scoped3A = tpu.sem_alloc : memref<!tpu.dma_semaphore, #tpu.memory_space<semaphore_mem>>
      %dma_start3A_155 = tpu.memref_slice %arg7[%mul3A_2] : memref<320000xf32, #tpu.memory_space<hbm>> -> memref<10000xf32, #tpu.memory_space<hbm>>
      %dma_start3A_156 = tpu.memref_slice %arg7[%mul3A_2] : memref<320000xf32, #tpu.memory_space<hbm>> -> memref<10000xf32, #tpu.memory_space<hbm>>
      tpu.enqueue_dma source(%arg13 : memref<10000xf32, #tpu.memory_space<vmem>>) target(%dma_start3A_156 : memref<10000xf32, #tpu.memory_space<hbm>>) target_semaphore(%run_scoped3A : memref<!tpu.dma_semaphore, #tpu.memory_space<semaphore_mem>>)
      %dma_wait3A_157 = tpu.memref_slice %arg7[%mul3A_2] : memref<320000xf32, #tpu.memory_space<hbm>> -> memref<10000xf32, #tpu.memory_space<hbm>>
      %dma_wait3A_158 = tpu.memref_slice %arg7[%mul3A_2] : memref<320000xf32, #tpu.memory_space<hbm>> -> memref<10000xf32, #tpu.memory_space<hbm>>
      tpu.wait_dma2 semaphore(%run_scoped3A : memref<!tpu.dma_semaphore, #tpu.memory_space<semaphore_mem>>) src(%arg13 : memref<10000xf32, #tpu.memory_space<vmem>>) dst(%dma_wait3A_158 : memref<10000xf32, #tpu.memory_space<hbm>>)
      tpu.yield
    }) : () -> ()
    %barrier3A_149 = arith.constant 0 : index
    tpu.barrier barrier_id(%barrier3A_149)
    %eq3A_150 = arith.constant 0 : i32
    %eq3A_151 = arith.cmpi eq, %arg1, %eq3A_150 : i32
    %convert_element_type3A_152 = arith.extui %eq3A_151 : i1 to i32
    %cond3A_153 = arith.constant 0 : i32
    %cond3A_154 = arith.cmpi ne, %convert_element_type3A_152, %cond3A_153 : i32
    scf.if %cond3A_154 {
      "tpu.region"() ({
        %run_scoped3A = tpu.sem_alloc : memref<!tpu.dma_semaphore, #tpu.memory_space<semaphore_mem>>
        %dma_start3A_155 = arith.constant 0 : i32
        %dma_start3A_156 = tpu.memref_slice %arg8[%arg0, %dma_start3A_155] : memref<2x10000xf32, #tpu.memory_space<hbm>> -> memref<1x10000xf32, #tpu.memory_space<hbm>>
        %dma_start3A_157 = tpu.memref_squeeze %dma_start3A_156 : memref<1x10000xf32, #tpu.memory_space<hbm>> -> memref<10000xf32, #tpu.memory_space<hbm>>
        tpu.enqueue_dma source(%arg17 : memref<10000xf32, #tpu.memory_space<vmem_shared>>) target(%dma_start3A_157 : memref<10000xf32, #tpu.memory_space<hbm>>) target_semaphore(%run_scoped3A : memref<!tpu.dma_semaphore, #tpu.memory_space<semaphore_mem>>)
        %dma_wait3A_158 = arith.constant 0 : i32
        %dma_wait3A_159 = tpu.memref_slice %arg8[%arg0, %dma_wait3A_158] : memref<2x10000xf32, #tpu.memory_space<hbm>> -> memref<1x10000xf32, #tpu.memory_space<hbm>>
        %dma_wait3A_160 = tpu.memref_squeeze %dma_wait3A_159 : memref<1x10000xf32, #tpu.memory_space<hbm>> -> memref<10000xf32, #tpu.memory_space<hbm>>
        tpu.wait_dma2 semaphore(%run_scoped3A : memref<!tpu.dma_semaphore, #tpu.memory_space<semaphore_mem>>) src(%arg17 : memref<10000xf32, #tpu.memory_space<vmem_shared>>) dst(%dma_wait3A_160 : memref<10000xf32, #tpu.memory_space<hbm>>)
        tpu.yield
      }) : () -> ()
    } else {
    }
    return
  }
}

#map = affine_map<(d0, d1) -> (0)>
#map1 = affine_map<(d0, d1) -> (0, 0)>
#map2 = affine_map<(d0, d1) -> (0, 0, 0)>
module attributes {stable_mosaic.version = 14 : i64} {
  func.func @_sc2_body(%arg0: i32, %arg1: i32, %arg2: memref<320000xf32, #tpu.memory_space<hbm>>, %arg3: memref<2x10000xf32, #tpu.memory_space<hbm>>, %arg4: memref<320000xi32, #tpu.memory_space<hbm>>, %arg5: memref<320000xi32, #tpu.memory_space<hbm>>, %arg6: memref<10000x128xf32, #tpu.memory_space<hbm>>, %arg7: memref<10000x128xf32, #tpu.memory_space<hbm>>, %arg8: memref<320000xf32, #tpu.memory_space<hbm>>, %arg9: memref<2x10000x128xf32, #tpu.memory_space<hbm>>, %arg10: memref<10000xf32, #tpu.memory_space<vmem>>, %arg11: memref<10000xf32, #tpu.memory_space<vmem>>, %arg12: memref<2x80xi32, #tpu.memory_space<vmem>>, %arg13: memref<2x80xi32, #tpu.memory_space<vmem>>, %arg14: memref<2x80xf32, #tpu.memory_space<vmem>>, %arg15: memref<80x128xf32, #tpu.memory_space<vmem>>, %arg16: memref<80x128xf32, #tpu.memory_space<vmem>>, %arg17: memref<!tpu.dma_semaphore, #tpu.memory_space<semaphore_mem>>, %arg18: memref<!tpu.dma_semaphore, #tpu.memory_space<semaphore_mem>>, %arg19: memref<!tpu.dma_semaphore, #tpu.memory_space<semaphore_mem>>, %arg20: memref<!tpu.dma_semaphore, #tpu.memory_space<semaphore_mem>>, %arg21: memref<!tpu.dma_semaphore, #tpu.memory_space<semaphore_mem>>, %arg22: memref<!tpu.dma_semaphore, #tpu.memory_space<semaphore_mem>>, %arg23: memref<!tpu.dma_semaphore, #tpu.memory_space<semaphore_mem>>, %arg24: memref<!tpu.dma_semaphore, #tpu.memory_space<semaphore_mem>>, %arg25: memref<10000x128xf32, #tpu.memory_space<vmem_shared>>) attributes {dimension_semantics = [#tpu.dimension_semantics<core_parallel>, #tpu.dimension_semantics<subcore_parallel>], iteration_bounds = array<i64: 2, 16>, scalar_prefetch = 0 : i64, scratch_operands = 16 : i64, tpu.core_type = #tpu.core_type<sc_vector_subcore>, window_params = [{transform_indices = #map}, {transform_indices = #map1}, {transform_indices = #map}, {transform_indices = #map}, {transform_indices = #map1}, {transform_indices = #map1}, {transform_indices = #map}, {transform_indices = #map2}]} {
    %mul3A = arith.constant 16 : i32
    %mul3A_0 = arith.muli %arg0, %mul3A : i32
    %add3A = arith.addi %mul3A_0, %arg1 : i32
    %mul3A_1 = arith.constant 10000 : i32
    %mul3A_2 = arith.muli %add3A, %mul3A_1 : i32
    %mul3A_3 = arith.constant 624 : i32
    %mul3A_4 = arith.muli %arg1, %mul3A_3 : i32
    "tpu.region"() ({
      %run_scoped3A_218 = tpu.sem_alloc : memref<!tpu.dma_semaphore, #tpu.memory_space<semaphore_mem>>
      %dma_start3A_219 = arith.constant 0 : i32
      %dma_start3A_220 = tpu.memref_slice %arg25[%mul3A_4, %dma_start3A_219] : memref<10000x128xf32, #tpu.memory_space<vmem_shared>> -> memref<624x128xf32, #tpu.memory_space<vmem_shared>>
      %dma_start3A_221 = arith.constant 0 : i32
      %dma_start3A_222 = tpu.memref_slice %arg7[%mul3A_4, %dma_start3A_221] : memref<10000x128xf32, #tpu.memory_space<hbm>> -> memref<624x128xf32, #tpu.memory_space<hbm>>
      tpu.enqueue_dma source(%dma_start3A_222 : memref<624x128xf32, #tpu.memory_space<hbm>>) target(%dma_start3A_220 : memref<624x128xf32, #tpu.memory_space<vmem_shared>>) target_semaphore(%run_scoped3A_218 : memref<!tpu.dma_semaphore, #tpu.memory_space<semaphore_mem>>)
      %dma_wait3A_223 = arith.constant 0 : i32
      %dma_wait3A_224 = tpu.memref_slice %arg25[%mul3A_4, %dma_wait3A_223] : memref<10000x128xf32, #tpu.memory_space<vmem_shared>> -> memref<624x128xf32, #tpu.memory_space<vmem_shared>>
      %dma_wait3A_225 = arith.constant 0 : i32
      %dma_wait3A_226 = tpu.memref_slice %arg7[%mul3A_4, %dma_wait3A_225] : memref<10000x128xf32, #tpu.memory_space<hbm>> -> memref<624x128xf32, #tpu.memory_space<hbm>>
      tpu.wait_dma2 semaphore(%run_scoped3A_218 : memref<!tpu.dma_semaphore, #tpu.memory_space<semaphore_mem>>) src(%dma_wait3A_226 : memref<624x128xf32, #tpu.memory_space<hbm>>) dst(%dma_wait3A_224 : memref<624x128xf32, #tpu.memory_space<vmem_shared>>)
      tpu.yield
    }) : () -> ()
    %eq3A = arith.constant 0 : i32
    %eq3A_5 = arith.cmpi eq, %arg1, %eq3A : i32
    %convert_element_type3A = arith.extui %eq3A_5 : i1 to i32
    %cond3A = arith.constant 0 : i32
    %cond3A_6 = arith.cmpi ne, %convert_element_type3A, %cond3A : i32
    scf.if %cond3A_6 {
      "tpu.region"() ({
        %run_scoped3A_218 = tpu.sem_alloc : memref<!tpu.dma_semaphore, #tpu.memory_space<semaphore_mem>>
        %dma_start3A_219 = arith.constant 9984 : i32
        %dma_start3A_220 = arith.constant 0 : i32
        %dma_start3A_221 = tpu.memref_slice %arg25[%dma_start3A_219, %dma_start3A_220] : memref<10000x128xf32, #tpu.memory_space<vmem_shared>> -> memref<16x128xf32, #tpu.memory_space<vmem_shared>>
        %dma_start3A_222 = arith.constant 9984 : i32
        %dma_start3A_223 = arith.constant 0 : i32
        %dma_start3A_224 = tpu.memref_slice %arg7[%dma_start3A_222, %dma_start3A_223] : memref<10000x128xf32, #tpu.memory_space<hbm>> -> memref<16x128xf32, #tpu.memory_space<hbm>>
        tpu.enqueue_dma source(%dma_start3A_224 : memref<16x128xf32, #tpu.memory_space<hbm>>) target(%dma_start3A_221 : memref<16x128xf32, #tpu.memory_space<vmem_shared>>) target_semaphore(%run_scoped3A_218 : memref<!tpu.dma_semaphore, #tpu.memory_space<semaphore_mem>>)
        %dma_wait3A_225 = arith.constant 9984 : i32
        %dma_wait3A_226 = arith.constant 0 : i32
        %dma_wait3A_227 = tpu.memref_slice %arg25[%dma_wait3A_225, %dma_wait3A_226] : memref<10000x128xf32, #tpu.memory_space<vmem_shared>> -> memref<16x128xf32, #tpu.memory_space<vmem_shared>>
        %dma_wait3A_228 = arith.constant 9984 : i32
        %dma_wait3A_229 = arith.constant 0 : i32
        %dma_wait3A_230 = tpu.memref_slice %arg7[%dma_wait3A_228, %dma_wait3A_229] : memref<10000x128xf32, #tpu.memory_space<hbm>> -> memref<16x128xf32, #tpu.memory_space<hbm>>
        tpu.wait_dma2 semaphore(%run_scoped3A_218 : memref<!tpu.dma_semaphore, #tpu.memory_space<semaphore_mem>>) src(%dma_wait3A_230 : memref<16x128xf32, #tpu.memory_space<hbm>>) dst(%dma_wait3A_227 : memref<16x128xf32, #tpu.memory_space<vmem_shared>>)
        tpu.yield
      }) : () -> ()
    } else {
    }
    %run_scoped3A = arith.constant 0 : i32
    "tpu.region"() ({
      %run_scoped3A_218 = tpu.sem_alloc : memref<!tpu.dma_semaphore, #tpu.memory_space<semaphore_mem>>
      %dma_start3A_219 = arith.constant 0 : i32
      %dma_start3A_220 = tpu.memref_slice %arg3[%run_scoped3A, %dma_start3A_219] : memref<2x10000xf32, #tpu.memory_space<hbm>> -> memref<1x10000xf32, #tpu.memory_space<hbm>>
      %dma_start3A_221 = tpu.memref_squeeze %dma_start3A_220 : memref<1x10000xf32, #tpu.memory_space<hbm>> -> memref<10000xf32, #tpu.memory_space<hbm>>
      %dma_start3A_222 = arith.constant 0 : i32
      %dma_start3A_223 = tpu.memref_slice %arg3[%run_scoped3A, %dma_start3A_222] : memref<2x10000xf32, #tpu.memory_space<hbm>> -> memref<1x10000xf32, #tpu.memory_space<hbm>>
      %dma_start3A_224 = tpu.memref_squeeze %dma_start3A_223 : memref<1x10000xf32, #tpu.memory_space<hbm>> -> memref<10000xf32, #tpu.memory_space<hbm>>
      tpu.enqueue_dma source(%dma_start3A_224 : memref<10000xf32, #tpu.memory_space<hbm>>) target(%arg10 : memref<10000xf32, #tpu.memory_space<vmem>>) target_semaphore(%run_scoped3A_218 : memref<!tpu.dma_semaphore, #tpu.memory_space<semaphore_mem>>)
      %dma_wait3A_225 = arith.constant 0 : i32
      %dma_wait3A_226 = tpu.memref_slice %arg3[%run_scoped3A, %dma_wait3A_225] : memref<2x10000xf32, #tpu.memory_space<hbm>> -> memref<1x10000xf32, #tpu.memory_space<hbm>>
      %dma_wait3A_227 = tpu.memref_squeeze %dma_wait3A_226 : memref<1x10000xf32, #tpu.memory_space<hbm>> -> memref<10000xf32, #tpu.memory_space<hbm>>
      %dma_wait3A_228 = arith.constant 0 : i32
      %dma_wait3A_229 = tpu.memref_slice %arg3[%run_scoped3A, %dma_wait3A_228] : memref<2x10000xf32, #tpu.memory_space<hbm>> -> memref<1x10000xf32, #tpu.memory_space<hbm>>
      %dma_wait3A_230 = tpu.memref_squeeze %dma_wait3A_229 : memref<1x10000xf32, #tpu.memory_space<hbm>> -> memref<10000xf32, #tpu.memory_space<hbm>>
      tpu.wait_dma2 semaphore(%run_scoped3A_218 : memref<!tpu.dma_semaphore, #tpu.memory_space<semaphore_mem>>) src(%dma_wait3A_230 : memref<10000xf32, #tpu.memory_space<hbm>>) dst(%arg10 : memref<10000xf32, #tpu.memory_space<vmem>>)
      tpu.yield
    }) : () -> ()
    %run_scoped3A_7 = arith.constant 1 : i32
    "tpu.region"() ({
      %run_scoped3A_218 = tpu.sem_alloc : memref<!tpu.dma_semaphore, #tpu.memory_space<semaphore_mem>>
      %dma_start3A_219 = arith.constant 0 : i32
      %dma_start3A_220 = tpu.memref_slice %arg3[%run_scoped3A_7, %dma_start3A_219] : memref<2x10000xf32, #tpu.memory_space<hbm>> -> memref<1x10000xf32, #tpu.memory_space<hbm>>
      %dma_start3A_221 = tpu.memref_squeeze %dma_start3A_220 : memref<1x10000xf32, #tpu.memory_space<hbm>> -> memref<10000xf32, #tpu.memory_space<hbm>>
      %dma_start3A_222 = arith.constant 0 : i32
      %dma_start3A_223 = tpu.memref_slice %arg3[%run_scoped3A_7, %dma_start3A_222] : memref<2x10000xf32, #tpu.memory_space<hbm>> -> memref<1x10000xf32, #tpu.memory_space<hbm>>
      %dma_start3A_224 = tpu.memref_squeeze %dma_start3A_223 : memref<1x10000xf32, #tpu.memory_space<hbm>> -> memref<10000xf32, #tpu.memory_space<hbm>>
      tpu.enqueue_dma source(%dma_start3A_224 : memref<10000xf32, #tpu.memory_space<hbm>>) target(%arg11 : memref<10000xf32, #tpu.memory_space<vmem>>) target_semaphore(%run_scoped3A_218 : memref<!tpu.dma_semaphore, #tpu.memory_space<semaphore_mem>>)
      %dma_wait3A_225 = arith.constant 0 : i32
      %dma_wait3A_226 = tpu.memref_slice %arg3[%run_scoped3A_7, %dma_wait3A_225] : memref<2x10000xf32, #tpu.memory_space<hbm>> -> memref<1x10000xf32, #tpu.memory_space<hbm>>
      %dma_wait3A_227 = tpu.memref_squeeze %dma_wait3A_226 : memref<1x10000xf32, #tpu.memory_space<hbm>> -> memref<10000xf32, #tpu.memory_space<hbm>>
      %dma_wait3A_228 = arith.constant 0 : i32
      %dma_wait3A_229 = tpu.memref_slice %arg3[%run_scoped3A_7, %dma_wait3A_228] : memref<2x10000xf32, #tpu.memory_space<hbm>> -> memref<1x10000xf32, #tpu.memory_space<hbm>>
      %dma_wait3A_230 = tpu.memref_squeeze %dma_wait3A_229 : memref<1x10000xf32, #tpu.memory_space<hbm>> -> memref<10000xf32, #tpu.memory_space<hbm>>
      tpu.wait_dma2 semaphore(%run_scoped3A_218 : memref<!tpu.dma_semaphore, #tpu.memory_space<semaphore_mem>>) src(%dma_wait3A_230 : memref<10000xf32, #tpu.memory_space<hbm>>) dst(%arg11 : memref<10000xf32, #tpu.memory_space<vmem>>)
      tpu.yield
    }) : () -> ()
    %scan3A = arith.constant 0 : i32
    %scan3A_8 = arith.constant 0 : i32
    %scan3A_9 = arith.constant 625 : i32
    %scan3A_10 = arith.addi %scan3A_8, %scan3A_9 : i32
    %scan3A_11 = arith.constant 1 : i32
    scf.for %scan3A_218 = %scan3A_8 to %scan3A_10 step %scan3A_11  : i32 {
      %mul3A_219 = arith.constant 16 : i32
      %mul3A_220 = arith.muli %scan3A_218, %mul3A_219 : i32
      %get3A_221 = arith.index_cast %mul3A_220 : i32 to index
      %get3A_222 = tpu.vector_load %arg10[%get3A_221] {strides = array<i32>} : memref<10000xf32, #tpu.memory_space<vmem>>, vector<16xf32>,
      %get3A_223 = arith.index_cast %mul3A_220 : i32 to index
      %get3A_224 = tpu.vector_load %arg11[%get3A_223] {strides = array<i32>} : memref<10000xf32, #tpu.memory_space<vmem>>, vector<16xf32>,
      %add3A_225 = arith.addf %get3A_222, %get3A_224 : vector<16xf32>
      %swap3A_226 = arith.index_cast %mul3A_220 : i32 to index
      %swap3A_227 = tpu.vector_load %arg10[%swap3A_226] {strides = array<i32>} : memref<10000xf32, #tpu.memory_space<vmem>>, vector<16xf32>,
      tpu.vector_store %arg10[%swap3A_226], %add3A_225 {strides = array<i32>} : memref<10000xf32, #tpu.memory_space<vmem>>, vector<16xf32>,
    }
    %scan3A_12 = arith.constant 625 : i32
    %barrier3A = arith.constant 0 : index
    tpu.barrier barrier_id(%barrier3A)
    %add3A_13 = arith.constant 0 : i32
    %add3A_14 = arith.addi %mul3A_2, %add3A_13 : i32
    %dma_start3A = arith.constant 0 : i32
    %dma_start3A_15 = arith.constant 0 : i32
    %dma_start3A_16 = tpu.memref_slice %arg12[%dma_start3A, %dma_start3A_15] : memref<2x80xi32, #tpu.memory_space<vmem>> -> memref<1x80xi32, #tpu.memory_space<vmem>>
    %dma_start3A_17 = tpu.memref_squeeze %dma_start3A_16 : memref<1x80xi32, #tpu.memory_space<vmem>> -> memref<80xi32, #tpu.memory_space<vmem>>
    %dma_start3A_18 = tpu.memref_slice %arg4[%add3A_14] : memref<320000xi32, #tpu.memory_space<hbm>> -> memref<80xi32, #tpu.memory_space<hbm>>
    %dma_start3A_19 = arith.constant 0 : i32
    %dma_start3A_20 = tpu.memref_slice %arg12[%dma_start3A, %dma_start3A_19] : memref<2x80xi32, #tpu.memory_space<vmem>> -> memref<1x80xi32, #tpu.memory_space<vmem>>
    %dma_start3A_21 = tpu.memref_squeeze %dma_start3A_20 : memref<1x80xi32, #tpu.memory_space<vmem>> -> memref<80xi32, #tpu.memory_space<vmem>>
    %dma_start3A_22 = tpu.memref_slice %arg4[%add3A_14] : memref<320000xi32, #tpu.memory_space<hbm>> -> memref<80xi32, #tpu.memory_space<hbm>>
    tpu.enqueue_dma source(%dma_start3A_22 : memref<80xi32, #tpu.memory_space<hbm>>) target(%dma_start3A_21 : memref<80xi32, #tpu.memory_space<vmem>>) target_semaphore(%arg17 : memref<!tpu.dma_semaphore, #tpu.memory_space<semaphore_mem>>)
    %dma_start3A_23 = arith.constant 0 : i32
    %dma_start3A_24 = arith.constant 0 : i32
    %dma_start3A_25 = tpu.memref_slice %arg13[%dma_start3A_23, %dma_start3A_24] : memref<2x80xi32, #tpu.memory_space<vmem>> -> memref<1x80xi32, #tpu.memory_space<vmem>>
    %dma_start3A_26 = tpu.memref_squeeze %dma_start3A_25 : memref<1x80xi32, #tpu.memory_space<vmem>> -> memref<80xi32, #tpu.memory_space<vmem>>
    %dma_start3A_27 = tpu.memref_slice %arg5[%add3A_14] : memref<320000xi32, #tpu.memory_space<hbm>> -> memref<80xi32, #tpu.memory_space<hbm>>
    %dma_start3A_28 = arith.constant 0 : i32
    %dma_start3A_29 = tpu.memref_slice %arg13[%dma_start3A_23, %dma_start3A_28] : memref<2x80xi32, #tpu.memory_space<vmem>> -> memref<1x80xi32, #tpu.memory_space<vmem>>
    %dma_start3A_30 = tpu.memref_squeeze %dma_start3A_29 : memref<1x80xi32, #tpu.memory_space<vmem>> -> memref<80xi32, #tpu.memory_space<vmem>>
    %dma_start3A_31 = tpu.memref_slice %arg5[%add3A_14] : memref<320000xi32, #tpu.memory_space<hbm>> -> memref<80xi32, #tpu.memory_space<hbm>>
    tpu.enqueue_dma source(%dma_start3A_31 : memref<80xi32, #tpu.memory_space<hbm>>) target(%dma_start3A_30 : memref<80xi32, #tpu.memory_space<vmem>>) target_semaphore(%arg17 : memref<!tpu.dma_semaphore, #tpu.memory_space<semaphore_mem>>)
    %dma_start3A_32 = arith.constant 0 : i32
    %dma_start3A_33 = arith.constant 0 : i32
    %dma_start3A_34 = tpu.memref_slice %arg14[%dma_start3A_32, %dma_start3A_33] : memref<2x80xf32, #tpu.memory_space<vmem>> -> memref<1x80xf32, #tpu.memory_space<vmem>>
    %dma_start3A_35 = tpu.memref_squeeze %dma_start3A_34 : memref<1x80xf32, #tpu.memory_space<vmem>> -> memref<80xf32, #tpu.memory_space<vmem>>
    %dma_start3A_36 = tpu.memref_slice %arg2[%add3A_14] : memref<320000xf32, #tpu.memory_space<hbm>> -> memref<80xf32, #tpu.memory_space<hbm>>
    %dma_start3A_37 = arith.constant 0 : i32
    %dma_start3A_38 = tpu.memref_slice %arg14[%dma_start3A_32, %dma_start3A_37] : memref<2x80xf32, #tpu.memory_space<vmem>> -> memref<1x80xf32, #tpu.memory_space<vmem>>
    %dma_start3A_39 = tpu.memref_squeeze %dma_start3A_38 : memref<1x80xf32, #tpu.memory_space<vmem>> -> memref<80xf32, #tpu.memory_space<vmem>>
    %dma_start3A_40 = tpu.memref_slice %arg2[%add3A_14] : memref<320000xf32, #tpu.memory_space<hbm>> -> memref<80xf32, #tpu.memory_space<hbm>>
    tpu.enqueue_dma source(%dma_start3A_40 : memref<80xf32, #tpu.memory_space<hbm>>) target(%dma_start3A_39 : memref<80xf32, #tpu.memory_space<vmem>>) target_semaphore(%arg17 : memref<!tpu.dma_semaphore, #tpu.memory_space<semaphore_mem>>)
    %add3A_41 = arith.constant 0 : i32
    %add3A_42 = arith.addi %mul3A_2, %add3A_41 : i32
    %dma_wait3A = arith.constant 0 : i32
    %dma_wait3A_43 = arith.constant 0 : i32
    %dma_wait3A_44 = tpu.memref_slice %arg12[%dma_wait3A, %dma_wait3A_43] : memref<2x80xi32, #tpu.memory_space<vmem>> -> memref<1x80xi32, #tpu.memory_space<vmem>>
    %dma_wait3A_45 = tpu.memref_squeeze %dma_wait3A_44 : memref<1x80xi32, #tpu.memory_space<vmem>> -> memref<80xi32, #tpu.memory_space<vmem>>
    %dma_wait3A_46 = tpu.memref_slice %arg4[%add3A_42] : memref<320000xi32, #tpu.memory_space<hbm>> -> memref<80xi32, #tpu.memory_space<hbm>>
    %dma_wait3A_47 = arith.constant 0 : i32
    %dma_wait3A_48 = tpu.memref_slice %arg12[%dma_wait3A, %dma_wait3A_47] : memref<2x80xi32, #tpu.memory_space<vmem>> -> memref<1x80xi32, #tpu.memory_space<vmem>>
    %dma_wait3A_49 = tpu.memref_squeeze %dma_wait3A_48 : memref<1x80xi32, #tpu.memory_space<vmem>> -> memref<80xi32, #tpu.memory_space<vmem>>
    %dma_wait3A_50 = tpu.memref_slice %arg4[%add3A_42] : memref<320000xi32, #tpu.memory_space<hbm>> -> memref<80xi32, #tpu.memory_space<hbm>>
    tpu.wait_dma2 semaphore(%arg17 : memref<!tpu.dma_semaphore, #tpu.memory_space<semaphore_mem>>) src(%dma_wait3A_50 : memref<80xi32, #tpu.memory_space<hbm>>) dst(%dma_wait3A_49 : memref<80xi32, #tpu.memory_space<vmem>>)
    %dma_wait3A_51 = arith.constant 0 : i32
    %dma_wait3A_52 = arith.constant 0 : i32
    %dma_wait3A_53 = tpu.memref_slice %arg13[%dma_wait3A_51, %dma_wait3A_52] : memref<2x80xi32, #tpu.memory_space<vmem>> -> memref<1x80xi32, #tpu.memory_space<vmem>>
    %dma_wait3A_54 = tpu.memref_squeeze %dma_wait3A_53 : memref<1x80xi32, #tpu.memory_space<vmem>> -> memref<80xi32, #tpu.memory_space<vmem>>
    %dma_wait3A_55 = tpu.memref_slice %arg5[%add3A_42] : memref<320000xi32, #tpu.memory_space<hbm>> -> memref<80xi32, #tpu.memory_space<hbm>>
    %dma_wait3A_56 = arith.constant 0 : i32
    %dma_wait3A_57 = tpu.memref_slice %arg13[%dma_wait3A_51, %dma_wait3A_56] : memref<2x80xi32, #tpu.memory_space<vmem>> -> memref<1x80xi32, #tpu.memory_space<vmem>>
    %dma_wait3A_58 = tpu.memref_squeeze %dma_wait3A_57 : memref<1x80xi32, #tpu.memory_space<vmem>> -> memref<80xi32, #tpu.memory_space<vmem>>
    %dma_wait3A_59 = tpu.memref_slice %arg5[%add3A_42] : memref<320000xi32, #tpu.memory_space<hbm>> -> memref<80xi32, #tpu.memory_space<hbm>>
    tpu.wait_dma2 semaphore(%arg17 : memref<!tpu.dma_semaphore, #tpu.memory_space<semaphore_mem>>) src(%dma_wait3A_59 : memref<80xi32, #tpu.memory_space<hbm>>) dst(%dma_wait3A_58 : memref<80xi32, #tpu.memory_space<vmem>>)
    %dma_wait3A_60 = arith.constant 0 : i32
    %dma_wait3A_61 = arith.constant 0 : i32
    %dma_wait3A_62 = tpu.memref_slice %arg14[%dma_wait3A_60, %dma_wait3A_61] : memref<2x80xf32, #tpu.memory_space<vmem>> -> memref<1x80xf32, #tpu.memory_space<vmem>>
    %dma_wait3A_63 = tpu.memref_squeeze %dma_wait3A_62 : memref<1x80xf32, #tpu.memory_space<vmem>> -> memref<80xf32, #tpu.memory_space<vmem>>
    %dma_wait3A_64 = tpu.memref_slice %arg2[%add3A_42] : memref<320000xf32, #tpu.memory_space<hbm>> -> memref<80xf32, #tpu.memory_space<hbm>>
    %dma_wait3A_65 = arith.constant 0 : i32
    %dma_wait3A_66 = tpu.memref_slice %arg14[%dma_wait3A_60, %dma_wait3A_65] : memref<2x80xf32, #tpu.memory_space<vmem>> -> memref<1x80xf32, #tpu.memory_space<vmem>>
    %dma_wait3A_67 = tpu.memref_squeeze %dma_wait3A_66 : memref<1x80xf32, #tpu.memory_space<vmem>> -> memref<80xf32, #tpu.memory_space<vmem>>
    %dma_wait3A_68 = tpu.memref_slice %arg2[%add3A_42] : memref<320000xf32, #tpu.memory_space<hbm>> -> memref<80xf32, #tpu.memory_space<hbm>>
    tpu.wait_dma2 semaphore(%arg17 : memref<!tpu.dma_semaphore, #tpu.memory_space<semaphore_mem>>) src(%dma_wait3A_68 : memref<80xf32, #tpu.memory_space<hbm>>) dst(%dma_wait3A_67 : memref<80xf32, #tpu.memory_space<vmem>>)
    %dma_start3A_69 = arith.constant 0 : i32
    %dma_start3A_70 = arith.constant 0 : i32
    %dma_start3A_71 = tpu.memref_slice %arg13[%dma_start3A_69, %dma_start3A_70] : memref<2x80xi32, #tpu.memory_space<vmem>> -> memref<1x80xi32, #tpu.memory_space<vmem>>
    %dma_start3A_72 = tpu.memref_squeeze %dma_start3A_71 : memref<1x80xi32, #tpu.memory_space<vmem>> -> memref<80xi32, #tpu.memory_space<vmem>>
    %dma_start3A_73 = arith.constant 0 : i32
    %dma_start3A_74 = arith.constant 0 : i32
    %dma_start3A_75 = tpu.memref_slice %arg6[%dma_start3A_73, %dma_start3A_74] : memref<10000x128xf32, #tpu.memory_space<hbm>> -> memref<10000x128xf32, #tpu.memory_space<hbm>>
    tpu.enqueue_indirect_dma source(%dma_start3A_75 : memref<10000x128xf32, #tpu.memory_space<hbm>>) target(%arg15 : memref<80x128xf32, #tpu.memory_space<vmem>>) offsets(%dma_start3A_72 : memref<80xi32, #tpu.memory_space<vmem>>) semaphore(%arg19 : memref<!tpu.dma_semaphore, #tpu.memory_space<semaphore_mem>>)
    %scan3A_76 = arith.constant 0 : i32
    %scan3A_77 = arith.constant 0 : i32
    %scan3A_78 = arith.constant 62 : i32
    %scan3A_79 = arith.addi %scan3A_77, %scan3A_78 : i32
    %scan3A_80 = arith.constant 1 : i32
    scf.for %scan3A_218 = %scan3A_77 to %scan3A_79 step %scan3A_80  : i32 {
      %mul3A_219 = arith.constant 2 : i32
      %mul3A_220 = arith.muli %mul3A_219, %scan3A_218 : i32
      %add3A_221 = arith.constant 0 : i32
      %add3A_222 = arith.addi %mul3A_220, %add3A_221 : i32
      %ge3A = arith.constant 1 : i32
      %ge3A_223 = arith.cmpi sge, %add3A_222, %ge3A : i32
      %convert_element_type3A_224 = arith.extui %ge3A_223 : i1 to i32
      %cond3A_225 = arith.constant 0 : i32
      %cond3A_226 = arith.cmpi ne, %convert_element_type3A_224, %cond3A_225 : i32
      scf.if %cond3A_226 {
        %sub3A = arith.constant 1 : i32
        %sub3A_463 = arith.subi %add3A_222, %sub3A : i32
        %dma_wait3A_464 = arith.constant 1 : i32
        %dma_wait3A_465 = arith.constant 0 : i32
        %dma_wait3A_466 = tpu.memref_slice %arg12[%dma_wait3A_464, %dma_wait3A_465] : memref<2x80xi32, #tpu.memory_space<vmem>> -> memref<1x80xi32, #tpu.memory_space<vmem>>
        %dma_wait3A_467 = tpu.memref_squeeze %dma_wait3A_466 : memref<1x80xi32, #tpu.memory_space<vmem>> -> memref<80xi32, #tpu.memory_space<vmem>>
        %dma_wait3A_468 = arith.constant 0 : i32
        %dma_wait3A_469 = arith.constant 0 : i32
        %dma_wait3A_470 = tpu.memref_slice %arg25[%dma_wait3A_468, %dma_wait3A_469] : memref<10000x128xf32, #tpu.memory_space<vmem_shared>> -> memref<10000x128xf32, #tpu.memory_space<vmem_shared>>
        tpu.wait_indirect_dma semaphore(%arg22 : memref<!tpu.dma_semaphore, #tpu.memory_space<semaphore_mem>>) src(%arg16 : memref<80x128xf32, #tpu.memory_space<vmem>>) dst(%dma_wait3A_470 : memref<10000x128xf32, #tpu.memory_space<vmem_shared>>)
        %sub3A_471 = arith.constant 1 : i32
        %sub3A_472 = arith.subi %add3A_222, %sub3A_471 : i32
        %mul3A_473 = arith.constant 80 : i32
        %mul3A_474 = arith.muli %sub3A_472, %mul3A_473 : i32
        %add3A_475 = arith.addi %mul3A_2, %mul3A_474 : i32
        %dma_wait3A_476 = arith.constant 1 : i32
        %dma_wait3A_477 = arith.constant 0 : i32
        %dma_wait3A_478 = tpu.memref_slice %arg14[%dma_wait3A_476, %dma_wait3A_477] : memref<2x80xf32, #tpu.memory_space<vmem>> -> memref<1x80xf32, #tpu.memory_space<vmem>>
        %dma_wait3A_479 = tpu.memref_squeeze %dma_wait3A_478 : memref<1x80xf32, #tpu.memory_space<vmem>> -> memref<80xf32, #tpu.memory_space<vmem>>
        %dma_wait3A_480 = tpu.memref_slice %arg8[%add3A_475] : memref<320000xf32, #tpu.memory_space<hbm>> -> memref<80xf32, #tpu.memory_space<hbm>>
        %dma_wait3A_481 = tpu.memref_slice %arg8[%add3A_475] : memref<320000xf32, #tpu.memory_space<hbm>> -> memref<80xf32, #tpu.memory_space<hbm>>
        %dma_wait3A_482 = arith.constant 0 : i32
        %dma_wait3A_483 = tpu.memref_slice %arg14[%dma_wait3A_476, %dma_wait3A_482] : memref<2x80xf32, #tpu.memory_space<vmem>> -> memref<1x80xf32, #tpu.memory_space<vmem>>
        %dma_wait3A_484 = tpu.memref_squeeze %dma_wait3A_483 : memref<1x80xf32, #tpu.memory_space<vmem>> -> memref<80xf32, #tpu.memory_space<vmem>>
        tpu.wait_dma2 semaphore(%arg24 : memref<!tpu.dma_semaphore, #tpu.memory_space<semaphore_mem>>) src(%dma_wait3A_484 : memref<80xf32, #tpu.memory_space<vmem>>) dst(%dma_wait3A_481 : memref<80xf32, #tpu.memory_space<hbm>>)
      } else {
      }
      %add3A_227 = arith.constant 1 : i32
      %add3A_228 = arith.addi %add3A_222, %add3A_227 : i32
      %lt3A = arith.constant 125 : i32
      %lt3A_229 = arith.cmpi slt, %add3A_228, %lt3A : i32
      %convert_element_type3A_230 = arith.extui %lt3A_229 : i1 to i32
      %cond3A_231 = arith.constant 0 : i32
      %cond3A_232 = arith.cmpi ne, %convert_element_type3A_230, %cond3A_231 : i32
      scf.if %cond3A_232 {
        %add3A_463 = arith.constant 1 : i32
        %add3A_464 = arith.addi %add3A_222, %add3A_463 : i32
        %mul3A_465 = arith.constant 80 : i32
        %mul3A_466 = arith.muli %add3A_464, %mul3A_465 : i32
        %add3A_467 = arith.addi %mul3A_2, %mul3A_466 : i32
        %dma_start3A_468 = arith.constant 1 : i32
        %dma_start3A_469 = arith.constant 0 : i32
        %dma_start3A_470 = tpu.memref_slice %arg12[%dma_start3A_468, %dma_start3A_469] : memref<2x80xi32, #tpu.memory_space<vmem>> -> memref<1x80xi32, #tpu.memory_space<vmem>>
        %dma_start3A_471 = tpu.memref_squeeze %dma_start3A_470 : memref<1x80xi32, #tpu.memory_space<vmem>> -> memref<80xi32, #tpu.memory_space<vmem>>
        %dma_start3A_472 = tpu.memref_slice %arg4[%add3A_467] : memref<320000xi32, #tpu.memory_space<hbm>> -> memref<80xi32, #tpu.memory_space<hbm>>
        %dma_start3A_473 = arith.constant 0 : i32
        %dma_start3A_474 = tpu.memref_slice %arg12[%dma_start3A_468, %dma_start3A_473] : memref<2x80xi32, #tpu.memory_space<vmem>> -> memref<1x80xi32, #tpu.memory_space<vmem>>
        %dma_start3A_475 = tpu.memref_squeeze %dma_start3A_474 : memref<1x80xi32, #tpu.memory_space<vmem>> -> memref<80xi32, #tpu.memory_space<vmem>>
        %dma_start3A_476 = tpu.memref_slice %arg4[%add3A_467] : memref<320000xi32, #tpu.memory_space<hbm>> -> memref<80xi32, #tpu.memory_space<hbm>>
        tpu.enqueue_dma source(%dma_start3A_476 : memref<80xi32, #tpu.memory_space<hbm>>) target(%dma_start3A_475 : memref<80xi32, #tpu.memory_space<vmem>>) target_semaphore(%arg18 : memref<!tpu.dma_semaphore, #tpu.memory_space<semaphore_mem>>)
        %dma_start3A_477 = arith.constant 1 : i32
        %dma_start3A_478 = arith.constant 0 : i32
        %dma_start3A_479 = tpu.memref_slice %arg13[%dma_start3A_477, %dma_start3A_478] : memref<2x80xi32, #tpu.memory_space<vmem>> -> memref<1x80xi32, #tpu.memory_space<vmem>>
        %dma_start3A_480 = tpu.memref_squeeze %dma_start3A_479 : memref<1x80xi32, #tpu.memory_space<vmem>> -> memref<80xi32, #tpu.memory_space<vmem>>
        %dma_start3A_481 = tpu.memref_slice %arg5[%add3A_467] : memref<320000xi32, #tpu.memory_space<hbm>> -> memref<80xi32, #tpu.memory_space<hbm>>
        %dma_start3A_482 = arith.constant 0 : i32
        %dma_start3A_483 = tpu.memref_slice %arg13[%dma_start3A_477, %dma_start3A_482] : memref<2x80xi32, #tpu.memory_space<vmem>> -> memref<1x80xi32, #tpu.memory_space<vmem>>
        %dma_start3A_484 = tpu.memref_squeeze %dma_start3A_483 : memref<1x80xi32, #tpu.memory_space<vmem>> -> memref<80xi32, #tpu.memory_space<vmem>>
        %dma_start3A_485 = tpu.memref_slice %arg5[%add3A_467] : memref<320000xi32, #tpu.memory_space<hbm>> -> memref<80xi32, #tpu.memory_space<hbm>>
        tpu.enqueue_dma source(%dma_start3A_485 : memref<80xi32, #tpu.memory_space<hbm>>) target(%dma_start3A_484 : memref<80xi32, #tpu.memory_space<vmem>>) target_semaphore(%arg18 : memref<!tpu.dma_semaphore, #tpu.memory_space<semaphore_mem>>)
        %dma_start3A_486 = arith.constant 1 : i32
        %dma_start3A_487 = arith.constant 0 : i32
        %dma_start3A_488 = tpu.memref_slice %arg14[%dma_start3A_486, %dma_start3A_487] : memref<2x80xf32, #tpu.memory_space<vmem>> -> memref<1x80xf32, #tpu.memory_space<vmem>>
        %dma_start3A_489 = tpu.memref_squeeze %dma_start3A_488 : memref<1x80xf32, #tpu.memory_space<vmem>> -> memref<80xf32, #tpu.memory_space<vmem>>
        %dma_start3A_490 = tpu.memref_slice %arg2[%add3A_467] : memref<320000xf32, #tpu.memory_space<hbm>> -> memref<80xf32, #tpu.memory_space<hbm>>
        %dma_start3A_491 = arith.constant 0 : i32
        %dma_start3A_492 = tpu.memref_slice %arg14[%dma_start3A_486, %dma_start3A_491] : memref<2x80xf32, #tpu.memory_space<vmem>> -> memref<1x80xf32, #tpu.memory_space<vmem>>
        %dma_start3A_493 = tpu.memref_squeeze %dma_start3A_492 : memref<1x80xf32, #tpu.memory_space<vmem>> -> memref<80xf32, #tpu.memory_space<vmem>>
        %dma_start3A_494 = tpu.memref_slice %arg2[%add3A_467] : memref<320000xf32, #tpu.memory_space<hbm>> -> memref<80xf32, #tpu.memory_space<hbm>>
        tpu.enqueue_dma source(%dma_start3A_494 : memref<80xf32, #tpu.memory_space<hbm>>) target(%dma_start3A_493 : memref<80xf32, #tpu.memory_space<vmem>>) target_semaphore(%arg18 : memref<!tpu.dma_semaphore, #tpu.memory_space<semaphore_mem>>)
      } else {
      }
      %dma_wait3A_233 = arith.constant 0 : i32
      %dma_wait3A_234 = arith.constant 0 : i32
      %dma_wait3A_235 = tpu.memref_slice %arg13[%dma_wait3A_233, %dma_wait3A_234] : memref<2x80xi32, #tpu.memory_space<vmem>> -> memref<1x80xi32, #tpu.memory_space<vmem>>
      %dma_wait3A_236 = tpu.memref_squeeze %dma_wait3A_235 : memref<1x80xi32, #tpu.memory_space<vmem>> -> memref<80xi32, #tpu.memory_space<vmem>>
      %dma_wait3A_237 = arith.constant 0 : i32
      %dma_wait3A_238 = arith.constant 0 : i32
      %dma_wait3A_239 = tpu.memref_slice %arg6[%dma_wait3A_237, %dma_wait3A_238] : memref<10000x128xf32, #tpu.memory_space<hbm>> -> memref<10000x128xf32, #tpu.memory_space<hbm>>
      tpu.wait_indirect_dma semaphore(%arg19 : memref<!tpu.dma_semaphore, #tpu.memory_space<semaphore_mem>>) src(%dma_wait3A_239 : memref<10000x128xf32, #tpu.memory_space<hbm>>) dst(%arg15 : memref<80x128xf32, #tpu.memory_space<vmem>>)
      %get3A_240 = arith.constant 0 : i32
      %get3A_241 = arith.index_cast %get3A_240 : i32 to index
      %get3A_242 = arith.constant 0 : index
      %get3A_243 = tpu.vector_load %arg12[%get3A_241, %get3A_242] {strides = array<i32>} : memref<2x80xi32, #tpu.memory_space<vmem>>, vector<16xi32>,
      %gather3A_244 = tpu.vector_load_idx %arg10[%get3A_243] : memref<10000xf32, #tpu.memory_space<vmem>>[vector<16xi32>], vector<16xf32>,
      %get3A_245 = arith.constant 0 : i32
      %get3A_246 = arith.index_cast %get3A_245 : i32 to index
      %get3A_247 = arith.constant 0 : index
      %get3A_248 = tpu.vector_load %arg14[%get3A_246, %get3A_247] {strides = array<i32>} : memref<2x80xf32, #tpu.memory_space<vmem>>, vector<16xf32>,
      %div3A_249 = arith.divf %get3A_248, %gather3A_244 : vector<16xf32>
      %swap3A_250 = arith.constant 0 : i32
      %swap3A_251 = arith.index_cast %swap3A_250 : i32 to index
      %swap3A_252 = arith.constant 0 : index
      %swap3A_253 = tpu.vector_load %arg14[%swap3A_251, %swap3A_252] {strides = array<i32>} : memref<2x80xf32, #tpu.memory_space<vmem>>, vector<16xf32>,
      tpu.vector_store %arg14[%swap3A_251, %swap3A_252], %div3A_249 {strides = array<i32>} : memref<2x80xf32, #tpu.memory_space<vmem>>, vector<16xf32>,
      %get3A_254 = arith.constant 0 : i32
      %get3A_255 = arith.index_cast %get3A_254 : i32 to index
      %get3A_256 = arith.constant 16 : index
      %get3A_257 = tpu.vector_load %arg12[%get3A_255, %get3A_256] {strides = array<i32>} : memref<2x80xi32, #tpu.memory_space<vmem>>, vector<16xi32>,
      %gather3A_258 = tpu.vector_load_idx %arg10[%get3A_257] : memref<10000xf32, #tpu.memory_space<vmem>>[vector<16xi32>], vector<16xf32>,
      %get3A_259 = arith.constant 0 : i32
      %get3A_260 = arith.index_cast %get3A_259 : i32 to index
      %get3A_261 = arith.constant 16 : index
      %get3A_262 = tpu.vector_load %arg14[%get3A_260, %get3A_261] {strides = array<i32>} : memref<2x80xf32, #tpu.memory_space<vmem>>, vector<16xf32>,
      %div3A_263 = arith.divf %get3A_262, %gather3A_258 : vector<16xf32>
      %swap3A_264 = arith.constant 0 : i32
      %swap3A_265 = arith.index_cast %swap3A_264 : i32 to index
      %swap3A_266 = arith.constant 16 : index
      %swap3A_267 = tpu.vector_load %arg14[%swap3A_265, %swap3A_266] {strides = array<i32>} : memref<2x80xf32, #tpu.memory_space<vmem>>, vector<16xf32>,
      tpu.vector_store %arg14[%swap3A_265, %swap3A_266], %div3A_263 {strides = array<i32>} : memref<2x80xf32, #tpu.memory_space<vmem>>, vector<16xf32>,
      %get3A_268 = arith.constant 0 : i32
      %get3A_269 = arith.index_cast %get3A_268 : i32 to index
      %get3A_270 = arith.constant 32 : index
      %get3A_271 = tpu.vector_load %arg12[%get3A_269, %get3A_270] {strides = array<i32>} : memref<2x80xi32, #tpu.memory_space<vmem>>, vector<16xi32>,
      %gather3A_272 = tpu.vector_load_idx %arg10[%get3A_271] : memref<10000xf32, #tpu.memory_space<vmem>>[vector<16xi32>], vector<16xf32>,
      %get3A_273 = arith.constant 0 : i32
      %get3A_274 = arith.index_cast %get3A_273 : i32 to index
      %get3A_275 = arith.constant 32 : index
      %get3A_276 = tpu.vector_load %arg14[%get3A_274, %get3A_275] {strides = array<i32>} : memref<2x80xf32, #tpu.memory_space<vmem>>, vector<16xf32>,
      %div3A_277 = arith.divf %get3A_276, %gather3A_272 : vector<16xf32>
      %swap3A_278 = arith.constant 0 : i32
      %swap3A_279 = arith.index_cast %swap3A_278 : i32 to index
      %swap3A_280 = arith.constant 32 : index
      %swap3A_281 = tpu.vector_load %arg14[%swap3A_279, %swap3A_280] {strides = array<i32>} : memref<2x80xf32, #tpu.memory_space<vmem>>, vector<16xf32>,
      tpu.vector_store %arg14[%swap3A_279, %swap3A_280], %div3A_277 {strides = array<i32>} : memref<2x80xf32, #tpu.memory_space<vmem>>, vector<16xf32>,
      %get3A_282 = arith.constant 0 : i32
      %get3A_283 = arith.index_cast %get3A_282 : i32 to index
      %get3A_284 = arith.constant 48 : index
      %get3A_285 = tpu.vector_load %arg12[%get3A_283, %get3A_284] {strides = array<i32>} : memref<2x80xi32, #tpu.memory_space<vmem>>, vector<16xi32>,
      %gather3A_286 = tpu.vector_load_idx %arg10[%get3A_285] : memref<10000xf32, #tpu.memory_space<vmem>>[vector<16xi32>], vector<16xf32>,
      %get3A_287 = arith.constant 0 : i32
      %get3A_288 = arith.index_cast %get3A_287 : i32 to index
      %get3A_289 = arith.constant 48 : index
      %get3A_290 = tpu.vector_load %arg14[%get3A_288, %get3A_289] {strides = array<i32>} : memref<2x80xf32, #tpu.memory_space<vmem>>, vector<16xf32>,
      %div3A_291 = arith.divf %get3A_290, %gather3A_286 : vector<16xf32>
      %swap3A_292 = arith.constant 0 : i32
      %swap3A_293 = arith.index_cast %swap3A_292 : i32 to index
      %swap3A_294 = arith.constant 48 : index
      %swap3A_295 = tpu.vector_load %arg14[%swap3A_293, %swap3A_294] {strides = array<i32>} : memref<2x80xf32, #tpu.memory_space<vmem>>, vector<16xf32>,
      tpu.vector_store %arg14[%swap3A_293, %swap3A_294], %div3A_291 {strides = array<i32>} : memref<2x80xf32, #tpu.memory_space<vmem>>, vector<16xf32>,
      %get3A_296 = arith.constant 0 : i32
      %get3A_297 = arith.index_cast %get3A_296 : i32 to index
      %get3A_298 = arith.constant 64 : index
      %get3A_299 = tpu.vector_load %arg12[%get3A_297, %get3A_298] {strides = array<i32>} : memref<2x80xi32, #tpu.memory_space<vmem>>, vector<16xi32>,
      %gather3A_300 = tpu.vector_load_idx %arg10[%get3A_299] : memref<10000xf32, #tpu.memory_space<vmem>>[vector<16xi32>], vector<16xf32>,
      %get3A_301 = arith.constant 0 : i32
      %get3A_302 = arith.index_cast %get3A_301 : i32 to index
      %get3A_303 = arith.constant 64 : index
      %get3A_304 = tpu.vector_load %arg14[%get3A_302, %get3A_303] {strides = array<i32>} : memref<2x80xf32, #tpu.memory_space<vmem>>, vector<16xf32>,
      %div3A_305 = arith.divf %get3A_304, %gather3A_300 : vector<16xf32>
      %swap3A_306 = arith.constant 0 : i32
      %swap3A_307 = arith.index_cast %swap3A_306 : i32 to index
      %swap3A_308 = arith.constant 64 : index
      %swap3A_309 = tpu.vector_load %arg14[%swap3A_307, %swap3A_308] {strides = array<i32>} : memref<2x80xf32, #tpu.memory_space<vmem>>, vector<16xf32>,
      tpu.vector_store %arg14[%swap3A_307, %swap3A_308], %div3A_305 {strides = array<i32>} : memref<2x80xf32, #tpu.memory_space<vmem>>, vector<16xf32>,
      %mul3A_310 = arith.constant 80 : i32
      %mul3A_311 = arith.muli %add3A_222, %mul3A_310 : i32
      %add3A_312 = arith.addi %mul3A_2, %mul3A_311 : i32
      %dma_start3A_313 = arith.constant 0 : i32
      %dma_start3A_314 = arith.constant 0 : i32
      %dma_start3A_315 = tpu.memref_slice %arg14[%dma_start3A_313, %dma_start3A_314] : memref<2x80xf32, #tpu.memory_space<vmem>> -> memref<1x80xf32, #tpu.memory_space<vmem>>
      %dma_start3A_316 = tpu.memref_squeeze %dma_start3A_315 : memref<1x80xf32, #tpu.memory_space<vmem>> -> memref<80xf32, #tpu.memory_space<vmem>>
      %dma_start3A_317 = tpu.memref_slice %arg8[%add3A_312] : memref<320000xf32, #tpu.memory_space<hbm>> -> memref<80xf32, #tpu.memory_space<hbm>>
      %dma_start3A_318 = tpu.memref_slice %arg8[%add3A_312] : memref<320000xf32, #tpu.memory_space<hbm>> -> memref<80xf32, #tpu.memory_space<hbm>>
      %dma_start3A_319 = arith.constant 0 : i32
      %dma_start3A_320 = tpu.memref_slice %arg14[%dma_start3A_313, %dma_start3A_319] : memref<2x80xf32, #tpu.memory_space<vmem>> -> memref<1x80xf32, #tpu.memory_space<vmem>>
      %dma_start3A_321 = tpu.memref_squeeze %dma_start3A_320 : memref<1x80xf32, #tpu.memory_space<vmem>> -> memref<80xf32, #tpu.memory_space<vmem>>
      tpu.enqueue_dma source(%dma_start3A_321 : memref<80xf32, #tpu.memory_space<vmem>>) target(%dma_start3A_318 : memref<80xf32, #tpu.memory_space<hbm>>) target_semaphore(%arg23 : memref<!tpu.dma_semaphore, #tpu.memory_space<semaphore_mem>>)
      %add3A_322 = arith.constant 1 : i32
      %add3A_323 = arith.addi %add3A_222, %add3A_322 : i32
      %lt3A_324 = arith.constant 125 : i32
      %lt3A_325 = arith.cmpi slt, %add3A_323, %lt3A_324 : i32
      %convert_element_type3A_326 = arith.extui %lt3A_325 : i1 to i32
      %cond3A_327 = arith.constant 0 : i32
      %cond3A_328 = arith.cmpi ne, %convert_element_type3A_326, %cond3A_327 : i32
      scf.if %cond3A_328 {
        %add3A_463 = arith.constant 1 : i32
        %add3A_464 = arith.addi %add3A_222, %add3A_463 : i32
        %mul3A_465 = arith.constant 80 : i32
        %mul3A_466 = arith.muli %add3A_464, %mul3A_465 : i32
        %add3A_467 = arith.addi %mul3A_2, %mul3A_466 : i32
        %dma_wait3A_468 = arith.constant 1 : i32
        %dma_wait3A_469 = arith.constant 0 : i32
        %dma_wait3A_470 = tpu.memref_slice %arg12[%dma_wait3A_468, %dma_wait3A_469] : memref<2x80xi32, #tpu.memory_space<vmem>> -> memref<1x80xi32, #tpu.memory_space<vmem>>
        %dma_wait3A_471 = tpu.memref_squeeze %dma_wait3A_470 : memref<1x80xi32, #tpu.memory_space<vmem>> -> memref<80xi32, #tpu.memory_space<vmem>>
        %dma_wait3A_472 = tpu.memref_slice %arg4[%add3A_467] : memref<320000xi32, #tpu.memory_space<hbm>> -> memref<80xi32, #tpu.memory_space<hbm>>
        %dma_wait3A_473 = arith.constant 0 : i32
        %dma_wait3A_474 = tpu.memref_slice %arg12[%dma_wait3A_468, %dma_wait3A_473] : memref<2x80xi32, #tpu.memory_space<vmem>> -> memref<1x80xi32, #tpu.memory_space<vmem>>
        %dma_wait3A_475 = tpu.memref_squeeze %dma_wait3A_474 : memref<1x80xi32, #tpu.memory_space<vmem>> -> memref<80xi32, #tpu.memory_space<vmem>>
        %dma_wait3A_476 = tpu.memref_slice %arg4[%add3A_467] : memref<320000xi32, #tpu.memory_space<hbm>> -> memref<80xi32, #tpu.memory_space<hbm>>
        tpu.wait_dma2 semaphore(%arg18 : memref<!tpu.dma_semaphore, #tpu.memory_space<semaphore_mem>>) src(%dma_wait3A_476 : memref<80xi32, #tpu.memory_space<hbm>>) dst(%dma_wait3A_475 : memref<80xi32, #tpu.memory_space<vmem>>)
        %dma_wait3A_477 = arith.constant 1 : i32
        %dma_wait3A_478 = arith.constant 0 : i32
        %dma_wait3A_479 = tpu.memref_slice %arg13[%dma_wait3A_477, %dma_wait3A_478] : memref<2x80xi32, #tpu.memory_space<vmem>> -> memref<1x80xi32, #tpu.memory_space<vmem>>
        %dma_wait3A_480 = tpu.memref_squeeze %dma_wait3A_479 : memref<1x80xi32, #tpu.memory_space<vmem>> -> memref<80xi32, #tpu.memory_space<vmem>>
        %dma_wait3A_481 = tpu.memref_slice %arg5[%add3A_467] : memref<320000xi32, #tpu.memory_space<hbm>> -> memref<80xi32, #tpu.memory_space<hbm>>
        %dma_wait3A_482 = arith.constant 0 : i32
        %dma_wait3A_483 = tpu.memref_slice %arg13[%dma_wait3A_477, %dma_wait3A_482] : memref<2x80xi32, #tpu.memory_space<vmem>> -> memref<1x80xi32, #tpu.memory_space<vmem>>
        %dma_wait3A_484 = tpu.memref_squeeze %dma_wait3A_483 : memref<1x80xi32, #tpu.memory_space<vmem>> -> memref<80xi32, #tpu.memory_space<vmem>>
        %dma_wait3A_485 = tpu.memref_slice %arg5[%add3A_467] : memref<320000xi32, #tpu.memory_space<hbm>> -> memref<80xi32, #tpu.memory_space<hbm>>
        tpu.wait_dma2 semaphore(%arg18 : memref<!tpu.dma_semaphore, #tpu.memory_space<semaphore_mem>>) src(%dma_wait3A_485 : memref<80xi32, #tpu.memory_space<hbm>>) dst(%dma_wait3A_484 : memref<80xi32, #tpu.memory_space<vmem>>)
        %dma_wait3A_486 = arith.constant 1 : i32
        %dma_wait3A_487 = arith.constant 0 : i32
        %dma_wait3A_488 = tpu.memref_slice %arg14[%dma_wait3A_486, %dma_wait3A_487] : memref<2x80xf32, #tpu.memory_space<vmem>> -> memref<1x80xf32, #tpu.memory_space<vmem>>
        %dma_wait3A_489 = tpu.memref_squeeze %dma_wait3A_488 : memref<1x80xf32, #tpu.memory_space<vmem>> -> memref<80xf32, #tpu.memory_space<vmem>>
        %dma_wait3A_490 = tpu.memref_slice %arg2[%add3A_467] : memref<320000xf32, #tpu.memory_space<hbm>> -> memref<80xf32, #tpu.memory_space<hbm>>
        %dma_wait3A_491 = arith.constant 0 : i32
        %dma_wait3A_492 = tpu.memref_slice %arg14[%dma_wait3A_486, %dma_wait3A_491] : memref<2x80xf32, #tpu.memory_space<vmem>> -> memref<1x80xf32, #tpu.memory_space<vmem>>
        %dma_wait3A_493 = tpu.memref_squeeze %dma_wait3A_492 : memref<1x80xf32, #tpu.memory_space<vmem>> -> memref<80xf32, #tpu.memory_space<vmem>>
        %dma_wait3A_494 = tpu.memref_slice %arg2[%add3A_467] : memref<320000xf32, #tpu.memory_space<hbm>> -> memref<80xf32, #tpu.memory_space<hbm>>
        tpu.wait_dma2 semaphore(%arg18 : memref<!tpu.dma_semaphore, #tpu.memory_space<semaphore_mem>>) src(%dma_wait3A_494 : memref<80xf32, #tpu.memory_space<hbm>>) dst(%dma_wait3A_493 : memref<80xf32, #tpu.memory_space<vmem>>)
        %add3A_495 = arith.constant 1 : i32
        %add3A_496 = arith.addi %add3A_222, %add3A_495 : i32
        %dma_start3A_497 = arith.constant 1 : i32
        %dma_start3A_498 = arith.constant 0 : i32
        %dma_start3A_499 = tpu.memref_slice %arg13[%dma_start3A_497, %dma_start3A_498] : memref<2x80xi32, #tpu.memory_space<vmem>> -> memref<1x80xi32, #tpu.memory_space<vmem>>
        %dma_start3A_500 = tpu.memref_squeeze %dma_start3A_499 : memref<1x80xi32, #tpu.memory_space<vmem>> -> memref<80xi32, #tpu.memory_space<vmem>>
        %dma_start3A_501 = arith.constant 0 : i32
        %dma_start3A_502 = arith.constant 0 : i32
        %dma_start3A_503 = tpu.memref_slice %arg6[%dma_start3A_501, %dma_start3A_502] : memref<10000x128xf32, #tpu.memory_space<hbm>> -> memref<10000x128xf32, #tpu.memory_space<hbm>>
        tpu.enqueue_indirect_dma source(%dma_start3A_503 : memref<10000x128xf32, #tpu.memory_space<hbm>>) target(%arg16 : memref<80x128xf32, #tpu.memory_space<vmem>>) offsets(%dma_start3A_500 : memref<80xi32, #tpu.memory_space<vmem>>) semaphore(%arg20 : memref<!tpu.dma_semaphore, #tpu.memory_space<semaphore_mem>>)
      } else {
      }
      %parallel_loop3A_329 = arith.constant 0 : i32
      %parallel_loop3A_330 = arith.constant 80 : i32
      %parallel_loop3A_331 = arith.constant 1 : i32
      %parallel_loop3A_332 = arith.constant 0 : i32
      scf.for %parallel_loop3A_463 = %parallel_loop3A_329 to %parallel_loop3A_330 step %parallel_loop3A_331  : i32 {
        %parallel_loop3A_464 = arith.constant 0 : i32
        %parallel_loop3A_465 = vector.broadcast %parallel_loop3A_464 : i32 to vector<16xi32>
        %parallel_loop3A_466 = vector.broadcast %parallel_loop3A_463 : i32 to vector<16xi32>
        %parallel_loop3A_467 = arith.addi %parallel_loop3A_465, %parallel_loop3A_466 : vector<16xi32>
        %parallel_loop3A_468 = arith.constant 0 : i32
        %parallel_loop3A_469 = tpu.memref_slice %arg14[%parallel_loop3A_332, %parallel_loop3A_468] : memref<2x80xf32, #tpu.memory_space<vmem>> -> memref<1x80xf32, #tpu.memory_space<vmem>>
        %parallel_loop3A_470 = tpu.memref_squeeze %parallel_loop3A_469 : memref<1x80xf32, #tpu.memory_space<vmem>> -> memref<80xf32, #tpu.memory_space<vmem>>
        %parallel_loop3A_471 = tpu.vector_load_idx %parallel_loop3A_470[%parallel_loop3A_467] : memref<80xf32, #tpu.memory_space<vmem>>[vector<16xi32>], vector<16xf32>,
        %parallel_loop3A_472 = arith.index_cast %parallel_loop3A_463 : i32 to index
        %parallel_loop3A_473 = arith.constant 0 : index
        %parallel_loop3A_474 = tpu.vector_load %arg15[%parallel_loop3A_472, %parallel_loop3A_473] {strides = array<i32>} : memref<80x128xf32, #tpu.memory_space<vmem>>, vector<16xf32>,
        %parallel_loop3A_475 = arith.mulf %parallel_loop3A_474, %parallel_loop3A_471 : vector<16xf32>
        %parallel_loop3A_476 = arith.index_cast %parallel_loop3A_463 : i32 to index
        %parallel_loop3A_477 = arith.constant 0 : index
        %parallel_loop3A_478 = tpu.vector_load %arg15[%parallel_loop3A_476, %parallel_loop3A_477] {strides = array<i32>} : memref<80x128xf32, #tpu.memory_space<vmem>>, vector<16xf32>,
        tpu.vector_store %arg15[%parallel_loop3A_476, %parallel_loop3A_477], %parallel_loop3A_475 {strides = array<i32>} : memref<80x128xf32, #tpu.memory_space<vmem>>, vector<16xf32>,
        %parallel_loop3A_479 = arith.index_cast %parallel_loop3A_463 : i32 to index
        %parallel_loop3A_480 = arith.constant 16 : index
        %parallel_loop3A_481 = tpu.vector_load %arg15[%parallel_loop3A_479, %parallel_loop3A_480] {strides = array<i32>} : memref<80x128xf32, #tpu.memory_space<vmem>>, vector<16xf32>,
        %parallel_loop3A_482 = arith.mulf %parallel_loop3A_481, %parallel_loop3A_471 : vector<16xf32>
        %parallel_loop3A_483 = arith.index_cast %parallel_loop3A_463 : i32 to index
        %parallel_loop3A_484 = arith.constant 16 : index
        %parallel_loop3A_485 = tpu.vector_load %arg15[%parallel_loop3A_483, %parallel_loop3A_484] {strides = array<i32>} : memref<80x128xf32, #tpu.memory_space<vmem>>, vector<16xf32>,
        tpu.vector_store %arg15[%parallel_loop3A_483, %parallel_loop3A_484], %parallel_loop3A_482 {strides = array<i32>} : memref<80x128xf32, #tpu.memory_space<vmem>>, vector<16xf32>,
        %parallel_loop3A_486 = arith.index_cast %parallel_loop3A_463 : i32 to index
        %parallel_loop3A_487 = arith.constant 32 : index
        %parallel_loop3A_488 = tpu.vector_load %arg15[%parallel_loop3A_486, %parallel_loop3A_487] {strides = array<i32>} : memref<80x128xf32, #tpu.memory_space<vmem>>, vector<16xf32>,
        %parallel_loop3A_489 = arith.mulf %parallel_loop3A_488, %parallel_loop3A_471 : vector<16xf32>
        %parallel_loop3A_490 = arith.index_cast %parallel_loop3A_463 : i32 to index
        %parallel_loop3A_491 = arith.constant 32 : index
        %parallel_loop3A_492 = tpu.vector_load %arg15[%parallel_loop3A_490, %parallel_loop3A_491] {strides = array<i32>} : memref<80x128xf32, #tpu.memory_space<vmem>>, vector<16xf32>,
        tpu.vector_store %arg15[%parallel_loop3A_490, %parallel_loop3A_491], %parallel_loop3A_489 {strides = array<i32>} : memref<80x128xf32, #tpu.memory_space<vmem>>, vector<16xf32>,
        %parallel_loop3A_493 = arith.index_cast %parallel_loop3A_463 : i32 to index
        %parallel_loop3A_494 = arith.constant 48 : index
        %parallel_loop3A_495 = tpu.vector_load %arg15[%parallel_loop3A_493, %parallel_loop3A_494] {strides = array<i32>} : memref<80x128xf32, #tpu.memory_space<vmem>>, vector<16xf32>,
        %parallel_loop3A_496 = arith.mulf %parallel_loop3A_495, %parallel_loop3A_471 : vector<16xf32>
        %parallel_loop3A_497 = arith.index_cast %parallel_loop3A_463 : i32 to index
        %parallel_loop3A_498 = arith.constant 48 : index
        %parallel_loop3A_499 = tpu.vector_load %arg15[%parallel_loop3A_497, %parallel_loop3A_498] {strides = array<i32>} : memref<80x128xf32, #tpu.memory_space<vmem>>, vector<16xf32>,
        tpu.vector_store %arg15[%parallel_loop3A_497, %parallel_loop3A_498], %parallel_loop3A_496 {strides = array<i32>} : memref<80x128xf32, #tpu.memory_space<vmem>>, vector<16xf32>,
        %parallel_loop3A_500 = arith.index_cast %parallel_loop3A_463 : i32 to index
        %parallel_loop3A_501 = arith.constant 64 : index
        %parallel_loop3A_502 = tpu.vector_load %arg15[%parallel_loop3A_500, %parallel_loop3A_501] {strides = array<i32>} : memref<80x128xf32, #tpu.memory_space<vmem>>, vector<16xf32>,
        %parallel_loop3A_503 = arith.mulf %parallel_loop3A_502, %parallel_loop3A_471 : vector<16xf32>
        %parallel_loop3A_504 = arith.index_cast %parallel_loop3A_463 : i32 to index
        %parallel_loop3A_505 = arith.constant 64 : index
        %parallel_loop3A_506 = tpu.vector_load %arg15[%parallel_loop3A_504, %parallel_loop3A_505] {strides = array<i32>} : memref<80x128xf32, #tpu.memory_space<vmem>>, vector<16xf32>,
        tpu.vector_store %arg15[%parallel_loop3A_504, %parallel_loop3A_505], %parallel_loop3A_503 {strides = array<i32>} : memref<80x128xf32, #tpu.memory_space<vmem>>, vector<16xf32>,
        %parallel_loop3A_507 = arith.index_cast %parallel_loop3A_463 : i32 to index
        %parallel_loop3A_508 = arith.constant 80 : index
        %parallel_loop3A_509 = tpu.vector_load %arg15[%parallel_loop3A_507, %parallel_loop3A_508] {strides = array<i32>} : memref<80x128xf32, #tpu.memory_space<vmem>>, vector<16xf32>,
        %parallel_loop3A_510 = arith.mulf %parallel_loop3A_509, %parallel_loop3A_471 : vector<16xf32>
        %parallel_loop3A_511 = arith.index_cast %parallel_loop3A_463 : i32 to index
        %parallel_loop3A_512 = arith.constant 80 : index
        %parallel_loop3A_513 = tpu.vector_load %arg15[%parallel_loop3A_511, %parallel_loop3A_512] {strides = array<i32>} : memref<80x128xf32, #tpu.memory_space<vmem>>, vector<16xf32>,
        tpu.vector_store %arg15[%parallel_loop3A_511, %parallel_loop3A_512], %parallel_loop3A_510 {strides = array<i32>} : memref<80x128xf32, #tpu.memory_space<vmem>>, vector<16xf32>,
        %parallel_loop3A_514 = arith.index_cast %parallel_loop3A_463 : i32 to index
        %parallel_loop3A_515 = arith.constant 96 : index
        %parallel_loop3A_516 = tpu.vector_load %arg15[%parallel_loop3A_514, %parallel_loop3A_515] {strides = array<i32>} : memref<80x128xf32, #tpu.memory_space<vmem>>, vector<16xf32>,
        %parallel_loop3A_517 = arith.mulf %parallel_loop3A_516, %parallel_loop3A_471 : vector<16xf32>
        %parallel_loop3A_518 = arith.index_cast %parallel_loop3A_463 : i32 to index
        %parallel_loop3A_519 = arith.constant 96 : index
        %parallel_loop3A_520 = tpu.vector_load %arg15[%parallel_loop3A_518, %parallel_loop3A_519] {strides = array<i32>} : memref<80x128xf32, #tpu.memory_space<vmem>>, vector<16xf32>,
        tpu.vector_store %arg15[%parallel_loop3A_518, %parallel_loop3A_519], %parallel_loop3A_517 {strides = array<i32>} : memref<80x128xf32, #tpu.memory_space<vmem>>, vector<16xf32>,
        %parallel_loop3A_521 = arith.index_cast %parallel_loop3A_463 : i32 to index
        %parallel_loop3A_522 = arith.constant 112 : index
        %parallel_loop3A_523 = tpu.vector_load %arg15[%parallel_loop3A_521, %parallel_loop3A_522] {strides = array<i32>} : memref<80x128xf32, #tpu.memory_space<vmem>>, vector<16xf32>,
        %parallel_loop3A_524 = arith.mulf %parallel_loop3A_523, %parallel_loop3A_471 : vector<16xf32>
        %parallel_loop3A_525 = arith.index_cast %parallel_loop3A_463 : i32 to index
        %parallel_loop3A_526 = arith.constant 112 : index
        %parallel_loop3A_527 = tpu.vector_load %arg15[%parallel_loop3A_525, %parallel_loop3A_526] {strides = array<i32>} : memref<80x128xf32, #tpu.memory_space<vmem>>, vector<16xf32>,
        tpu.vector_store %arg15[%parallel_loop3A_525, %parallel_loop3A_526], %parallel_loop3A_524 {strides = array<i32>} : memref<80x128xf32, #tpu.memory_space<vmem>>, vector<16xf32>,
      } {sc.loop_unroll_factor = 4 : i64, sc.parallel_access}
      %dma_start3A_333 = arith.constant 0 : i32
      %dma_start3A_334 = arith.constant 0 : i32
      %dma_start3A_335 = tpu.memref_slice %arg12[%dma_start3A_333, %dma_start3A_334] : memref<2x80xi32, #tpu.memory_space<vmem>> -> memref<1x80xi32, #tpu.memory_space<vmem>>
      %dma_start3A_336 = tpu.memref_squeeze %dma_start3A_335 : memref<1x80xi32, #tpu.memory_space<vmem>> -> memref<80xi32, #tpu.memory_space<vmem>>
      %dma_start3A_337 = arith.constant 0 : i32
      %dma_start3A_338 = arith.constant 0 : i32
      %dma_start3A_339 = tpu.memref_slice %arg25[%dma_start3A_337, %dma_start3A_338] : memref<10000x128xf32, #tpu.memory_space<vmem_shared>> -> memref<10000x128xf32, #tpu.memory_space<vmem_shared>>
      tpu.enqueue_indirect_dma source(%arg15 : memref<80x128xf32, #tpu.memory_space<vmem>>) target(%dma_start3A_339 : memref<10000x128xf32, #tpu.memory_space<vmem_shared>>) offsets(%dma_start3A_336 : memref<80xi32, #tpu.memory_space<vmem>>) semaphore(%arg21 : memref<!tpu.dma_semaphore, #tpu.memory_space<semaphore_mem>>) {add = true}
      %mul3A_340 = arith.constant 2 : i32
      %mul3A_341 = arith.muli %mul3A_340, %scan3A_218 : i32
      %add3A_342 = arith.constant 1 : i32
      %add3A_343 = arith.addi %mul3A_341, %add3A_342 : i32
      %ge3A_344 = arith.constant 1 : i32
      %ge3A_345 = arith.cmpi sge, %add3A_343, %ge3A_344 : i32
      %convert_element_type3A_346 = arith.extui %ge3A_345 : i1 to i32
      %cond3A_347 = arith.constant 0 : i32
      %cond3A_348 = arith.cmpi ne, %convert_element_type3A_346, %cond3A_347 : i32
      scf.if %cond3A_348 {
        %sub3A = arith.constant 1 : i32
        %sub3A_463 = arith.subi %add3A_343, %sub3A : i32
        %dma_wait3A_464 = arith.constant 0 : i32
        %dma_wait3A_465 = arith.constant 0 : i32
        %dma_wait3A_466 = tpu.memref_slice %arg12[%dma_wait3A_464, %dma_wait3A_465] : memref<2x80xi32, #tpu.memory_space<vmem>> -> memref<1x80xi32, #tpu.memory_space<vmem>>
        %dma_wait3A_467 = tpu.memref_squeeze %dma_wait3A_466 : memref<1x80xi32, #tpu.memory_space<vmem>> -> memref<80xi32, #tpu.memory_space<vmem>>
        %dma_wait3A_468 = arith.constant 0 : i32
        %dma_wait3A_469 = arith.constant 0 : i32
        %dma_wait3A_470 = tpu.memref_slice %arg25[%dma_wait3A_468, %dma_wait3A_469] : memref<10000x128xf32, #tpu.memory_space<vmem_shared>> -> memref<10000x128xf32, #tpu.memory_space<vmem_shared>>
        tpu.wait_indirect_dma semaphore(%arg21 : memref<!tpu.dma_semaphore, #tpu.memory_space<semaphore_mem>>) src(%arg15 : memref<80x128xf32, #tpu.memory_space<vmem>>) dst(%dma_wait3A_470 : memref<10000x128xf32, #tpu.memory_space<vmem_shared>>)
        %sub3A_471 = arith.constant 1 : i32
        %sub3A_472 = arith.subi %add3A_343, %sub3A_471 : i32
        %mul3A_473 = arith.constant 80 : i32
        %mul3A_474 = arith.muli %sub3A_472, %mul3A_473 : i32
        %add3A_475 = arith.addi %mul3A_2, %mul3A_474 : i32
        %dma_wait3A_476 = arith.constant 0 : i32
        %dma_wait3A_477 = arith.constant 0 : i32
        %dma_wait3A_478 = tpu.memref_slice %arg14[%dma_wait3A_476, %dma_wait3A_477] : memref<2x80xf32, #tpu.memory_space<vmem>> -> memref<1x80xf32, #tpu.memory_space<vmem>>
        %dma_wait3A_479 = tpu.memref_squeeze %dma_wait3A_478 : memref<1x80xf32, #tpu.memory_space<vmem>> -> memref<80xf32, #tpu.memory_space<vmem>>
        %dma_wait3A_480 = tpu.memref_slice %arg8[%add3A_475] : memref<320000xf32, #tpu.memory_space<hbm>> -> memref<80xf32, #tpu.memory_space<hbm>>
        %dma_wait3A_481 = tpu.memref_slice %arg8[%add3A_475] : memref<320000xf32, #tpu.memory_space<hbm>> -> memref<80xf32, #tpu.memory_space<hbm>>
        %dma_wait3A_482 = arith.constant 0 : i32
        %dma_wait3A_483 = tpu.memref_slice %arg14[%dma_wait3A_476, %dma_wait3A_482] : memref<2x80xf32, #tpu.memory_space<vmem>> -> memref<1x80xf32, #tpu.memory_space<vmem>>
        %dma_wait3A_484 = tpu.memref_squeeze %dma_wait3A_483 : memref<1x80xf32, #tpu.memory_space<vmem>> -> memref<80xf32, #tpu.memory_space<vmem>>
        tpu.wait_dma2 semaphore(%arg23 : memref<!tpu.dma_semaphore, #tpu.memory_space<semaphore_mem>>) src(%dma_wait3A_484 : memref<80xf32, #tpu.memory_space<vmem>>) dst(%dma_wait3A_481 : memref<80xf32, #tpu.memory_space<hbm>>)
      } else {
      }
      %add3A_349 = arith.constant 1 : i32
      %add3A_350 = arith.addi %add3A_343, %add3A_349 : i32
      %lt3A_351 = arith.constant 125 : i32
      %lt3A_352 = arith.cmpi slt, %add3A_350, %lt3A_351 : i32
      %convert_element_type3A_353 = arith.extui %lt3A_352 : i1 to i32
      %cond3A_354 = arith.constant 0 : i32
      %cond3A_355 = arith.cmpi ne, %convert_element_type3A_353, %cond3A_354 : i32
      scf.if %cond3A_355 {
        %add3A_463 = arith.constant 1 : i32
        %add3A_464 = arith.addi %add3A_343, %add3A_463 : i32
        %mul3A_465 = arith.constant 80 : i32
        %mul3A_466 = arith.muli %add3A_464, %mul3A_465 : i32
        %add3A_467 = arith.addi %mul3A_2, %mul3A_466 : i32
        %dma_start3A_468 = arith.constant 0 : i32
        %dma_start3A_469 = arith.constant 0 : i32
        %dma_start3A_470 = tpu.memref_slice %arg12[%dma_start3A_468, %dma_start3A_469] : memref<2x80xi32, #tpu.memory_space<vmem>> -> memref<1x80xi32, #tpu.memory_space<vmem>>
        %dma_start3A_471 = tpu.memref_squeeze %dma_start3A_470 : memref<1x80xi32, #tpu.memory_space<vmem>> -> memref<80xi32, #tpu.memory_space<vmem>>
        %dma_start3A_472 = tpu.memref_slice %arg4[%add3A_467] : memref<320000xi32, #tpu.memory_space<hbm>> -> memref<80xi32, #tpu.memory_space<hbm>>
        %dma_start3A_473 = arith.constant 0 : i32
        %dma_start3A_474 = tpu.memref_slice %arg12[%dma_start3A_468, %dma_start3A_473] : memref<2x80xi32, #tpu.memory_space<vmem>> -> memref<1x80xi32, #tpu.memory_space<vmem>>
        %dma_start3A_475 = tpu.memref_squeeze %dma_start3A_474 : memref<1x80xi32, #tpu.memory_space<vmem>> -> memref<80xi32, #tpu.memory_space<vmem>>
        %dma_start3A_476 = tpu.memref_slice %arg4[%add3A_467] : memref<320000xi32, #tpu.memory_space<hbm>> -> memref<80xi32, #tpu.memory_space<hbm>>
        tpu.enqueue_dma source(%dma_start3A_476 : memref<80xi32, #tpu.memory_space<hbm>>) target(%dma_start3A_475 : memref<80xi32, #tpu.memory_space<vmem>>) target_semaphore(%arg17 : memref<!tpu.dma_semaphore, #tpu.memory_space<semaphore_mem>>)
        %dma_start3A_477 = arith.constant 0 : i32
        %dma_start3A_478 = arith.constant 0 : i32
        %dma_start3A_479 = tpu.memref_slice %arg13[%dma_start3A_477, %dma_start3A_478] : memref<2x80xi32, #tpu.memory_space<vmem>> -> memref<1x80xi32, #tpu.memory_space<vmem>>
        %dma_start3A_480 = tpu.memref_squeeze %dma_start3A_479 : memref<1x80xi32, #tpu.memory_space<vmem>> -> memref<80xi32, #tpu.memory_space<vmem>>
        %dma_start3A_481 = tpu.memref_slice %arg5[%add3A_467] : memref<320000xi32, #tpu.memory_space<hbm>> -> memref<80xi32, #tpu.memory_space<hbm>>
        %dma_start3A_482 = arith.constant 0 : i32
        %dma_start3A_483 = tpu.memref_slice %arg13[%dma_start3A_477, %dma_start3A_482] : memref<2x80xi32, #tpu.memory_space<vmem>> -> memref<1x80xi32, #tpu.memory_space<vmem>>
        %dma_start3A_484 = tpu.memref_squeeze %dma_start3A_483 : memref<1x80xi32, #tpu.memory_space<vmem>> -> memref<80xi32, #tpu.memory_space<vmem>>
        %dma_start3A_485 = tpu.memref_slice %arg5[%add3A_467] : memref<320000xi32, #tpu.memory_space<hbm>> -> memref<80xi32, #tpu.memory_space<hbm>>
        tpu.enqueue_dma source(%dma_start3A_485 : memref<80xi32, #tpu.memory_space<hbm>>) target(%dma_start3A_484 : memref<80xi32, #tpu.memory_space<vmem>>) target_semaphore(%arg17 : memref<!tpu.dma_semaphore, #tpu.memory_space<semaphore_mem>>)
        %dma_start3A_486 = arith.constant 0 : i32
        %dma_start3A_487 = arith.constant 0 : i32
        %dma_start3A_488 = tpu.memref_slice %arg14[%dma_start3A_486, %dma_start3A_487] : memref<2x80xf32, #tpu.memory_space<vmem>> -> memref<1x80xf32, #tpu.memory_space<vmem>>
        %dma_start3A_489 = tpu.memref_squeeze %dma_start3A_488 : memref<1x80xf32, #tpu.memory_space<vmem>> -> memref<80xf32, #tpu.memory_space<vmem>>
        %dma_start3A_490 = tpu.memref_slice %arg2[%add3A_467] : memref<320000xf32, #tpu.memory_space<hbm>> -> memref<80xf32, #tpu.memory_space<hbm>>
        %dma_start3A_491 = arith.constant 0 : i32
        %dma_start3A_492 = tpu.memref_slice %arg14[%dma_start3A_486, %dma_start3A_491] : memref<2x80xf32, #tpu.memory_space<vmem>> -> memref<1x80xf32, #tpu.memory_space<vmem>>
        %dma_start3A_493 = tpu.memref_squeeze %dma_start3A_492 : memref<1x80xf32, #tpu.memory_space<vmem>> -> memref<80xf32, #tpu.memory_space<vmem>>
        %dma_start3A_494 = tpu.memref_slice %arg2[%add3A_467] : memref<320000xf32, #tpu.memory_space<hbm>> -> memref<80xf32, #tpu.memory_space<hbm>>
        tpu.enqueue_dma source(%dma_start3A_494 : memref<80xf32, #tpu.memory_space<hbm>>) target(%dma_start3A_493 : memref<80xf32, #tpu.memory_space<vmem>>) target_semaphore(%arg17 : memref<!tpu.dma_semaphore, #tpu.memory_space<semaphore_mem>>)
      } else {
      }
      %dma_wait3A_356 = arith.constant 1 : i32
      %dma_wait3A_357 = arith.constant 0 : i32
      %dma_wait3A_358 = tpu.memref_slice %arg13[%dma_wait3A_356, %dma_wait3A_357] : memref<2x80xi32, #tpu.memory_space<vmem>> -> memref<1x80xi32, #tpu.memory_space<vmem>>
      %dma_wait3A_359 = tpu.memref_squeeze %dma_wait3A_358 : memref<1x80xi32, #tpu.memory_space<vmem>> -> memref<80xi32, #tpu.memory_space<vmem>>
      %dma_wait3A_360 = arith.constant 0 : i32
      %dma_wait3A_361 = arith.constant 0 : i32
      %dma_wait3A_362 = tpu.memref_slice %arg6[%dma_wait3A_360, %dma_wait3A_361] : memref<10000x128xf32, #tpu.memory_space<hbm>> -> memref<10000x128xf32, #tpu.memory_space<hbm>>
      tpu.wait_indirect_dma semaphore(%arg20 : memref<!tpu.dma_semaphore, #tpu.memory_space<semaphore_mem>>) src(%dma_wait3A_362 : memref<10000x128xf32, #tpu.memory_space<hbm>>) dst(%arg16 : memref<80x128xf32, #tpu.memory_space<vmem>>)
      %get3A_363 = arith.constant 1 : i32
      %get3A_364 = arith.index_cast %get3A_363 : i32 to index
      %get3A_365 = arith.constant 0 : index
      %get3A_366 = tpu.vector_load %arg12[%get3A_364, %get3A_365] {strides = array<i32>} : memref<2x80xi32, #tpu.memory_space<vmem>>, vector<16xi32>,
      %gather3A_367 = tpu.vector_load_idx %arg10[%get3A_366] : memref<10000xf32, #tpu.memory_space<vmem>>[vector<16xi32>], vector<16xf32>,
      %get3A_368 = arith.constant 1 : i32
      %get3A_369 = arith.index_cast %get3A_368 : i32 to index
      %get3A_370 = arith.constant 0 : index
      %get3A_371 = tpu.vector_load %arg14[%get3A_369, %get3A_370] {strides = array<i32>} : memref<2x80xf32, #tpu.memory_space<vmem>>, vector<16xf32>,
      %div3A_372 = arith.divf %get3A_371, %gather3A_367 : vector<16xf32>
      %swap3A_373 = arith.constant 1 : i32
      %swap3A_374 = arith.index_cast %swap3A_373 : i32 to index
      %swap3A_375 = arith.constant 0 : index
      %swap3A_376 = tpu.vector_load %arg14[%swap3A_374, %swap3A_375] {strides = array<i32>} : memref<2x80xf32, #tpu.memory_space<vmem>>, vector<16xf32>,
      tpu.vector_store %arg14[%swap3A_374, %swap3A_375], %div3A_372 {strides = array<i32>} : memref<2x80xf32, #tpu.memory_space<vmem>>, vector<16xf32>,
      %get3A_377 = arith.constant 1 : i32
      %get3A_378 = arith.index_cast %get3A_377 : i32 to index
      %get3A_379 = arith.constant 16 : index
      %get3A_380 = tpu.vector_load %arg12[%get3A_378, %get3A_379] {strides = array<i32>} : memref<2x80xi32, #tpu.memory_space<vmem>>, vector<16xi32>,
      %gather3A_381 = tpu.vector_load_idx %arg10[%get3A_380] : memref<10000xf32, #tpu.memory_space<vmem>>[vector<16xi32>], vector<16xf32>,
      %get3A_382 = arith.constant 1 : i32
      %get3A_383 = arith.index_cast %get3A_382 : i32 to index
      %get3A_384 = arith.constant 16 : index
      %get3A_385 = tpu.vector_load %arg14[%get3A_383, %get3A_384] {strides = array<i32>} : memref<2x80xf32, #tpu.memory_space<vmem>>, vector<16xf32>,
      %div3A_386 = arith.divf %get3A_385, %gather3A_381 : vector<16xf32>
      %swap3A_387 = arith.constant 1 : i32
      %swap3A_388 = arith.index_cast %swap3A_387 : i32 to index
      %swap3A_389 = arith.constant 16 : index
      %swap3A_390 = tpu.vector_load %arg14[%swap3A_388, %swap3A_389] {strides = array<i32>} : memref<2x80xf32, #tpu.memory_space<vmem>>, vector<16xf32>,
      tpu.vector_store %arg14[%swap3A_388, %swap3A_389], %div3A_386 {strides = array<i32>} : memref<2x80xf32, #tpu.memory_space<vmem>>, vector<16xf32>,
      %get3A_391 = arith.constant 1 : i32
      %get3A_392 = arith.index_cast %get3A_391 : i32 to index
      %get3A_393 = arith.constant 32 : index
      %get3A_394 = tpu.vector_load %arg12[%get3A_392, %get3A_393] {strides = array<i32>} : memref<2x80xi32, #tpu.memory_space<vmem>>, vector<16xi32>,
      %gather3A_395 = tpu.vector_load_idx %arg10[%get3A_394] : memref<10000xf32, #tpu.memory_space<vmem>>[vector<16xi32>], vector<16xf32>,
      %get3A_396 = arith.constant 1 : i32
      %get3A_397 = arith.index_cast %get3A_396 : i32 to index
      %get3A_398 = arith.constant 32 : index
      %get3A_399 = tpu.vector_load %arg14[%get3A_397, %get3A_398] {strides = array<i32>} : memref<2x80xf32, #tpu.memory_space<vmem>>, vector<16xf32>,
      %div3A_400 = arith.divf %get3A_399, %gather3A_395 : vector<16xf32>
      %swap3A_401 = arith.constant 1 : i32
      %swap3A_402 = arith.index_cast %swap3A_401 : i32 to index
      %swap3A_403 = arith.constant 32 : index
      %swap3A_404 = tpu.vector_load %arg14[%swap3A_402, %swap3A_403] {strides = array<i32>} : memref<2x80xf32, #tpu.memory_space<vmem>>, vector<16xf32>,
      tpu.vector_store %arg14[%swap3A_402, %swap3A_403], %div3A_400 {strides = array<i32>} : memref<2x80xf32, #tpu.memory_space<vmem>>, vector<16xf32>,
      %get3A_405 = arith.constant 1 : i32
      %get3A_406 = arith.index_cast %get3A_405 : i32 to index
      %get3A_407 = arith.constant 48 : index
      %get3A_408 = tpu.vector_load %arg12[%get3A_406, %get3A_407] {strides = array<i32>} : memref<2x80xi32, #tpu.memory_space<vmem>>, vector<16xi32>,
      %gather3A_409 = tpu.vector_load_idx %arg10[%get3A_408] : memref<10000xf32, #tpu.memory_space<vmem>>[vector<16xi32>], vector<16xf32>,
      %get3A_410 = arith.constant 1 : i32
      %get3A_411 = arith.index_cast %get3A_410 : i32 to index
      %get3A_412 = arith.constant 48 : index
      %get3A_413 = tpu.vector_load %arg14[%get3A_411, %get3A_412] {strides = array<i32>} : memref<2x80xf32, #tpu.memory_space<vmem>>, vector<16xf32>,
      %div3A_414 = arith.divf %get3A_413, %gather3A_409 : vector<16xf32>
      %swap3A_415 = arith.constant 1 : i32
      %swap3A_416 = arith.index_cast %swap3A_415 : i32 to index
      %swap3A_417 = arith.constant 48 : index
      %swap3A_418 = tpu.vector_load %arg14[%swap3A_416, %swap3A_417] {strides = array<i32>} : memref<2x80xf32, #tpu.memory_space<vmem>>, vector<16xf32>,
      tpu.vector_store %arg14[%swap3A_416, %swap3A_417], %div3A_414 {strides = array<i32>} : memref<2x80xf32, #tpu.memory_space<vmem>>, vector<16xf32>,
      %get3A_419 = arith.constant 1 : i32
      %get3A_420 = arith.index_cast %get3A_419 : i32 to index
      %get3A_421 = arith.constant 64 : index
      %get3A_422 = tpu.vector_load %arg12[%get3A_420, %get3A_421] {strides = array<i32>} : memref<2x80xi32, #tpu.memory_space<vmem>>, vector<16xi32>,
      %gather3A_423 = tpu.vector_load_idx %arg10[%get3A_422] : memref<10000xf32, #tpu.memory_space<vmem>>[vector<16xi32>], vector<16xf32>,
      %get3A_424 = arith.constant 1 : i32
      %get3A_425 = arith.index_cast %get3A_424 : i32 to index
      %get3A_426 = arith.constant 64 : index
      %get3A_427 = tpu.vector_load %arg14[%get3A_425, %get3A_426] {strides = array<i32>} : memref<2x80xf32, #tpu.memory_space<vmem>>, vector<16xf32>,
      %div3A_428 = arith.divf %get3A_427, %gather3A_423 : vector<16xf32>
      %swap3A_429 = arith.constant 1 : i32
      %swap3A_430 = arith.index_cast %swap3A_429 : i32 to index
      %swap3A_431 = arith.constant 64 : index
      %swap3A_432 = tpu.vector_load %arg14[%swap3A_430, %swap3A_431] {strides = array<i32>} : memref<2x80xf32, #tpu.memory_space<vmem>>, vector<16xf32>,
      tpu.vector_store %arg14[%swap3A_430, %swap3A_431], %div3A_428 {strides = array<i32>} : memref<2x80xf32, #tpu.memory_space<vmem>>, vector<16xf32>,
      %mul3A_433 = arith.constant 80 : i32
      %mul3A_434 = arith.muli %add3A_343, %mul3A_433 : i32
      %add3A_435 = arith.addi %mul3A_2, %mul3A_434 : i32
      %dma_start3A_436 = arith.constant 1 : i32
      %dma_start3A_437 = arith.constant 0 : i32
      %dma_start3A_438 = tpu.memref_slice %arg14[%dma_start3A_436, %dma_start3A_437] : memref<2x80xf32, #tpu.memory_space<vmem>> -> memref<1x80xf32, #tpu.memory_space<vmem>>
      %dma_start3A_439 = tpu.memref_squeeze %dma_start3A_438 : memref<1x80xf32, #tpu.memory_space<vmem>> -> memref<80xf32, #tpu.memory_space<vmem>>
      %dma_start3A_440 = tpu.memref_slice %arg8[%add3A_435] : memref<320000xf32, #tpu.memory_space<hbm>> -> memref<80xf32, #tpu.memory_space<hbm>>
      %dma_start3A_441 = tpu.memref_slice %arg8[%add3A_435] : memref<320000xf32, #tpu.memory_space<hbm>> -> memref<80xf32, #tpu.memory_space<hbm>>
      %dma_start3A_442 = arith.constant 0 : i32
      %dma_start3A_443 = tpu.memref_slice %arg14[%dma_start3A_436, %dma_start3A_442] : memref<2x80xf32, #tpu.memory_space<vmem>> -> memref<1x80xf32, #tpu.memory_space<vmem>>
      %dma_start3A_444 = tpu.memref_squeeze %dma_start3A_443 : memref<1x80xf32, #tpu.memory_space<vmem>> -> memref<80xf32, #tpu.memory_space<vmem>>
      tpu.enqueue_dma source(%dma_start3A_444 : memref<80xf32, #tpu.memory_space<vmem>>) target(%dma_start3A_441 : memref<80xf32, #tpu.memory_space<hbm>>) target_semaphore(%arg24 : memref<!tpu.dma_semaphore, #tpu.memory_space<semaphore_mem>>)
      %add3A_445 = arith.constant 1 : i32
      %add3A_446 = arith.addi %add3A_343, %add3A_445 : i32
      %lt3A_447 = arith.constant 125 : i32
      %lt3A_448 = arith.cmpi slt, %add3A_446, %lt3A_447 : i32
      %convert_element_type3A_449 = arith.extui %lt3A_448 : i1 to i32
      %cond3A_450 = arith.constant 0 : i32
      %cond3A_451 = arith.cmpi ne, %convert_element_type3A_449, %cond3A_450 : i32
      scf.if %cond3A_451 {
        %add3A_463 = arith.constant 1 : i32
        %add3A_464 = arith.addi %add3A_343, %add3A_463 : i32
        %mul3A_465 = arith.constant 80 : i32
        %mul3A_466 = arith.muli %add3A_464, %mul3A_465 : i32
        %add3A_467 = arith.addi %mul3A_2, %mul3A_466 : i32
        %dma_wait3A_468 = arith.constant 0 : i32
        %dma_wait3A_469 = arith.constant 0 : i32
        %dma_wait3A_470 = tpu.memref_slice %arg12[%dma_wait3A_468, %dma_wait3A_469] : memref<2x80xi32, #tpu.memory_space<vmem>> -> memref<1x80xi32, #tpu.memory_space<vmem>>
        %dma_wait3A_471 = tpu.memref_squeeze %dma_wait3A_470 : memref<1x80xi32, #tpu.memory_space<vmem>> -> memref<80xi32, #tpu.memory_space<vmem>>
        %dma_wait3A_472 = tpu.memref_slice %arg4[%add3A_467] : memref<320000xi32, #tpu.memory_space<hbm>> -> memref<80xi32, #tpu.memory_space<hbm>>
        %dma_wait3A_473 = arith.constant 0 : i32
        %dma_wait3A_474 = tpu.memref_slice %arg12[%dma_wait3A_468, %dma_wait3A_473] : memref<2x80xi32, #tpu.memory_space<vmem>> -> memref<1x80xi32, #tpu.memory_space<vmem>>
        %dma_wait3A_475 = tpu.memref_squeeze %dma_wait3A_474 : memref<1x80xi32, #tpu.memory_space<vmem>> -> memref<80xi32, #tpu.memory_space<vmem>>
        %dma_wait3A_476 = tpu.memref_slice %arg4[%add3A_467] : memref<320000xi32, #tpu.memory_space<hbm>> -> memref<80xi32, #tpu.memory_space<hbm>>
        tpu.wait_dma2 semaphore(%arg17 : memref<!tpu.dma_semaphore, #tpu.memory_space<semaphore_mem>>) src(%dma_wait3A_476 : memref<80xi32, #tpu.memory_space<hbm>>) dst(%dma_wait3A_475 : memref<80xi32, #tpu.memory_space<vmem>>)
        %dma_wait3A_477 = arith.constant 0 : i32
        %dma_wait3A_478 = arith.constant 0 : i32
        %dma_wait3A_479 = tpu.memref_slice %arg13[%dma_wait3A_477, %dma_wait3A_478] : memref<2x80xi32, #tpu.memory_space<vmem>> -> memref<1x80xi32, #tpu.memory_space<vmem>>
        %dma_wait3A_480 = tpu.memref_squeeze %dma_wait3A_479 : memref<1x80xi32, #tpu.memory_space<vmem>> -> memref<80xi32, #tpu.memory_space<vmem>>
        %dma_wait3A_481 = tpu.memref_slice %arg5[%add3A_467] : memref<320000xi32, #tpu.memory_space<hbm>> -> memref<80xi32, #tpu.memory_space<hbm>>
        %dma_wait3A_482 = arith.constant 0 : i32
        %dma_wait3A_483 = tpu.memref_slice %arg13[%dma_wait3A_477, %dma_wait3A_482] : memref<2x80xi32, #tpu.memory_space<vmem>> -> memref<1x80xi32, #tpu.memory_space<vmem>>
        %dma_wait3A_484 = tpu.memref_squeeze %dma_wait3A_483 : memref<1x80xi32, #tpu.memory_space<vmem>> -> memref<80xi32, #tpu.memory_space<vmem>>
        %dma_wait3A_485 = tpu.memref_slice %arg5[%add3A_467] : memref<320000xi32, #tpu.memory_space<hbm>> -> memref<80xi32, #tpu.memory_space<hbm>>
        tpu.wait_dma2 semaphore(%arg17 : memref<!tpu.dma_semaphore, #tpu.memory_space<semaphore_mem>>) src(%dma_wait3A_485 : memref<80xi32, #tpu.memory_space<hbm>>) dst(%dma_wait3A_484 : memref<80xi32, #tpu.memory_space<vmem>>)
        %dma_wait3A_486 = arith.constant 0 : i32
        %dma_wait3A_487 = arith.constant 0 : i32
        %dma_wait3A_488 = tpu.memref_slice %arg14[%dma_wait3A_486, %dma_wait3A_487] : memref<2x80xf32, #tpu.memory_space<vmem>> -> memref<1x80xf32, #tpu.memory_space<vmem>>
        %dma_wait3A_489 = tpu.memref_squeeze %dma_wait3A_488 : memref<1x80xf32, #tpu.memory_space<vmem>> -> memref<80xf32, #tpu.memory_space<vmem>>
        %dma_wait3A_490 = tpu.memref_slice %arg2[%add3A_467] : memref<320000xf32, #tpu.memory_space<hbm>> -> memref<80xf32, #tpu.memory_space<hbm>>
        %dma_wait3A_491 = arith.constant 0 : i32
        %dma_wait3A_492 = tpu.memref_slice %arg14[%dma_wait3A_486, %dma_wait3A_491] : memref<2x80xf32, #tpu.memory_space<vmem>> -> memref<1x80xf32, #tpu.memory_space<vmem>>
        %dma_wait3A_493 = tpu.memref_squeeze %dma_wait3A_492 : memref<1x80xf32, #tpu.memory_space<vmem>> -> memref<80xf32, #tpu.memory_space<vmem>>
        %dma_wait3A_494 = tpu.memref_slice %arg2[%add3A_467] : memref<320000xf32, #tpu.memory_space<hbm>> -> memref<80xf32, #tpu.memory_space<hbm>>
        tpu.wait_dma2 semaphore(%arg17 : memref<!tpu.dma_semaphore, #tpu.memory_space<semaphore_mem>>) src(%dma_wait3A_494 : memref<80xf32, #tpu.memory_space<hbm>>) dst(%dma_wait3A_493 : memref<80xf32, #tpu.memory_space<vmem>>)
        %add3A_495 = arith.constant 1 : i32
        %add3A_496 = arith.addi %add3A_343, %add3A_495 : i32
        %dma_start3A_497 = arith.constant 0 : i32
        %dma_start3A_498 = arith.constant 0 : i32
        %dma_start3A_499 = tpu.memref_slice %arg13[%dma_start3A_497, %dma_start3A_498] : memref<2x80xi32, #tpu.memory_space<vmem>> -> memref<1x80xi32, #tpu.memory_space<vmem>>
        %dma_start3A_500 = tpu.memref_squeeze %dma_start3A_499 : memref<1x80xi32, #tpu.memory_space<vmem>> -> memref<80xi32, #tpu.memory_space<vmem>>
        %dma_start3A_501 = arith.constant 0 : i32
        %dma_start3A_502 = arith.constant 0 : i32
        %dma_start3A_503 = tpu.memref_slice %arg6[%dma_start3A_501, %dma_start3A_502] : memref<10000x128xf32, #tpu.memory_space<hbm>> -> memref<10000x128xf32, #tpu.memory_space<hbm>>
        tpu.enqueue_indirect_dma source(%dma_start3A_503 : memref<10000x128xf32, #tpu.memory_space<hbm>>) target(%arg15 : memref<80x128xf32, #tpu.memory_space<vmem>>) offsets(%dma_start3A_500 : memref<80xi32, #tpu.memory_space<vmem>>) semaphore(%arg19 : memref<!tpu.dma_semaphore, #tpu.memory_space<semaphore_mem>>)
      } else {
      }
      %parallel_loop3A_452 = arith.constant 0 : i32
      %parallel_loop3A_453 = arith.constant 80 : i32
      %parallel_loop3A_454 = arith.constant 1 : i32
      %parallel_loop3A_455 = arith.constant 1 : i32
      scf.for %parallel_loop3A_463 = %parallel_loop3A_452 to %parallel_loop3A_453 step %parallel_loop3A_454  : i32 {
        %parallel_loop3A_464 = arith.constant 0 : i32
        %parallel_loop3A_465 = vector.broadcast %parallel_loop3A_464 : i32 to vector<16xi32>
        %parallel_loop3A_466 = vector.broadcast %parallel_loop3A_463 : i32 to vector<16xi32>
        %parallel_loop3A_467 = arith.addi %parallel_loop3A_465, %parallel_loop3A_466 : vector<16xi32>
        %parallel_loop3A_468 = arith.constant 0 : i32
        %parallel_loop3A_469 = tpu.memref_slice %arg14[%parallel_loop3A_455, %parallel_loop3A_468] : memref<2x80xf32, #tpu.memory_space<vmem>> -> memref<1x80xf32, #tpu.memory_space<vmem>>
        %parallel_loop3A_470 = tpu.memref_squeeze %parallel_loop3A_469 : memref<1x80xf32, #tpu.memory_space<vmem>> -> memref<80xf32, #tpu.memory_space<vmem>>
        %parallel_loop3A_471 = tpu.vector_load_idx %parallel_loop3A_470[%parallel_loop3A_467] : memref<80xf32, #tpu.memory_space<vmem>>[vector<16xi32>], vector<16xf32>,
        %parallel_loop3A_472 = arith.index_cast %parallel_loop3A_463 : i32 to index
        %parallel_loop3A_473 = arith.constant 0 : index
        %parallel_loop3A_474 = tpu.vector_load %arg16[%parallel_loop3A_472, %parallel_loop3A_473] {strides = array<i32>} : memref<80x128xf32, #tpu.memory_space<vmem>>, vector<16xf32>,
        %parallel_loop3A_475 = arith.mulf %parallel_loop3A_474, %parallel_loop3A_471 : vector<16xf32>
        %parallel_loop3A_476 = arith.index_cast %parallel_loop3A_463 : i32 to index
        %parallel_loop3A_477 = arith.constant 0 : index
        %parallel_loop3A_478 = tpu.vector_load %arg16[%parallel_loop3A_476, %parallel_loop3A_477] {strides = array<i32>} : memref<80x128xf32, #tpu.memory_space<vmem>>, vector<16xf32>,
        tpu.vector_store %arg16[%parallel_loop3A_476, %parallel_loop3A_477], %parallel_loop3A_475 {strides = array<i32>} : memref<80x128xf32, #tpu.memory_space<vmem>>, vector<16xf32>,
        %parallel_loop3A_479 = arith.index_cast %parallel_loop3A_463 : i32 to index
        %parallel_loop3A_480 = arith.constant 16 : index
        %parallel_loop3A_481 = tpu.vector_load %arg16[%parallel_loop3A_479, %parallel_loop3A_480] {strides = array<i32>} : memref<80x128xf32, #tpu.memory_space<vmem>>, vector<16xf32>,
        %parallel_loop3A_482 = arith.mulf %parallel_loop3A_481, %parallel_loop3A_471 : vector<16xf32>
        %parallel_loop3A_483 = arith.index_cast %parallel_loop3A_463 : i32 to index
        %parallel_loop3A_484 = arith.constant 16 : index
        %parallel_loop3A_485 = tpu.vector_load %arg16[%parallel_loop3A_483, %parallel_loop3A_484] {strides = array<i32>} : memref<80x128xf32, #tpu.memory_space<vmem>>, vector<16xf32>,
        tpu.vector_store %arg16[%parallel_loop3A_483, %parallel_loop3A_484], %parallel_loop3A_482 {strides = array<i32>} : memref<80x128xf32, #tpu.memory_space<vmem>>, vector<16xf32>,
        %parallel_loop3A_486 = arith.index_cast %parallel_loop3A_463 : i32 to index
        %parallel_loop3A_487 = arith.constant 32 : index
        %parallel_loop3A_488 = tpu.vector_load %arg16[%parallel_loop3A_486, %parallel_loop3A_487] {strides = array<i32>} : memref<80x128xf32, #tpu.memory_space<vmem>>, vector<16xf32>,
        %parallel_loop3A_489 = arith.mulf %parallel_loop3A_488, %parallel_loop3A_471 : vector<16xf32>
        %parallel_loop3A_490 = arith.index_cast %parallel_loop3A_463 : i32 to index
        %parallel_loop3A_491 = arith.constant 32 : index
        %parallel_loop3A_492 = tpu.vector_load %arg16[%parallel_loop3A_490, %parallel_loop3A_491] {strides = array<i32>} : memref<80x128xf32, #tpu.memory_space<vmem>>, vector<16xf32>,
        tpu.vector_store %arg16[%parallel_loop3A_490, %parallel_loop3A_491], %parallel_loop3A_489 {strides = array<i32>} : memref<80x128xf32, #tpu.memory_space<vmem>>, vector<16xf32>,
        %parallel_loop3A_493 = arith.index_cast %parallel_loop3A_463 : i32 to index
        %parallel_loop3A_494 = arith.constant 48 : index
        %parallel_loop3A_495 = tpu.vector_load %arg16[%parallel_loop3A_493, %parallel_loop3A_494] {strides = array<i32>} : memref<80x128xf32, #tpu.memory_space<vmem>>, vector<16xf32>,
        %parallel_loop3A_496 = arith.mulf %parallel_loop3A_495, %parallel_loop3A_471 : vector<16xf32>
        %parallel_loop3A_497 = arith.index_cast %parallel_loop3A_463 : i32 to index
        %parallel_loop3A_498 = arith.constant 48 : index
        %parallel_loop3A_499 = tpu.vector_load %arg16[%parallel_loop3A_497, %parallel_loop3A_498] {strides = array<i32>} : memref<80x128xf32, #tpu.memory_space<vmem>>, vector<16xf32>,
        tpu.vector_store %arg16[%parallel_loop3A_497, %parallel_loop3A_498], %parallel_loop3A_496 {strides = array<i32>} : memref<80x128xf32, #tpu.memory_space<vmem>>, vector<16xf32>,
        %parallel_loop3A_500 = arith.index_cast %parallel_loop3A_463 : i32 to index
        %parallel_loop3A_501 = arith.constant 64 : index
        %parallel_loop3A_502 = tpu.vector_load %arg16[%parallel_loop3A_500, %parallel_loop3A_501] {strides = array<i32>} : memref<80x128xf32, #tpu.memory_space<vmem>>, vector<16xf32>,
        %parallel_loop3A_503 = arith.mulf %parallel_loop3A_502, %parallel_loop3A_471 : vector<16xf32>
        %parallel_loop3A_504 = arith.index_cast %parallel_loop3A_463 : i32 to index
        %parallel_loop3A_505 = arith.constant 64 : index
        %parallel_loop3A_506 = tpu.vector_load %arg16[%parallel_loop3A_504, %parallel_loop3A_505] {strides = array<i32>} : memref<80x128xf32, #tpu.memory_space<vmem>>, vector<16xf32>,
        tpu.vector_store %arg16[%parallel_loop3A_504, %parallel_loop3A_505], %parallel_loop3A_503 {strides = array<i32>} : memref<80x128xf32, #tpu.memory_space<vmem>>, vector<16xf32>,
        %parallel_loop3A_507 = arith.index_cast %parallel_loop3A_463 : i32 to index
        %parallel_loop3A_508 = arith.constant 80 : index
        %parallel_loop3A_509 = tpu.vector_load %arg16[%parallel_loop3A_507, %parallel_loop3A_508] {strides = array<i32>} : memref<80x128xf32, #tpu.memory_space<vmem>>, vector<16xf32>,
        %parallel_loop3A_510 = arith.mulf %parallel_loop3A_509, %parallel_loop3A_471 : vector<16xf32>
        %parallel_loop3A_511 = arith.index_cast %parallel_loop3A_463 : i32 to index
        %parallel_loop3A_512 = arith.constant 80 : index
        %parallel_loop3A_513 = tpu.vector_load %arg16[%parallel_loop3A_511, %parallel_loop3A_512] {strides = array<i32>} : memref<80x128xf32, #tpu.memory_space<vmem>>, vector<16xf32>,
        tpu.vector_store %arg16[%parallel_loop3A_511, %parallel_loop3A_512], %parallel_loop3A_510 {strides = array<i32>} : memref<80x128xf32, #tpu.memory_space<vmem>>, vector<16xf32>,
        %parallel_loop3A_514 = arith.index_cast %parallel_loop3A_463 : i32 to index
        %parallel_loop3A_515 = arith.constant 96 : index
        %parallel_loop3A_516 = tpu.vector_load %arg16[%parallel_loop3A_514, %parallel_loop3A_515] {strides = array<i32>} : memref<80x128xf32, #tpu.memory_space<vmem>>, vector<16xf32>,
        %parallel_loop3A_517 = arith.mulf %parallel_loop3A_516, %parallel_loop3A_471 : vector<16xf32>
        %parallel_loop3A_518 = arith.index_cast %parallel_loop3A_463 : i32 to index
        %parallel_loop3A_519 = arith.constant 96 : index
        %parallel_loop3A_520 = tpu.vector_load %arg16[%parallel_loop3A_518, %parallel_loop3A_519] {strides = array<i32>} : memref<80x128xf32, #tpu.memory_space<vmem>>, vector<16xf32>,
        tpu.vector_store %arg16[%parallel_loop3A_518, %parallel_loop3A_519], %parallel_loop3A_517 {strides = array<i32>} : memref<80x128xf32, #tpu.memory_space<vmem>>, vector<16xf32>,
        %parallel_loop3A_521 = arith.index_cast %parallel_loop3A_463 : i32 to index
        %parallel_loop3A_522 = arith.constant 112 : index
        %parallel_loop3A_523 = tpu.vector_load %arg16[%parallel_loop3A_521, %parallel_loop3A_522] {strides = array<i32>} : memref<80x128xf32, #tpu.memory_space<vmem>>, vector<16xf32>,
        %parallel_loop3A_524 = arith.mulf %parallel_loop3A_523, %parallel_loop3A_471 : vector<16xf32>
        %parallel_loop3A_525 = arith.index_cast %parallel_loop3A_463 : i32 to index
        %parallel_loop3A_526 = arith.constant 112 : index
        %parallel_loop3A_527 = tpu.vector_load %arg16[%parallel_loop3A_525, %parallel_loop3A_526] {strides = array<i32>} : memref<80x128xf32, #tpu.memory_space<vmem>>, vector<16xf32>,
        tpu.vector_store %arg16[%parallel_loop3A_525, %parallel_loop3A_526], %parallel_loop3A_524 {strides = array<i32>} : memref<80x128xf32, #tpu.memory_space<vmem>>, vector<16xf32>,
      } {sc.loop_unroll_factor = 4 : i64, sc.parallel_access}
      %dma_start3A_456 = arith.constant 1 : i32
      %dma_start3A_457 = arith.constant 0 : i32
      %dma_start3A_458 = tpu.memref_slice %arg12[%dma_start3A_456, %dma_start3A_457] : memref<2x80xi32, #tpu.memory_space<vmem>> -> memref<1x80xi32, #tpu.memory_space<vmem>>
      %dma_start3A_459 = tpu.memref_squeeze %dma_start3A_458 : memref<1x80xi32, #tpu.memory_space<vmem>> -> memref<80xi32, #tpu.memory_space<vmem>>
      %dma_start3A_460 = arith.constant 0 : i32
      %dma_start3A_461 = arith.constant 0 : i32
      %dma_start3A_462 = tpu.memref_slice %arg25[%dma_start3A_460, %dma_start3A_461] : memref<10000x128xf32, #tpu.memory_space<vmem_shared>> -> memref<10000x128xf32, #tpu.memory_space<vmem_shared>>
      tpu.enqueue_indirect_dma source(%arg16 : memref<80x128xf32, #tpu.memory_space<vmem>>) target(%dma_start3A_462 : memref<10000x128xf32, #tpu.memory_space<vmem_shared>>) offsets(%dma_start3A_459 : memref<80xi32, #tpu.memory_space<vmem>>) semaphore(%arg22 : memref<!tpu.dma_semaphore, #tpu.memory_space<semaphore_mem>>) {add = true}
    }
    %scan3A_81 = arith.constant 62 : i32
    %dma_wait3A_82 = arith.constant 1 : i32
    %dma_wait3A_83 = arith.constant 0 : i32
    %dma_wait3A_84 = tpu.memref_slice %arg12[%dma_wait3A_82, %dma_wait3A_83] : memref<2x80xi32, #tpu.memory_space<vmem>> -> memref<1x80xi32, #tpu.memory_space<vmem>>
    %dma_wait3A_85 = tpu.memref_squeeze %dma_wait3A_84 : memref<1x80xi32, #tpu.memory_space<vmem>> -> memref<80xi32, #tpu.memory_space<vmem>>
    %dma_wait3A_86 = arith.constant 0 : i32
    %dma_wait3A_87 = arith.constant 0 : i32
    %dma_wait3A_88 = tpu.memref_slice %arg25[%dma_wait3A_86, %dma_wait3A_87] : memref<10000x128xf32, #tpu.memory_space<vmem_shared>> -> memref<10000x128xf32, #tpu.memory_space<vmem_shared>>
    tpu.wait_indirect_dma semaphore(%arg22 : memref<!tpu.dma_semaphore, #tpu.memory_space<semaphore_mem>>) src(%arg16 : memref<80x128xf32, #tpu.memory_space<vmem>>) dst(%dma_wait3A_88 : memref<10000x128xf32, #tpu.memory_space<vmem_shared>>)
    %add3A_89 = arith.constant 9840 : i32
    %add3A_90 = arith.addi %mul3A_2, %add3A_89 : i32
    %dma_wait3A_91 = arith.constant 1 : i32
    %dma_wait3A_92 = arith.constant 0 : i32
    %dma_wait3A_93 = tpu.memref_slice %arg14[%dma_wait3A_91, %dma_wait3A_92] : memref<2x80xf32, #tpu.memory_space<vmem>> -> memref<1x80xf32, #tpu.memory_space<vmem>>
    %dma_wait3A_94 = tpu.memref_squeeze %dma_wait3A_93 : memref<1x80xf32, #tpu.memory_space<vmem>> -> memref<80xf32, #tpu.memory_space<vmem>>
    %dma_wait3A_95 = tpu.memref_slice %arg8[%add3A_90] : memref<320000xf32, #tpu.memory_space<hbm>> -> memref<80xf32, #tpu.memory_space<hbm>>
    %dma_wait3A_96 = tpu.memref_slice %arg8[%add3A_90] : memref<320000xf32, #tpu.memory_space<hbm>> -> memref<80xf32, #tpu.memory_space<hbm>>
    %dma_wait3A_97 = arith.constant 0 : i32
    %dma_wait3A_98 = tpu.memref_slice %arg14[%dma_wait3A_91, %dma_wait3A_97] : memref<2x80xf32, #tpu.memory_space<vmem>> -> memref<1x80xf32, #tpu.memory_space<vmem>>
    %dma_wait3A_99 = tpu.memref_squeeze %dma_wait3A_98 : memref<1x80xf32, #tpu.memory_space<vmem>> -> memref<80xf32, #tpu.memory_space<vmem>>
    tpu.wait_dma2 semaphore(%arg24 : memref<!tpu.dma_semaphore, #tpu.memory_space<semaphore_mem>>) src(%dma_wait3A_99 : memref<80xf32, #tpu.memory_space<vmem>>) dst(%dma_wait3A_96 : memref<80xf32, #tpu.memory_space<hbm>>)
    %dma_wait3A_100 = arith.constant 0 : i32
    %dma_wait3A_101 = arith.constant 0 : i32
    %dma_wait3A_102 = tpu.memref_slice %arg13[%dma_wait3A_100, %dma_wait3A_101] : memref<2x80xi32, #tpu.memory_space<vmem>> -> memref<1x80xi32, #tpu.memory_space<vmem>>
    %dma_wait3A_103 = tpu.memref_squeeze %dma_wait3A_102 : memref<1x80xi32, #tpu.memory_space<vmem>> -> memref<80xi32, #tpu.memory_space<vmem>>
    %dma_wait3A_104 = arith.constant 0 : i32
    %dma_wait3A_105 = arith.constant 0 : i32
    %dma_wait3A_106 = tpu.memref_slice %arg6[%dma_wait3A_104, %dma_wait3A_105] : memref<10000x128xf32, #tpu.memory_space<hbm>> -> memref<10000x128xf32, #tpu.memory_space<hbm>>
    tpu.wait_indirect_dma semaphore(%arg19 : memref<!tpu.dma_semaphore, #tpu.memory_space<semaphore_mem>>) src(%dma_wait3A_106 : memref<10000x128xf32, #tpu.memory_space<hbm>>) dst(%arg15 : memref<80x128xf32, #tpu.memory_space<vmem>>)
    %get3A = arith.constant 0 : i32
    %get3A_107 = arith.index_cast %get3A : i32 to index
    %get3A_108 = arith.constant 0 : index
    %get3A_109 = tpu.vector_load %arg12[%get3A_107, %get3A_108] {strides = array<i32>} : memref<2x80xi32, #tpu.memory_space<vmem>>, vector<16xi32>,
    %gather3A = tpu.vector_load_idx %arg10[%get3A_109] : memref<10000xf32, #tpu.memory_space<vmem>>[vector<16xi32>], vector<16xf32>,
    %get3A_110 = arith.constant 0 : i32
    %get3A_111 = arith.index_cast %get3A_110 : i32 to index
    %get3A_112 = arith.constant 0 : index
    %get3A_113 = tpu.vector_load %arg14[%get3A_111, %get3A_112] {strides = array<i32>} : memref<2x80xf32, #tpu.memory_space<vmem>>, vector<16xf32>,
    %div3A = arith.divf %get3A_113, %gather3A : vector<16xf32>
    %swap3A = arith.constant 0 : i32
    %swap3A_114 = arith.index_cast %swap3A : i32 to index
    %swap3A_115 = arith.constant 0 : index
    %swap3A_116 = tpu.vector_load %arg14[%swap3A_114, %swap3A_115] {strides = array<i32>} : memref<2x80xf32, #tpu.memory_space<vmem>>, vector<16xf32>,
    tpu.vector_store %arg14[%swap3A_114, %swap3A_115], %div3A {strides = array<i32>} : memref<2x80xf32, #tpu.memory_space<vmem>>, vector<16xf32>,
    %get3A_117 = arith.constant 0 : i32
    %get3A_118 = arith.index_cast %get3A_117 : i32 to index
    %get3A_119 = arith.constant 16 : index
    %get3A_120 = tpu.vector_load %arg12[%get3A_118, %get3A_119] {strides = array<i32>} : memref<2x80xi32, #tpu.memory_space<vmem>>, vector<16xi32>,
    %gather3A_121 = tpu.vector_load_idx %arg10[%get3A_120] : memref<10000xf32, #tpu.memory_space<vmem>>[vector<16xi32>], vector<16xf32>,
    %get3A_122 = arith.constant 0 : i32
    %get3A_123 = arith.index_cast %get3A_122 : i32 to index
    %get3A_124 = arith.constant 16 : index
    %get3A_125 = tpu.vector_load %arg14[%get3A_123, %get3A_124] {strides = array<i32>} : memref<2x80xf32, #tpu.memory_space<vmem>>, vector<16xf32>,
    %div3A_126 = arith.divf %get3A_125, %gather3A_121 : vector<16xf32>
    %swap3A_127 = arith.constant 0 : i32
    %swap3A_128 = arith.index_cast %swap3A_127 : i32 to index
    %swap3A_129 = arith.constant 16 : index
    %swap3A_130 = tpu.vector_load %arg14[%swap3A_128, %swap3A_129] {strides = array<i32>} : memref<2x80xf32, #tpu.memory_space<vmem>>, vector<16xf32>,
    tpu.vector_store %arg14[%swap3A_128, %swap3A_129], %div3A_126 {strides = array<i32>} : memref<2x80xf32, #tpu.memory_space<vmem>>, vector<16xf32>,
    %get3A_131 = arith.constant 0 : i32
    %get3A_132 = arith.index_cast %get3A_131 : i32 to index
    %get3A_133 = arith.constant 32 : index
    %get3A_134 = tpu.vector_load %arg12[%get3A_132, %get3A_133] {strides = array<i32>} : memref<2x80xi32, #tpu.memory_space<vmem>>, vector<16xi32>,
    %gather3A_135 = tpu.vector_load_idx %arg10[%get3A_134] : memref<10000xf32, #tpu.memory_space<vmem>>[vector<16xi32>], vector<16xf32>,
    %get3A_136 = arith.constant 0 : i32
    %get3A_137 = arith.index_cast %get3A_136 : i32 to index
    %get3A_138 = arith.constant 32 : index
    %get3A_139 = tpu.vector_load %arg14[%get3A_137, %get3A_138] {strides = array<i32>} : memref<2x80xf32, #tpu.memory_space<vmem>>, vector<16xf32>,
    %div3A_140 = arith.divf %get3A_139, %gather3A_135 : vector<16xf32>
    %swap3A_141 = arith.constant 0 : i32
    %swap3A_142 = arith.index_cast %swap3A_141 : i32 to index
    %swap3A_143 = arith.constant 32 : index
    %swap3A_144 = tpu.vector_load %arg14[%swap3A_142, %swap3A_143] {strides = array<i32>} : memref<2x80xf32, #tpu.memory_space<vmem>>, vector<16xf32>,
    tpu.vector_store %arg14[%swap3A_142, %swap3A_143], %div3A_140 {strides = array<i32>} : memref<2x80xf32, #tpu.memory_space<vmem>>, vector<16xf32>,
    %get3A_145 = arith.constant 0 : i32
    %get3A_146 = arith.index_cast %get3A_145 : i32 to index
    %get3A_147 = arith.constant 48 : index
    %get3A_148 = tpu.vector_load %arg12[%get3A_146, %get3A_147] {strides = array<i32>} : memref<2x80xi32, #tpu.memory_space<vmem>>, vector<16xi32>,
    %gather3A_149 = tpu.vector_load_idx %arg10[%get3A_148] : memref<10000xf32, #tpu.memory_space<vmem>>[vector<16xi32>], vector<16xf32>,
    %get3A_150 = arith.constant 0 : i32
    %get3A_151 = arith.index_cast %get3A_150 : i32 to index
    %get3A_152 = arith.constant 48 : index
    %get3A_153 = tpu.vector_load %arg14[%get3A_151, %get3A_152] {strides = array<i32>} : memref<2x80xf32, #tpu.memory_space<vmem>>, vector<16xf32>,
    %div3A_154 = arith.divf %get3A_153, %gather3A_149 : vector<16xf32>
    %swap3A_155 = arith.constant 0 : i32
    %swap3A_156 = arith.index_cast %swap3A_155 : i32 to index
    %swap3A_157 = arith.constant 48 : index
    %swap3A_158 = tpu.vector_load %arg14[%swap3A_156, %swap3A_157] {strides = array<i32>} : memref<2x80xf32, #tpu.memory_space<vmem>>, vector<16xf32>,
    tpu.vector_store %arg14[%swap3A_156, %swap3A_157], %div3A_154 {strides = array<i32>} : memref<2x80xf32, #tpu.memory_space<vmem>>, vector<16xf32>,
    %get3A_159 = arith.constant 0 : i32
    %get3A_160 = arith.index_cast %get3A_159 : i32 to index
    %get3A_161 = arith.constant 64 : index
    %get3A_162 = tpu.vector_load %arg12[%get3A_160, %get3A_161] {strides = array<i32>} : memref<2x80xi32, #tpu.memory_space<vmem>>, vector<16xi32>,
    %gather3A_163 = tpu.vector_load_idx %arg10[%get3A_162] : memref<10000xf32, #tpu.memory_space<vmem>>[vector<16xi32>], vector<16xf32>,
    %get3A_164 = arith.constant 0 : i32
    %get3A_165 = arith.index_cast %get3A_164 : i32 to index
    %get3A_166 = arith.constant 64 : index
    %get3A_167 = tpu.vector_load %arg14[%get3A_165, %get3A_166] {strides = array<i32>} : memref<2x80xf32, #tpu.memory_space<vmem>>, vector<16xf32>,
    %div3A_168 = arith.divf %get3A_167, %gather3A_163 : vector<16xf32>
    %swap3A_169 = arith.constant 0 : i32
    %swap3A_170 = arith.index_cast %swap3A_169 : i32 to index
    %swap3A_171 = arith.constant 64 : index
    %swap3A_172 = tpu.vector_load %arg14[%swap3A_170, %swap3A_171] {strides = array<i32>} : memref<2x80xf32, #tpu.memory_space<vmem>>, vector<16xf32>,
    tpu.vector_store %arg14[%swap3A_170, %swap3A_171], %div3A_168 {strides = array<i32>} : memref<2x80xf32, #tpu.memory_space<vmem>>, vector<16xf32>,
    %add3A_173 = arith.constant 9920 : i32
    %add3A_174 = arith.addi %mul3A_2, %add3A_173 : i32
    %dma_start3A_175 = arith.constant 0 : i32
    %dma_start3A_176 = arith.constant 0 : i32
    %dma_start3A_177 = tpu.memref_slice %arg14[%dma_start3A_175, %dma_start3A_176] : memref<2x80xf32, #tpu.memory_space<vmem>> -> memref<1x80xf32, #tpu.memory_space<vmem>>
    %dma_start3A_178 = tpu.memref_squeeze %dma_start3A_177 : memref<1x80xf32, #tpu.memory_space<vmem>> -> memref<80xf32, #tpu.memory_space<vmem>>
    %dma_start3A_179 = tpu.memref_slice %arg8[%add3A_174] : memref<320000xf32, #tpu.memory_space<hbm>> -> memref<80xf32, #tpu.memory_space<hbm>>
    %dma_start3A_180 = tpu.memref_slice %arg8[%add3A_174] : memref<320000xf32, #tpu.memory_space<hbm>> -> memref<80xf32, #tpu.memory_space<hbm>>
    %dma_start3A_181 = arith.constant 0 : i32
    %dma_start3A_182 = tpu.memref_slice %arg14[%dma_start3A_175, %dma_start3A_181] : memref<2x80xf32, #tpu.memory_space<vmem>> -> memref<1x80xf32, #tpu.memory_space<vmem>>
    %dma_start3A_183 = tpu.memref_squeeze %dma_start3A_182 : memref<1x80xf32, #tpu.memory_space<vmem>> -> memref<80xf32, #tpu.memory_space<vmem>>
    tpu.enqueue_dma source(%dma_start3A_183 : memref<80xf32, #tpu.memory_space<vmem>>) target(%dma_start3A_180 : memref<80xf32, #tpu.memory_space<hbm>>) target_semaphore(%arg23 : memref<!tpu.dma_semaphore, #tpu.memory_space<semaphore_mem>>)
    %parallel_loop3A = arith.constant 0 : i32
    %parallel_loop3A_184 = arith.constant 80 : i32
    %parallel_loop3A_185 = arith.constant 1 : i32
    %parallel_loop3A_186 = arith.constant 0 : i32
    scf.for %parallel_loop3A_218 = %parallel_loop3A to %parallel_loop3A_184 step %parallel_loop3A_185  : i32 {
      %parallel_loop3A_219 = arith.constant 0 : i32
      %parallel_loop3A_220 = vector.broadcast %parallel_loop3A_219 : i32 to vector<16xi32>
      %parallel_loop3A_221 = vector.broadcast %parallel_loop3A_218 : i32 to vector<16xi32>
      %parallel_loop3A_222 = arith.addi %parallel_loop3A_220, %parallel_loop3A_221 : vector<16xi32>
      %parallel_loop3A_223 = arith.constant 0 : i32
      %parallel_loop3A_224 = tpu.memref_slice %arg14[%parallel_loop3A_186, %parallel_loop3A_223] : memref<2x80xf32, #tpu.memory_space<vmem>> -> memref<1x80xf32, #tpu.memory_space<vmem>>
      %parallel_loop3A_225 = tpu.memref_squeeze %parallel_loop3A_224 : memref<1x80xf32, #tpu.memory_space<vmem>> -> memref<80xf32, #tpu.memory_space<vmem>>
      %parallel_loop3A_226 = tpu.vector_load_idx %parallel_loop3A_225[%parallel_loop3A_222] : memref<80xf32, #tpu.memory_space<vmem>>[vector<16xi32>], vector<16xf32>,
      %parallel_loop3A_227 = arith.index_cast %parallel_loop3A_218 : i32 to index
      %parallel_loop3A_228 = arith.constant 0 : index
      %parallel_loop3A_229 = tpu.vector_load %arg15[%parallel_loop3A_227, %parallel_loop3A_228] {strides = array<i32>} : memref<80x128xf32, #tpu.memory_space<vmem>>, vector<16xf32>,
      %parallel_loop3A_230 = arith.mulf %parallel_loop3A_229, %parallel_loop3A_226 : vector<16xf32>
      %parallel_loop3A_231 = arith.index_cast %parallel_loop3A_218 : i32 to index
      %parallel_loop3A_232 = arith.constant 0 : index
      %parallel_loop3A_233 = tpu.vector_load %arg15[%parallel_loop3A_231, %parallel_loop3A_232] {strides = array<i32>} : memref<80x128xf32, #tpu.memory_space<vmem>>, vector<16xf32>,
      tpu.vector_store %arg15[%parallel_loop3A_231, %parallel_loop3A_232], %parallel_loop3A_230 {strides = array<i32>} : memref<80x128xf32, #tpu.memory_space<vmem>>, vector<16xf32>,
      %parallel_loop3A_234 = arith.index_cast %parallel_loop3A_218 : i32 to index
      %parallel_loop3A_235 = arith.constant 16 : index
      %parallel_loop3A_236 = tpu.vector_load %arg15[%parallel_loop3A_234, %parallel_loop3A_235] {strides = array<i32>} : memref<80x128xf32, #tpu.memory_space<vmem>>, vector<16xf32>,
      %parallel_loop3A_237 = arith.mulf %parallel_loop3A_236, %parallel_loop3A_226 : vector<16xf32>
      %parallel_loop3A_238 = arith.index_cast %parallel_loop3A_218 : i32 to index
      %parallel_loop3A_239 = arith.constant 16 : index
      %parallel_loop3A_240 = tpu.vector_load %arg15[%parallel_loop3A_238, %parallel_loop3A_239] {strides = array<i32>} : memref<80x128xf32, #tpu.memory_space<vmem>>, vector<16xf32>,
      tpu.vector_store %arg15[%parallel_loop3A_238, %parallel_loop3A_239], %parallel_loop3A_237 {strides = array<i32>} : memref<80x128xf32, #tpu.memory_space<vmem>>, vector<16xf32>,
      %parallel_loop3A_241 = arith.index_cast %parallel_loop3A_218 : i32 to index
      %parallel_loop3A_242 = arith.constant 32 : index
      %parallel_loop3A_243 = tpu.vector_load %arg15[%parallel_loop3A_241, %parallel_loop3A_242] {strides = array<i32>} : memref<80x128xf32, #tpu.memory_space<vmem>>, vector<16xf32>,
      %parallel_loop3A_244 = arith.mulf %parallel_loop3A_243, %parallel_loop3A_226 : vector<16xf32>
      %parallel_loop3A_245 = arith.index_cast %parallel_loop3A_218 : i32 to index
      %parallel_loop3A_246 = arith.constant 32 : index
      %parallel_loop3A_247 = tpu.vector_load %arg15[%parallel_loop3A_245, %parallel_loop3A_246] {strides = array<i32>} : memref<80x128xf32, #tpu.memory_space<vmem>>, vector<16xf32>,
      tpu.vector_store %arg15[%parallel_loop3A_245, %parallel_loop3A_246], %parallel_loop3A_244 {strides = array<i32>} : memref<80x128xf32, #tpu.memory_space<vmem>>, vector<16xf32>,
      %parallel_loop3A_248 = arith.index_cast %parallel_loop3A_218 : i32 to index
      %parallel_loop3A_249 = arith.constant 48 : index
      %parallel_loop3A_250 = tpu.vector_load %arg15[%parallel_loop3A_248, %parallel_loop3A_249] {strides = array<i32>} : memref<80x128xf32, #tpu.memory_space<vmem>>, vector<16xf32>,
      %parallel_loop3A_251 = arith.mulf %parallel_loop3A_250, %parallel_loop3A_226 : vector<16xf32>
      %parallel_loop3A_252 = arith.index_cast %parallel_loop3A_218 : i32 to index
      %parallel_loop3A_253 = arith.constant 48 : index
      %parallel_loop3A_254 = tpu.vector_load %arg15[%parallel_loop3A_252, %parallel_loop3A_253] {strides = array<i32>} : memref<80x128xf32, #tpu.memory_space<vmem>>, vector<16xf32>,
      tpu.vector_store %arg15[%parallel_loop3A_252, %parallel_loop3A_253], %parallel_loop3A_251 {strides = array<i32>} : memref<80x128xf32, #tpu.memory_space<vmem>>, vector<16xf32>,
      %parallel_loop3A_255 = arith.index_cast %parallel_loop3A_218 : i32 to index
      %parallel_loop3A_256 = arith.constant 64 : index
      %parallel_loop3A_257 = tpu.vector_load %arg15[%parallel_loop3A_255, %parallel_loop3A_256] {strides = array<i32>} : memref<80x128xf32, #tpu.memory_space<vmem>>, vector<16xf32>,
      %parallel_loop3A_258 = arith.mulf %parallel_loop3A_257, %parallel_loop3A_226 : vector<16xf32>
      %parallel_loop3A_259 = arith.index_cast %parallel_loop3A_218 : i32 to index
      %parallel_loop3A_260 = arith.constant 64 : index
      %parallel_loop3A_261 = tpu.vector_load %arg15[%parallel_loop3A_259, %parallel_loop3A_260] {strides = array<i32>} : memref<80x128xf32, #tpu.memory_space<vmem>>, vector<16xf32>,
      tpu.vector_store %arg15[%parallel_loop3A_259, %parallel_loop3A_260], %parallel_loop3A_258 {strides = array<i32>} : memref<80x128xf32, #tpu.memory_space<vmem>>, vector<16xf32>,
      %parallel_loop3A_262 = arith.index_cast %parallel_loop3A_218 : i32 to index
      %parallel_loop3A_263 = arith.constant 80 : index
      %parallel_loop3A_264 = tpu.vector_load %arg15[%parallel_loop3A_262, %parallel_loop3A_263] {strides = array<i32>} : memref<80x128xf32, #tpu.memory_space<vmem>>, vector<16xf32>,
      %parallel_loop3A_265 = arith.mulf %parallel_loop3A_264, %parallel_loop3A_226 : vector<16xf32>
      %parallel_loop3A_266 = arith.index_cast %parallel_loop3A_218 : i32 to index
      %parallel_loop3A_267 = arith.constant 80 : index
      %parallel_loop3A_268 = tpu.vector_load %arg15[%parallel_loop3A_266, %parallel_loop3A_267] {strides = array<i32>} : memref<80x128xf32, #tpu.memory_space<vmem>>, vector<16xf32>,
      tpu.vector_store %arg15[%parallel_loop3A_266, %parallel_loop3A_267], %parallel_loop3A_265 {strides = array<i32>} : memref<80x128xf32, #tpu.memory_space<vmem>>, vector<16xf32>,
      %parallel_loop3A_269 = arith.index_cast %parallel_loop3A_218 : i32 to index
      %parallel_loop3A_270 = arith.constant 96 : index
      %parallel_loop3A_271 = tpu.vector_load %arg15[%parallel_loop3A_269, %parallel_loop3A_270] {strides = array<i32>} : memref<80x128xf32, #tpu.memory_space<vmem>>, vector<16xf32>,
      %parallel_loop3A_272 = arith.mulf %parallel_loop3A_271, %parallel_loop3A_226 : vector<16xf32>
      %parallel_loop3A_273 = arith.index_cast %parallel_loop3A_218 : i32 to index
      %parallel_loop3A_274 = arith.constant 96 : index
      %parallel_loop3A_275 = tpu.vector_load %arg15[%parallel_loop3A_273, %parallel_loop3A_274] {strides = array<i32>} : memref<80x128xf32, #tpu.memory_space<vmem>>, vector<16xf32>,
      tpu.vector_store %arg15[%parallel_loop3A_273, %parallel_loop3A_274], %parallel_loop3A_272 {strides = array<i32>} : memref<80x128xf32, #tpu.memory_space<vmem>>, vector<16xf32>,
      %parallel_loop3A_276 = arith.index_cast %parallel_loop3A_218 : i32 to index
      %parallel_loop3A_277 = arith.constant 112 : index
      %parallel_loop3A_278 = tpu.vector_load %arg15[%parallel_loop3A_276, %parallel_loop3A_277] {strides = array<i32>} : memref<80x128xf32, #tpu.memory_space<vmem>>, vector<16xf32>,
      %parallel_loop3A_279 = arith.mulf %parallel_loop3A_278, %parallel_loop3A_226 : vector<16xf32>
      %parallel_loop3A_280 = arith.index_cast %parallel_loop3A_218 : i32 to index
      %parallel_loop3A_281 = arith.constant 112 : index
      %parallel_loop3A_282 = tpu.vector_load %arg15[%parallel_loop3A_280, %parallel_loop3A_281] {strides = array<i32>} : memref<80x128xf32, #tpu.memory_space<vmem>>, vector<16xf32>,
      tpu.vector_store %arg15[%parallel_loop3A_280, %parallel_loop3A_281], %parallel_loop3A_279 {strides = array<i32>} : memref<80x128xf32, #tpu.memory_space<vmem>>, vector<16xf32>,
    } {sc.loop_unroll_factor = 4 : i64, sc.parallel_access}
    %dma_start3A_187 = arith.constant 0 : i32
    %dma_start3A_188 = arith.constant 0 : i32
    %dma_start3A_189 = tpu.memref_slice %arg12[%dma_start3A_187, %dma_start3A_188] : memref<2x80xi32, #tpu.memory_space<vmem>> -> memref<1x80xi32, #tpu.memory_space<vmem>>
    %dma_start3A_190 = tpu.memref_squeeze %dma_start3A_189 : memref<1x80xi32, #tpu.memory_space<vmem>> -> memref<80xi32, #tpu.memory_space<vmem>>
    %dma_start3A_191 = arith.constant 0 : i32
    %dma_start3A_192 = arith.constant 0 : i32
    %dma_start3A_193 = tpu.memref_slice %arg25[%dma_start3A_191, %dma_start3A_192] : memref<10000x128xf32, #tpu.memory_space<vmem_shared>> -> memref<10000x128xf32, #tpu.memory_space<vmem_shared>>
    tpu.enqueue_indirect_dma source(%arg15 : memref<80x128xf32, #tpu.memory_space<vmem>>) target(%dma_start3A_193 : memref<10000x128xf32, #tpu.memory_space<vmem_shared>>) offsets(%dma_start3A_190 : memref<80xi32, #tpu.memory_space<vmem>>) semaphore(%arg21 : memref<!tpu.dma_semaphore, #tpu.memory_space<semaphore_mem>>) {add = true}
    %dma_wait3A_194 = arith.constant 0 : i32
    %dma_wait3A_195 = arith.constant 0 : i32
    %dma_wait3A_196 = tpu.memref_slice %arg12[%dma_wait3A_194, %dma_wait3A_195] : memref<2x80xi32, #tpu.memory_space<vmem>> -> memref<1x80xi32, #tpu.memory_space<vmem>>
    %dma_wait3A_197 = tpu.memref_squeeze %dma_wait3A_196 : memref<1x80xi32, #tpu.memory_space<vmem>> -> memref<80xi32, #tpu.memory_space<vmem>>
    %dma_wait3A_198 = arith.constant 0 : i32
    %dma_wait3A_199 = arith.constant 0 : i32
    %dma_wait3A_200 = tpu.memref_slice %arg25[%dma_wait3A_198, %dma_wait3A_199] : memref<10000x128xf32, #tpu.memory_space<vmem_shared>> -> memref<10000x128xf32, #tpu.memory_space<vmem_shared>>
    tpu.wait_indirect_dma semaphore(%arg21 : memref<!tpu.dma_semaphore, #tpu.memory_space<semaphore_mem>>) src(%arg15 : memref<80x128xf32, #tpu.memory_space<vmem>>) dst(%dma_wait3A_200 : memref<10000x128xf32, #tpu.memory_space<vmem_shared>>)
    %add3A_201 = arith.constant 9920 : i32
    %add3A_202 = arith.addi %mul3A_2, %add3A_201 : i32
    %dma_wait3A_203 = arith.constant 0 : i32
    %dma_wait3A_204 = arith.constant 0 : i32
    %dma_wait3A_205 = tpu.memref_slice %arg14[%dma_wait3A_203, %dma_wait3A_204] : memref<2x80xf32, #tpu.memory_space<vmem>> -> memref<1x80xf32, #tpu.memory_space<vmem>>
    %dma_wait3A_206 = tpu.memref_squeeze %dma_wait3A_205 : memref<1x80xf32, #tpu.memory_space<vmem>> -> memref<80xf32, #tpu.memory_space<vmem>>
    %dma_wait3A_207 = tpu.memref_slice %arg8[%add3A_202] : memref<320000xf32, #tpu.memory_space<hbm>> -> memref<80xf32, #tpu.memory_space<hbm>>
    %dma_wait3A_208 = tpu.memref_slice %arg8[%add3A_202] : memref<320000xf32, #tpu.memory_space<hbm>> -> memref<80xf32, #tpu.memory_space<hbm>>
    %dma_wait3A_209 = arith.constant 0 : i32
    %dma_wait3A_210 = tpu.memref_slice %arg14[%dma_wait3A_203, %dma_wait3A_209] : memref<2x80xf32, #tpu.memory_space<vmem>> -> memref<1x80xf32, #tpu.memory_space<vmem>>
    %dma_wait3A_211 = tpu.memref_squeeze %dma_wait3A_210 : memref<1x80xf32, #tpu.memory_space<vmem>> -> memref<80xf32, #tpu.memory_space<vmem>>
    tpu.wait_dma2 semaphore(%arg23 : memref<!tpu.dma_semaphore, #tpu.memory_space<semaphore_mem>>) src(%dma_wait3A_211 : memref<80xf32, #tpu.memory_space<vmem>>) dst(%dma_wait3A_208 : memref<80xf32, #tpu.memory_space<hbm>>)
    %barrier3A_212 = arith.constant 0 : index
    tpu.barrier barrier_id(%barrier3A_212)
    "tpu.region"() ({
      %run_scoped3A_218 = tpu.sem_alloc : memref<!tpu.dma_semaphore, #tpu.memory_space<semaphore_mem>>
      %dma_start3A_219 = arith.constant 0 : i32
      %dma_start3A_220 = tpu.memref_slice %arg9[%arg0, %mul3A_4, %dma_start3A_219] : memref<2x10000x128xf32, #tpu.memory_space<hbm>> -> memref<1x624x128xf32, #tpu.memory_space<hbm>>
      %dma_start3A_221 = tpu.memref_squeeze %dma_start3A_220 : memref<1x624x128xf32, #tpu.memory_space<hbm>> -> memref<624x128xf32, #tpu.memory_space<hbm>>
      %dma_start3A_222 = arith.constant 0 : i32
      %dma_start3A_223 = tpu.memref_slice %arg25[%mul3A_4, %dma_start3A_222] : memref<10000x128xf32, #tpu.memory_space<vmem_shared>> -> memref<624x128xf32, #tpu.memory_space<vmem_shared>>
      tpu.enqueue_dma source(%dma_start3A_223 : memref<624x128xf32, #tpu.memory_space<vmem_shared>>) target(%dma_start3A_221 : memref<624x128xf32, #tpu.memory_space<hbm>>) target_semaphore(%run_scoped3A_218 : memref<!tpu.dma_semaphore, #tpu.memory_space<semaphore_mem>>)
      %dma_wait3A_224 = arith.constant 0 : i32
      %dma_wait3A_225 = tpu.memref_slice %arg9[%arg0, %mul3A_4, %dma_wait3A_224] : memref<2x10000x128xf32, #tpu.memory_space<hbm>> -> memref<1x624x128xf32, #tpu.memory_space<hbm>>
      %dma_wait3A_226 = tpu.memref_squeeze %dma_wait3A_225 : memref<1x624x128xf32, #tpu.memory_space<hbm>> -> memref<624x128xf32, #tpu.memory_space<hbm>>
      %dma_wait3A_227 = arith.constant 0 : i32
      %dma_wait3A_228 = tpu.memref_slice %arg25[%mul3A_4, %dma_wait3A_227] : memref<10000x128xf32, #tpu.memory_space<vmem_shared>> -> memref<624x128xf32, #tpu.memory_space<vmem_shared>>
      tpu.wait_dma2 semaphore(%run_scoped3A_218 : memref<!tpu.dma_semaphore, #tpu.memory_space<semaphore_mem>>) src(%dma_wait3A_228 : memref<624x128xf32, #tpu.memory_space<vmem_shared>>) dst(%dma_wait3A_226 : memref<624x128xf32, #tpu.memory_space<hbm>>)
      tpu.yield
    }) : () -> ()
    %eq3A_213 = arith.constant 0 : i32
    %eq3A_214 = arith.cmpi eq, %arg1, %eq3A_213 : i32
    %convert_element_type3A_215 = arith.extui %eq3A_214 : i1 to i32
    %cond3A_216 = arith.constant 0 : i32
    %cond3A_217 = arith.cmpi ne, %convert_element_type3A_215, %cond3A_216 : i32
    scf.if %cond3A_217 {
      "tpu.region"() ({
        %run_scoped3A_218 = tpu.sem_alloc : memref<!tpu.dma_semaphore, #tpu.memory_space<semaphore_mem>>
        %dma_start3A_219 = arith.constant 9984 : i32
        %dma_start3A_220 = arith.constant 0 : i32
        %dma_start3A_221 = tpu.memref_slice %arg9[%arg0, %dma_start3A_219, %dma_start3A_220] : memref<2x10000x128xf32, #tpu.memory_space<hbm>> -> memref<1x16x128xf32, #tpu.memory_space<hbm>>
        %dma_start3A_222 = tpu.memref_squeeze %dma_start3A_221 : memref<1x16x128xf32, #tpu.memory_space<hbm>> -> memref<16x128xf32, #tpu.memory_space<hbm>>
        %dma_start3A_223 = arith.constant 9984 : i32
        %dma_start3A_224 = arith.constant 0 : i32
        %dma_start3A_225 = tpu.memref_slice %arg25[%dma_start3A_223, %dma_start3A_224] : memref<10000x128xf32, #tpu.memory_space<vmem_shared>> -> memref<16x128xf32, #tpu.memory_space<vmem_shared>>
        tpu.enqueue_dma source(%dma_start3A_225 : memref<16x128xf32, #tpu.memory_space<vmem_shared>>) target(%dma_start3A_222 : memref<16x128xf32, #tpu.memory_space<hbm>>) target_semaphore(%run_scoped3A_218 : memref<!tpu.dma_semaphore, #tpu.memory_space<semaphore_mem>>)
        %dma_wait3A_226 = arith.constant 9984 : i32
        %dma_wait3A_227 = arith.constant 0 : i32
        %dma_wait3A_228 = tpu.memref_slice %arg9[%arg0, %dma_wait3A_226, %dma_wait3A_227] : memref<2x10000x128xf32, #tpu.memory_space<hbm>> -> memref<1x16x128xf32, #tpu.memory_space<hbm>>
        %dma_wait3A_229 = tpu.memref_squeeze %dma_wait3A_228 : memref<1x16x128xf32, #tpu.memory_space<hbm>> -> memref<16x128xf32, #tpu.memory_space<hbm>>
        %dma_wait3A_230 = arith.constant 9984 : i32
        %dma_wait3A_231 = arith.constant 0 : i32
        %dma_wait3A_232 = tpu.memref_slice %arg25[%dma_wait3A_230, %dma_wait3A_231] : memref<10000x128xf32, #tpu.memory_space<vmem_shared>> -> memref<16x128xf32, #tpu.memory_space<vmem_shared>>
        tpu.wait_dma2 semaphore(%run_scoped3A_218 : memref<!tpu.dma_semaphore, #tpu.memory_space<semaphore_mem>>) src(%dma_wait3A_232 : memref<16x128xf32, #tpu.memory_space<vmem_shared>>) dst(%dma_wait3A_229 : memref<16x128xf32, #tpu.memory_space<hbm>>)
        tpu.yield
      }) : () -> ()
    } else {
    }
    return
  }
}

module attributes {stable_mosaic.version = 14 : i64} {
  func.func @_tc1_body(%arg0: i32, %arg1: memref<1000x128xf32, #tpu.memory_space<vmem>>, %arg2: memref<128x128xf32, #tpu.memory_space<vmem>>, %arg3: memref<128x128xf32, #tpu.memory_space<vmem>>, %arg4: memref<1x128xf32, #tpu.memory_space<vmem>>, %arg5: memref<1000x128xf32, #tpu.memory_space<vmem>>, %arg6: memref<1000x128xf32, #tpu.memory_space<vmem>>) attributes {dimension_semantics = [#tpu.dimension_semantics<arbitrary>], iteration_bounds = array<i64: 10>, scalar_prefetch = 0 : i64, scratch_operands = 0 : i64, tpu.core_type = #tpu.core_type<tc>, window_params = [{transform_indices = @transform_0, window_bounds = array<i64: 1000, 128>}, {pipeline_mode = #tpu.pipeline_mode<synchronous>, transform_indices = @transform_1, window_bounds = array<i64: 128, 128>}, {pipeline_mode = #tpu.pipeline_mode<synchronous>, transform_indices = @transform_2, window_bounds = array<i64: 128, 128>}, {pipeline_mode = #tpu.pipeline_mode<synchronous>, transform_indices = @transform_3, window_bounds = array<i64: 1, 128>}, {transform_indices = @transform_4, window_bounds = array<i64: 1000, 128>}, {transform_indices = @transform_5, window_bounds = array<i64: 1000, 128>}]} {
    %get3A = arith.constant 0 : index
    %get3A_0 = arith.constant 0 : index
    %get3A_1 = vector.load %arg1[%get3A, %get3A_0] : memref<1000x128xf32, #tpu.memory_space<vmem>>, vector<1000x128xf32>
    %get3A_2 = arith.constant 0 : index
    %get3A_3 = arith.constant 0 : index
    %get3A_4 = vector.load %arg2[%get3A_2, %get3A_3] : memref<128x128xf32, #tpu.memory_space<vmem>>, vector<128x128xf32>
    %dot_general3A = arith.constant dense<0.000000e+00> : vector<1000x128xf32>
    %dot_general3A_5 = tpu.matmul %get3A_1, %get3A_4, %dot_general3A {dimension_numbers = #tpu.dot_dimension_numbers<[1], [0], [0], [1], [0, 0, 1, 1], [], []>, transpose_lhs_hint = false} : vector<1000x128xf32>, vector<128x128xf32>, vector<1000x128xf32> -> vector<1000x128xf32>
    %swap3A = arith.constant 0 : index
    %swap3A_6 = arith.constant 0 : index
    %swap3A_7 = vector.load %arg5[%swap3A, %swap3A_6] : memref<1000x128xf32, #tpu.memory_space<vmem>>, vector<1000x128xf32>
    tpu.vector_store %arg5[%swap3A, %swap3A_6], %dot_general3A_5 {strides = array<i32>} : memref<1000x128xf32, #tpu.memory_space<vmem>>, vector<1000x128xf32>,
    %get3A_8 = arith.constant 0 : index
    %get3A_9 = arith.constant 0 : index
    %get3A_10 = vector.load %arg3[%get3A_8, %get3A_9] : memref<128x128xf32, #tpu.memory_space<vmem>>, vector<128x128xf32>
    %dot_general3A_11 = arith.constant dense<0.000000e+00> : vector<1000x128xf32>
    %dot_general3A_12 = tpu.matmul %dot_general3A_5, %get3A_10, %dot_general3A_11 {dimension_numbers = #tpu.dot_dimension_numbers<[1], [0], [0], [1], [0, 0, 1, 1], [], []>, transpose_lhs_hint = false} : vector<1000x128xf32>, vector<128x128xf32>, vector<1000x128xf32> -> vector<1000x128xf32>
    %get3A_13 = arith.constant 0 : index
    %get3A_14 = arith.constant 0 : index
    %get3A_15 = vector.load %arg4[%get3A_13, %get3A_14] : memref<1x128xf32, #tpu.memory_space<vmem>>, vector<1x128xf32>
    %add3A = vector.broadcast %get3A_15 : vector<1x128xf32> to vector<1000x128xf32>
    %add3A_16 = arith.addf %dot_general3A_12, %add3A : vector<1000x128xf32>
    %swap3A_17 = arith.constant 0 : index
    %swap3A_18 = arith.constant 0 : index
    %swap3A_19 = vector.load %arg6[%swap3A_17, %swap3A_18] : memref<1000x128xf32, #tpu.memory_space<vmem>>, vector<1000x128xf32>
    tpu.vector_store %arg6[%swap3A_17, %swap3A_18], %add3A_16 {strides = array<i32>} : memref<1000x128xf32, #tpu.memory_space<vmem>>, vector<1000x128xf32>,
    return
  }
  func.func @transform_0(%arg0: i32) -> (i32, i32) {
    %c0_i32 = arith.constant 0 : i32
    %c0_i32_0 = arith.constant 0 : i32
    return %arg0, %c0_i32 : i32, i32
  }
  func.func @transform_1(%arg0: i32) -> (i32, i32) {
    %c0_i32 = arith.constant 0 : i32
    %c0_i32_0 = arith.constant 0 : i32
    %c0_i32_1 = arith.constant 0 : i32
    return %c0_i32, %c0_i32_0 : i32, i32
  }
  func.func @transform_2(%arg0: i32) -> (i32, i32) {
    %c0_i32 = arith.constant 0 : i32
    %c0_i32_0 = arith.constant 0 : i32
    %c0_i32_1 = arith.constant 0 : i32
    return %c0_i32, %c0_i32_0 : i32, i32
  }
  func.func @transform_3(%arg0: i32) -> (i32, i32) {
    %c0_i32 = arith.constant 0 : i32
    %c0_i32_0 = arith.constant 0 : i32
    %c0_i32_1 = arith.constant 0 : i32
    return %c0_i32, %c0_i32_0 : i32, i32
  }
  func.func @transform_4(%arg0: i32) -> (i32, i32) {
    %c0_i32 = arith.constant 0 : i32
    %c0_i32_0 = arith.constant 0 : i32
    return %arg0, %c0_i32 : i32, i32
  }
  func.func @transform_5(%arg0: i32) -> (i32, i32) {
    %c0_i32 = arith.constant 0 : i32
    %c0_i32_0 = arith.constant 0 : i32
    return %arg0, %c0_i32 : i32, i32
  }
}

module attributes {stable_mosaic.version = 14 : i64} {
  func.func @_tc2_body(%arg0: i32, %arg1: memref<1000x128xf32, #tpu.memory_space<vmem>>, %arg2: memref<1000x128xf32, #tpu.memory_space<vmem>>, %arg3: memref<1000x128xf32, #tpu.memory_space<vmem>>) attributes {dimension_semantics = [#tpu.dimension_semantics<arbitrary>], iteration_bounds = array<i64: 10>, scalar_prefetch = 0 : i64, scratch_operands = 0 : i64, tpu.core_type = #tpu.core_type<tc>, window_params = [{transform_indices = @transform_0, window_bounds = array<i64: 1000, 128>}, {transform_indices = @transform_1, window_bounds = array<i64: 1000, 128>}, {transform_indices = @transform_2, window_bounds = array<i64: 1000, 128>}]} {
    %get3A = arith.constant 0 : index
    %get3A_0 = arith.constant 0 : index
    %get3A_1 = vector.load %arg1[%get3A, %get3A_0] : memref<1000x128xf32, #tpu.memory_space<vmem>>, vector<1000x128xf32>
    %get3A_2 = arith.constant 0 : index
    %get3A_3 = arith.constant 0 : index
    %get3A_4 = vector.load %arg2[%get3A_2, %get3A_3] : memref<1000x128xf32, #tpu.memory_space<vmem>>, vector<1000x128xf32>
    %add3A = arith.addf %get3A_1, %get3A_4 : vector<1000x128xf32>
    %swap3A = arith.constant 0 : index
    %swap3A_5 = arith.constant 0 : index
    %swap3A_6 = vector.load %arg3[%swap3A, %swap3A_5] : memref<1000x128xf32, #tpu.memory_space<vmem>>, vector<1000x128xf32>
    tpu.vector_store %arg3[%swap3A, %swap3A_5], %add3A {strides = array<i32>} : memref<1000x128xf32, #tpu.memory_space<vmem>>, vector<1000x128xf32>,
    return
  }
  func.func @transform_0(%arg0: i32) -> (i32, i32) {
    %c0_i32 = arith.constant 0 : i32
    %c0_i32_0 = arith.constant 0 : i32
    return %arg0, %c0_i32 : i32, i32
  }
  func.func @transform_1(%arg0: i32) -> (i32, i32) {
    %c0_i32 = arith.constant 0 : i32
    %c0_i32_0 = arith.constant 0 : i32
    return %arg0, %c0_i32 : i32, i32
  }
  func.func @transform_2(%arg0: i32) -> (i32, i32) {
    %c0_i32 = arith.constant 0 : i32
    %c0_i32_0 = arith.constant 0 : i32
    return %arg0, %c0_i32 : i32, i32
  }
}

</mosaic_0001>

<sc_bundles>
// kernel: _run.6.cloned.1.call-start
scs
__scs_entry_jumppad:
0x0: {  	(pc) =	sbr.rel $0x88, $3  }
0x1: {  	(tag) =	ssettag $0x0;
	lr =	simm.s32 $0x1  }
0x2: {  	[smem:$0x3F9C] =	sst lr;
	_ =	strace $0xD0000000  }
0x3: {  	_ = 	snop  }
0x4: {  	_ = 	snop  }
0x5: {  	_ = 	snop  }
0x6: {  	_ = 	snop  }
0x7: {  	_ = 	snop  }
__scs_overlays_trampoline_lowered:
0x8: {  	[smem:$0x3FAB] =	sst s0  }
0x9: {  	[smem:$0x3FAC] =	sst s1  }
0xa: {  	[smem:$0x3FAD] =	sst s2  }
0xb: {  	[smem:$0x3FAE] =	sst s3  }
0xc: {  	[smem:$0x3FAF] =	sst s4  }
0xd: {  	[smem:$0x3FB0] =	sst s5  }
0xe: {  	[smem:$0x3FB1] =	sst s6  }
0xf: {  	[smem:$0x3FB2] =	sst s7  }
0x10: {  	[smem:$0x3FB3] =	sst s8  }
0x11: {  	[smem:$0x3FB4] =	sst s9;
	s0 =	simm.s32 @!p0 $0x0  }
0x12: {  	s1 =	sld [smem:$0x3F9A];
	s0 =	simm.s32 @p0 $0x1  }
0x13: {  	[smem:$0x3FB5] =	sst s0;
	s0 =	simm.s32 @!p1 $0x0  }
0x14: {  	s2 =	sld [smem:$0x3F99];
	s0 =	simm.s32 @p1 $0x1  }
0x15: {  	[smem:$0x3FB6] =	sst s0;
	s0 =	simm.s32 @!p2 $0x0  }
0x16: {  	s3 =	sld [smem:$0x3FDB];
	s0 =	simm.s32 @p2 $0x1  }
0x17: {  	s4 =	simm.s32 $0x1BF5;
	[smem:$0x3FB8] =	sst s0  }
0x18: {  	s0 =	sld [smem:$0x3F9B];
	_ =	swait.ge [sflag:s4], $0x0  }
0x19: {  	s7 =	sld [smem:$0x3F9C]  }
0x1a: {  	s8 =	sadd.s32 $0xFFFFE003, lr  }
0x1b: {  	s9 =	sadd.s32 $0xFFFFFEF7, lr;
	s5 =	simm.s32 $0xFFFFFFFF;
	p2 =	slt.u32 s8, $0xFFFFF086  }
0x1c: {  	p1 =	slt.u32 s9, $0xF7A;
	s5 =	simm.s32 @!p2 $0x0  }
0x1d: {  	s5 =	simm.s32 @p1 $0x1;
	p0 =	seq.s32 s7, s2  }
0x1e: {  	s7 =	smul.u32 @!p0 $0xF7A, s2;
	p2 =	seq.s32 @!p0 s5, $0x0  }
0x1f: {  	s9 =	smul.u32 $0xF7A, s1;
	s8 =	simm.s32 @!p0 $0x1BF5;
	p2 =	por !p2, p0  }
0x20: {  	[sflag:s8] =	ssyncset.s32 @!p0 $0xFFFFF086;
	s6 =	sadd.s32 @!p0 s3, s7;
	s7 =	simm.s32 @!p0 $0x108  }
0x21: {  	s3 =	sadd.s32 s3, s9;
	s6 =	sadd.s32 @!p0 $0x88, s6;
	s7 =	simm.s32 @p2 $0x1082  }
0x22: {  	[simem:s7], [sflag:s8] =	dma.local @!p0 [hbm:s6], $0xF7A  }
0x23: {  	s9 =	sor.u32 $0xD0000000, s2;
	s6 =	simm.s32 $0x108;
	_ =	swait.ge @!p0 [sflag:s8], $0x0  }
0x24: {  	s3 =	sadd.s32 $0x88, s3;
	s6 =	simm.s32 @!p1 $0x1082;
	[sflag:s4] =	ssyncset.s32 $0xFFFFF086  }
0x25: {  	[simem:s6], [sflag:s4] =	dma.local [hbm:s3], $0xF7A  }
0x26: {  	[smem:$0x3F9C] =	sst s1;
	(tag) =	ssettag s2;
	_ =	strace s9  }
0x27: {  	s1 =	sld [smem:$0x3FAC]  }
0x28: {  	s2 =	sld [smem:$0x3FAD]  }
0x29: {  	s4 =	sld [smem:$0x3FAF]  }
0x2a: {  	p0 =	seq.s32 s5, $0x0;
	s5 =	sld [smem:$0x3FB0]  }
0x2b: {  	s6 =	sld [smem:$0x3FB1]  }
0x2c: {  	s7 =	sld [smem:$0x3FB2]  }
0x2d: {  	s3 =	simm.s32 $0x108;
	s8 =	sld [smem:$0x3FB3]  }
0x2e: {  	s3 =	simm.s32 @!p0 $0x1082;
	s9 =	sld [smem:$0x3FB4]  }
0x2f: {  	lr =	sadd.s32 s0, s3;
	s0 =	sld [smem:$0x3FAB]  }
0x30: {  	s3 =	sld [smem:$0x3FAE]  }
0x31: {  	[smem:$0x3FB7] =	sst s10  }
0x32: {  	s10 =	sld [smem:$0x3FB5];
	_ =	sdelay $0x3  }
0x33: {  	p0 =	seq.s32 s10, $0x1;
	s10 =	sld [smem:$0x3FB7];
	_ =	sdelay $0x3  }
0x34: {  	[smem:$0x3FB7] =	sst s10  }
0x35: {  	s10 =	sld [smem:$0x3FB6];
	_ =	sdelay $0x3  }
0x36: {  	p1 =	seq.s32 s10, $0x1;
	s10 =	sld [smem:$0x3FB7];
	_ =	sdelay $0x3  }
0x37: {  	[smem:$0x3FB7] =	sst s10  }
0x38: {  	s10 =	sld [smem:$0x3FB8]  }
0x39: {  	_ = 	snop;
	(pc) =	sbr.ind lr, $3  }
0x3a: {  	_ = 	snop  }
0x3b: {  	_ = 	snop  }
0x3c: {  	p2 =	seq.s32 s10, $0x1;
	s10 =	sld [smem:$0x3FB7]  }
0x3d: {  	_ =	shalt  }
0x3e: {  	_ =	shalt  }
0x3f: {  	_ =	shalt  }
0x40: {  	_ =	shalt  }
0x41: {  	_ =	shalt  }
0x42: {  	_ =	shalt  }
0x43: {  	_ =	shalt  }
0x44: {  	_ =	shalt  }
0x45: {  	_ =	shalt  }
0x46: {  	_ =	shalt  }
0x47: {  	_ =	shalt  }
0x48: {  	_ =	shalt  }
0x49: {  	_ =	shalt  }
0x4a: {  	_ =	shalt  }
0x4b: {  	_ =	shalt  }
0x4c: {  	_ =	shalt  }
0x4d: {  	_ =	shalt  }
0x4e: {  	_ =	shalt  }
0x4f: {  	_ =	shalt  }
0x50: {  	_ =	shalt  }
0x51: {  	_ =	shalt  }
0x52: {  	_ =	shalt  }
0x53: {  	_ =	shalt  }
0x54: {  	_ =	shalt  }
0x55: {  	_ =	shalt  }
0x56: {  	_ =	shalt  }
0x57: {  	_ =	shalt  }
0x58: {  	_ =	shalt  }
0x59: {  	_ =	shalt  }
0x5a: {  	_ =	shalt  }
0x5b: {  	_ =	shalt  }
0x5c: {  	_ =	shalt  }
0x5d: {  	_ =	shalt  }
0x5e: {  	_ =	shalt  }
0x5f: {  	_ =	shalt  }
0x60: {  	_ =	shalt  }
0x61: {  	_ =	shalt  }
0x62: {  	_ =	shalt  }
0x63: {  	_ =	shalt  }
0x64: {  	_ =	shalt  }
0x65: {  	_ =	shalt  }
0x66: {  	_ =	shalt  }
0x67: {  	_ =	shalt  }
0x68: {  	_ =	shalt  }
0x69: {  	_ =	shalt  }
0x6a: {  	_ =	shalt  }
0x6b: {  	_ =	shalt  }
0x6c: {  	_ =	shalt  }
0x6d: {  	_ =	shalt  }
0x6e: {  	_ =	shalt  }
0x6f: {  	_ =	shalt  }
0x70: {  	_ =	shalt  }
0x71: {  	_ =	shalt  }
0x72: {  	_ =	shalt  }
0x73: {  	_ =	shalt  }
0x74: {  	_ =	shalt  }
0x75: {  	_ =	shalt  }
0x76: {  	_ =	shalt  }
0x77: {  	_ =	shalt  }
0x78: {  	_ =	shalt  }
0x79: {  	_ =	shalt  }
0x7a: {  	_ =	shalt  }
0x7b: {  	_ =	shalt  }
0x7c: {  	_ =	shalt  }
0x7d: {  	_ =	shalt  }
0x7e: {  	_ =	shalt  }
0x7f: {  	_ =	shalt  }
0x80: {  	_ =	shalt  }
0x81: {  	_ =	shalt  }
0x82: {  	_ =	shalt  }
0x83: {  	_ =	shalt  }
0x84: {  	_ =	shalt  }
0x85: {  	_ =	shalt  }
0x86: {  	_ =	shalt  }
0x87: {  	_ =	shalt  }
.Lfunc_end0:
.L_simem_size_0:
called_computation_lowered:
.L_overlay_start_0:
0x88: {  	s2 =	sld [smem:$0x3FD9]  }
0x89: {  	s3 =	sld [smem:$0x3FFE];
	_ =	sdelay $0x1  }
0x8a: {  	s1 =	srdreg.scid  }
0x8b: {  	s0 =	sand.u32 $0x1, s1  }
0x8c: {  	s14 =	sshll.u32 s0, $0xA;
	s2 =	sadd.s32 s3, s2  }
0x8d: {  	s2 =	sadd.s32 s2, s14  }
0x8e: {  	[smem:$0x3FC3] =	sst s2  }
0x8f: {  	_ = 	snop  }
0x90: {  	s2 =	sld [smem:$0x3FD0];
	_ =	sdelay $0x2  }
0x91: {  	s15 =	simm.s32 $0xA;
	s4 =	simm.s32 $0x10  }
0x92: {  	[smem:s4], [sflag:s15] =	dma.local [hbm:s2], $0x1  }
0x93: {  	_ =	swait.eq [sflag:s15], $0x1  }
0x94: {  	[sflag:s15] =	ssyncset.done $0x0  }
0x95: {  	[sflag:s15] =	ssyncadd.s32 $0xFFFFFFFF  }
0x96: {  	s16 =	sld [smem:$0x11];
	(tm) =	ssettm $0x1  }
0x97: {  	s17 =	sld [smem:$0x3FFB];
	_ =	sdelay $0x3  }
0x98: {  	_ =	strace s17  }
0x99: {  	s3 =	sld [smem:$0x3FFC];
	_ =	sdelay $0x3  }
0x9a: {  	_ =	strace s3  }
0x9b: {  	s3 =	sld [smem:$0x3FFD];
	_ =	sdelay $0x3  }
0x9c: {  	_ =	strace s3  }
0x9d: {  	_ =	strace $0x8FFFFFFF  }
0x9e: {  	s18 =	sld [smem:$0x3FDB];
	_ =	sdelay $0x1  }
0x9f: {  	s19 =	simm.s32 $_scs_section_size  }
0xa0: {  	s5 =	simm.s32 $_size__tile_overlayer_lowered;
	s6 =	simm.s32 $_tile_overlayer_lowered  }
0xa1: {  	s22 =	simm.s32 $0x1BFF;
	s21 =	sshll.u32 s6, $0x1;
	s3 =	sadd.s32 s19, s18  }
0xa2: {  	s7 =	simm.s32 $0x0;
	s20 =	sshll.u32 s5, $0x1;
	s5 =	sadd.s32 s21, s3  }
0xa3: {  	[timem:s7], [sflag:s22] =	dma.local [hbm:s5], s20  }
0xa4: {  	_ =	swait.ge [sflag:s22], s20  }
0xa5: {  	s4 =	ssub.s32 $0x0, s20;
	[sflag:s22] =	ssyncset.done $0x0  }
0xa6: {  	[sflag:s22] =	ssyncadd.s32 s4;
	_ =	sdelay $0x1  }
0xa7: {  	s23 =	simm.s32 $0x1B8B  }
0xa8: {  	_ =	swait.ge [sflag:s23], $0x1  }
0xa9: {  	[sflag:s23] =	ssyncset.done $0x0  }
0xaa: {  	s25 =	simm.s32 $0x1B8E;
	s24 =	sld [smem:$0x3FFE];
	[sflag:s23] =	ssyncadd.s32 $0xFFFFFFFF  }
0xab: {  	s26 =	simm.s32 $execute0_lowered;
	[smem:$0x3FD2] =	sst s25  }
0xac: {  	s5 =	sshll.u32 s26, $0x1;
	_ =	strace $0x80000046;
	[dreg:$0x1] =	wrdreg $0xFFFFFFFF  }
0xad: {  	s28 =	simm.s32 $_size_execute0_lowered;
	s3 =	sadd.s32 s3, s5;
	[dreg:$0x0] =	wrdreg $0x0  }
0xae: {  	s5 =	sshll.u32 s28, $0x1;
	[dreg:$0x2] =	wrdreg s3  }
0xaf: {  	[dreg:$0x3] =	wrdreg s5  }
0xb0: {  	[dreg:$0x4] =	wrdreg $0xC0  }
0xb1: {  	_ =	task [dreg:s7], $0x5FFFF  }
0xb2: {  	[dreg:$0x1] =	wrdreg $0xFFFFFFFF  }
0xb3: {  	[dreg:$0x0] =	wrdreg $0x60  }
0xb4: {  	[dreg:$0x2] =	wrdreg s24  }
0xb5: {  	[dreg:$0x3] =	wrdreg s16  }
0xb6: {  	[dreg:$0x4] =	wrdreg $0xC6800  }
0xb7: {  	[dreg:$0x5] =	wrdreg $0x9  }
0xb8: {  	_ =	task.clear_ibuf [dreg:s7], $0x6FFFF;
	_ =	strace $0x90000046  }
0xb9: {  	s29 =	simm.s32 $0x9;
	_ =	strace $0x80000048  }
0xba: {  	_ =	swait.ge [sflag:s29], $0x1  }
0xbb: {  	[sflag:s29] =	ssyncadd.s32 $0xFFFFFFFF  }
0xbc: {  	_ =	strace $0x90000048  }
0xbd: {  	_ =	sfence  }
0xbe: {  	s30 =	sld [smem:$0x0];
	_ =	sdelay $0x2  }
0xbf: {  	s31 =	sshll.u32 s1, $0xD;
	s1 =	sshrl.u32 s1, $0x2  }
0xc0: {  	s3 =	sand.u32 $0x4000, s31;
	s1 =	sadd.s32 s1, s30  }
0xc1: {  	s0 =	sor.u32 s3, s0;
	s1 =	sshll.u32 s1, $0x11  }
0xc2: {  	s0 =	sor.u32 s1, s0  }
0xc3: {  	s0 =	sadd.s32 $0x8F2B, s0  }
0xc4: {  	[sflag:s0] =	ssyncadd.remote.s32 $0x1  }
0xc5: {  	_ =	sfence.sel $0xFFFF  }
0xc6: {  	[dreg:$0x0] =	wrdreg $0xFFFFFFFF;
	(pc) =	sbr.abs _section_cstart, $3  }
0xc7: {  	[dreg:$0x1] =	wrdreg $0xFFFFFFFF  }
0xc8: {  	_ =	task.clear_ibuf [dreg:s7], $0x2FFFF;
	_ =	strace $0x9FFFFFFF  }
0xc9: {  	(tm) =	ssettm $0x7FFFFFFF  }
tec
execute0_lowered:
.L_overlay_start_1:
0x0: {  	(tag) =	ssettag $0x1  }
0x1: {  	s6 =	rddreg [dreg:$0x0]  }
0x2: {  	s1 =	rddreg [dreg:$0x1]  }
0x3: {  	s2 =	rddreg [dreg:$0x2]  }
0x4: {  	s3 =	srdreg.scid;
	s0 =	rddreg [dreg:$0x3]  }
0x5: {  	s9 =	stileid.u32;
	s13 =	simm.s32 $0x2780;
	s14 =	simm.s32 $0x4F00  }
0x6: {  	s15 =	simm.s32 $0x7680;
	s16 =	simm.s32 $0x50;
	s17 =	simm.s32 $0xC580  }
0x7: {  	s18 =	simm.s32 $0xC600;
	s19 =	simm.s32 $0x1;
	s20 =	simm.s32 $0xC4C0  }
0x8: {  	s21 =	simm.s32 $0x2;
	s22 =	simm.s32 $0x9E00;
	s23 =	simm.s32 $0x0  }
0x9: {  	s4 =	sand.u32 $0x1, s3;
	s3 =	simm.s32 $0x0;
	p0 =	sne.s32 s9, $0x0  }
0xa: {  	s7 =	sshll.u32 s4, $0x4;
	[smem:$0x7FF] =	sst s3;
	s8 =	ssub.s32 $0x2, s4  }
0xb: {  	s4 =	sadd.s32 $0x13C00, s6;
	s5 =	sor.u32 s9, s7;
	_ =	strace $0x80000047  }
0xc: {  	s11 =	sshrl.u32 s8, $0x1;
	s12 =	sadd.s32 s7, s6;
	s10 =	smul.u32 $0x4E2, s5  }
0xd: {  	s5 =	sadd.s32 $0x14200, s6;
	s11 =	ssub.s32 s8, s11;
	s9 =	sadd.s32 $0x1E600, s12  }
0xe: {  	s12 =	simm.s32 $0x3;
	s6 =	sadd.s32 s6, s10;
	s10 =	smax.u32 s11, $0x1  }
0xf: {  	s11 =	sshrl.u32 @!p0 s2, $0x3;
	s7 =	sadd.s32 $0x9E00, s6;
	s8 =	sadd.s32 $0x14800, s6  }
.LBB2_1:
0x10: {  	s24 =	simm.s32 @!p0 $0x1C03  }
0x11: {  	[spmem:s11], [sflag:s24] =	dma.local @!p0 [hbm:s5], $0x4F0  }
0x12: {  	s24 =	simm.s32 @!p0 $0x3  }
0x13: {  	_ =	swait.ge @!p0 [sflag:s24], $0x4F0  }
0x14: {  	[sflag:s24] =	ssyncset.done @!p0 $0x0  }
0x15: {  	[sflag:s24] =	ssyncadd.s32 @!p0 $0xFFFFFB10  }
0x16: {  	[tilespmem:s3], [sflag:$0x3] =	stream.linear.gather [hbm4b:s4+s3], $0x2780, $0x38;
	[tilespmem:$0xC8F8] =	vst v63  }
0x17: {  	_ =	swait.ge [sflag:s12], $0x2780  }
0x18: {  	[sflag:s12] =	ssyncset.done $0x0  }
0x19: {  	[sflag:s12] =	ssyncadd.s32 $0xFFFFD880  }
0x1a: {  	[tilespmem:s13], [sflag:$0x3] =	stream.linear.gather [hbm4b:s1+s3], $0x2780, $0x38;
	[tilespmem:$0xC8F8] =	vst v63  }
0x1b: {  	_ =	swait.ge [sflag:s12], $0x2780  }
0x1c: {  	[sflag:s12] =	ssyncset.done $0x0  }
0x1d: {  	[sflag:s12] =	ssyncadd.s32 $0xFFFFD880  }
0x1e: {  	[tilespmem:s14], [sflag:$0x3] =	stream.linear.gather [hbm4b:s7+s3], $0x2710, $0x38;
	[tilespmem:$0xC8F8] =	vst v63  }
0x1f: {  	_ =	swait.ge [sflag:s12], $0x2710  }
0x20: {  	[sflag:s12] =	ssyncset.done $0x0  }
0x21: {  	[sflag:s12] =	ssyncadd.s32 $0xFFFFD8F0  }
0x22: {  	[tilespmem:s15], [sflag:$0x3] =	stream.linear.gather [hbm4b:s6+s3], $0x2710, $0x38;
	[tilespmem:$0xC8F8] =	vst v63  }
0x23: {  	_ =	swait.ge [sflag:s12], $0x2710  }
0x24: {  	[sflag:s12] =	ssyncset.done $0x0  }
0x25: {  	[sflag:s12] =	ssyncadd.s32 $0xFFFFD8F0  }
0x26: {  	s24 =	simm.s32 $0x0;
	[bflag:$0x0] =	sbarrier.arrive $0xFFFF  }
.LBB2_2:
0x27: {  	s25 =	sshra.s32 s24, $0x2  }
0x28: {  	v0 =	vld [tilespmem:s25+$0x4F00]  }
0x29: {  	v1 =	vld [tilespmem:s25+$0x7680];
	_ =	sdelay $0x6  }
0x2a: {  	v0 =	vld.idx.msk [tilespmem:v0+s3+$0x0], $0xffff  }
0x2b: {  	v1 =	vld.idx.msk [tilespmem:v1+s13+$0x0], $0xffff;
	_ =	sdelay $0x4  }
0x2c: {  	v0 =	vadd.f32 v1, v0;
	_ =	sdelay $0x1  }
0x2d: {  	v1 =	vmul.f32 $5.000000070e-02, v0  }
0x2e: {  	vm0 =	vgt.f32 v0, $0.0e+00  }
0x2f: {  	v0 =	vsel vm0, v0, v1  }
0x30: {  	v0 =	vmul.f32 $1.442695020e+00, v0;
	_ =	sdelay $0x1  }
0x31: {  	(erf) = vpow2.f32 v0;
	_ =	sdelay $0x2  }
0x32: {  	v38 =	vld [tilespmem:s25+$0x4F10]  }
0x33: {  	v39 =	vld [tilespmem:s25+$0x7690];
	_ =	sdelay $0x4  }
0x34: {  	v2 =	vpop (erf)  }
0x35: {  	[tilespmem:s25+$0x9E00] =	vst v2  }
0x36: {  	v0 =	vld.idx.msk [tilespmem:v38+s3+$0x0], $0xffff  }
0x37: {  	v1 =	vld.idx.msk [tilespmem:v39+s13+$0x0], $0xffff;
	_ =	sdelay $0x4  }
0x38: {  	v0 =	vadd.f32 v1, v0;
	_ =	sdelay $0x1  }
0x39: {  	v1 =	vmul.f32 $5.000000070e-02, v0  }
0x3a: {  	vm7 =	vgt.f32 v0, $0.0e+00  }
0x3b: {  	v0 =	vsel vm7, v0, v1  }
0x3c: {  	v0 =	vmul.f32 $1.442695020e+00, v0;
	_ =	sdelay $0x1  }
0x3d: {  	(erf) = vpow2.f32 v0;
	_ =	sdelay $0x2  }
0x3e: {  	v40 =	vld [tilespmem:s25+$0x4F20]  }
0x3f: {  	v41 =	vld [tilespmem:s25+$0x76A0];
	_ =	sdelay $0x4  }
0x40: {  	v42 =	vpop (erf)  }
0x41: {  	[tilespmem:s25+$0x9E10] =	vst v42  }
0x42: {  	v0 =	vld.idx.msk [tilespmem:v40+s3+$0x0], $0xffff  }
0x43: {  	v1 =	vld.idx.msk [tilespmem:v41+s13+$0x0], $0xffff;
	_ =	sdelay $0x4  }
0x44: {  	v0 =	vadd.f32 v1, v0;
	_ =	sdelay $0x1  }
0x45: {  	v1 =	vmul.f32 $5.000000070e-02, v0  }
0x46: {  	vm8 =	vgt.f32 v0, $0.0e+00  }
0x47: {  	v0 =	vsel vm8, v0, v1  }
0x48: {  	v0 =	vmul.f32 $1.442695020e+00, v0;
	_ =	sdelay $0x1  }
0x49: {  	(erf) = vpow2.f32 v0;
	_ =	sdelay $0x2  }
0x4a: {  	v43 =	vld [tilespmem:s25+$0x4F30]  }
0x4b: {  	v44 =	vld [tilespmem:s25+$0x76B0];
	_ =	sdelay $0x4  }
0x4c: {  	v45 =	vpop (erf)  }
0x4d: {  	[tilespmem:s25+$0x9E20] =	vst v45  }
0x4e: {  	v0 =	vld.idx.msk [tilespmem:v43+s3+$0x0], $0xffff  }
0x4f: {  	v1 =	vld.idx.msk [tilespmem:v44+s13+$0x0], $0xffff;
	_ =	sdelay $0x4  }
0x50: {  	v0 =	vadd.f32 v1, v0;
	_ =	sdelay $0x1  }
0x51: {  	v1 =	vmul.f32 $5.000000070e-02, v0  }
0x52: {  	vm9 =	vgt.f32 v0, $0.0e+00  }
0x53: {  	v0 =	vsel vm9, v0, v1  }
0x54: {  	v0 =	vmul.f32 $1.442695020e+00, v0;
	_ =	sdelay $0x1  }
0x55: {  	(erf) = vpow2.f32 v0;
	_ =	sdelay $0x2  }
0x56: {  	v46 =	vld [tilespmem:s25+$0x4F40]  }
0x57: {  	v47 =	vld [tilespmem:s25+$0x76C0];
	_ =	sdelay $0x4  }
0x58: {  	v48 =	vpop (erf)  }
0x59: {  	[tilespmem:s25+$0x9E30] =	vst v48  }
0x5a: {  	v0 =	vld.idx.msk [tilespmem:v46+s3+$0x0], $0xffff  }
0x5b: {  	v1 =	vld.idx.msk [tilespmem:v47+s13+$0x0], $0xffff;
	_ =	sdelay $0x4  }
0x5c: {  	v0 =	vadd.f32 v1, v0;
	_ =	sdelay $0x1  }
0x5d: {  	v1 =	vmul.f32 $5.000000070e-02, v0  }
0x5e: {  	vm10 =	vgt.f32 v0, $0.0e+00  }
0x5f: {  	v0 =	vsel vm10, v0, v1  }
0x60: {  	v0 =	vmul.f32 $1.442695020e+00, v0;
	_ =	sdelay $0x1  }
0x61: {  	(erf) = vpow2.f32 v0;
	_ =	sdelay $0x8  }
0x62: {  	p1 =	seq.s32 s24, $0x0;
	v0 =	vpop (erf)  }
0x63: {  	s26 =	simm.s32 @!p1 $0x1;
	[tilespmem:s25+$0x9E40] =	vst v0  }
0x64: {  	_ =	swait.ge @!p1 [sflag:s26], $0x50  }
0x65: {  	[sflag:s26] =	ssyncset.done @!p1 $0x0  }
0x66: {  	[sflag:s26] =	ssyncadd.s32 @!p1 $0xFFFFFFB0  }
0x67: {  	v49 =	vld [tilespmem:s25+$0x4F00];
	_ =	sdelay $0x4  }
0x68: {  	[tilespmem:$0xC580] =	vst v49  }
0x69: {  	v0 =	vld [tilespmem:s25+$0x4F10];
	_ =	sdelay $0x4  }
0x6a: {  	[tilespmem:$0xC590] =	vst v0  }
0x6b: {  	v0 =	vld [tilespmem:s25+$0x4F20];
	_ =	sdelay $0x4  }
0x6c: {  	[tilespmem:$0xC5A0] =	vst v0  }
0x6d: {  	v0 =	vld [tilespmem:s25+$0x4F30];
	_ =	sdelay $0x4  }
0x6e: {  	[tilespmem:$0xC5B0] =	vst v0  }
0x6f: {  	v0 =	vld [tilespmem:s25+$0x4F40];
	_ =	sdelay $0x4  }
0x70: {  	s31 =	sadd.s32 $0x9E00, s25;
	[tilespmem:$0xC5C0] =	vst v0  }
0x71: {  	[spmem:s2] =	stream.indirect.scatter.add.f32 [tilespmem:s31], [sflag:$0x1], $0x1, s17, s16, $0xb8;
	[tilespmem:$0xC8F8] =	vst v63  }
0x72: {  	v0 =	vld [tilespmem:s25+$0x4F50]  }
0x73: {  	v50 =	vld [tilespmem:s25+$0x76D0];
	_ =	sdelay $0x6  }
0x74: {  	v0 =	vld.idx.msk [tilespmem:v0+s3+$0x0], $0xffff  }
0x75: {  	v1 =	vld.idx.msk [tilespmem:v50+s13+$0x0], $0xffff;
	_ =	sdelay $0x4  }
0x76: {  	v0 =	vadd.f32 v1, v0;
	_ =	sdelay $0x1  }
0x77: {  	v1 =	vmul.f32 $5.000000070e-02, v0  }
0x78: {  	vm11 =	vgt.f32 v0, $0.0e+00  }
0x79: {  	v0 =	vsel vm11, v0, v1  }
0x7a: {  	v0 =	vmul.f32 $1.442695020e+00, v0;
	_ =	sdelay $0x1  }
0x7b: {  	(erf) = vpow2.f32 v0;
	_ =	sdelay $0x2  }
0x7c: {  	v51 =	vld [tilespmem:s25+$0x4F60]  }
0x7d: {  	v52 =	vld [tilespmem:s25+$0x76E0];
	_ =	sdelay $0x4  }
0x7e: {  	v53 =	vpop (erf)  }
0x7f: {  	[tilespmem:s25+$0x9E50] =	vst v53  }
0x80: {  	v0 =	vld.idx.msk [tilespmem:v51+s3+$0x0], $0xffff  }
0x81: {  	v1 =	vld.idx.msk [tilespmem:v52+s13+$0x0], $0xffff;
	_ =	sdelay $0x4  }
0x82: {  	v0 =	vadd.f32 v1, v0;
	_ =	sdelay $0x1  }
0x83: {  	v1 =	vmul.f32 $5.000000070e-02, v0  }
0x84: {  	vm12 =	vgt.f32 v0, $0.0e+00  }
0x85: {  	v0 =	vsel vm12, v0, v1  }
0x86: {  	v0 =	vmul.f32 $1.442695020e+00, v0;
	_ =	sdelay $0x1  }
0x87: {  	(erf) = vpow2.f32 v0;
	_ =	sdelay $0x2  }
0x88: {  	v54 =	vld [tilespmem:s25+$0x4F70]  }
0x89: {  	v55 =	vld [tilespmem:s25+$0x76F0];
	_ =	sdelay $0x4  }
0x8a: {  	v56 =	vpop (erf)  }
0x8b: {  	[tilespmem:s25+$0x9E60] =	vst v56  }
0x8c: {  	v0 =	vld.idx.msk [tilespmem:v54+s3+$0x0], $0xffff  }
0x8d: {  	v1 =	vld.idx.msk [tilespmem:v55+s13+$0x0], $0xffff;
	_ =	sdelay $0x4  }
0x8e: {  	v0 =	vadd.f32 v1, v0;
	_ =	sdelay $0x1  }
0x8f: {  	v1 =	vmul.f32 $5.000000070e-02, v0  }
0x90: {  	vm13 =	vgt.f32 v0, $0.0e+00  }
0x91: {  	v0 =	vsel vm13, v0, v1  }
0x92: {  	v0 =	vmul.f32 $1.442695020e+00, v0;
	_ =	sdelay $0x1  }
0x93: {  	(erf) = vpow2.f32 v0;
	_ =	sdelay $0x2  }
0x94: {  	v57 =	vld [tilespmem:s25+$0x4F80]  }
0x95: {  	v58 =	vld [tilespmem:s25+$0x7700];
	_ =	sdelay $0x4  }
0x96: {  	v59 =	vpop (erf)  }
0x97: {  	[tilespmem:s25+$0x9E70] =	vst v59  }
0x98: {  	v0 =	vld.idx.msk [tilespmem:v57+s3+$0x0], $0xffff  }
0x99: {  	v1 =	vld.idx.msk [tilespmem:v58+s13+$0x0], $0xffff;
	_ =	sdelay $0x4  }
0x9a: {  	v0 =	vadd.f32 v1, v0;
	_ =	sdelay $0x1  }
0x9b: {  	v1 =	vmul.f32 $5.000000070e-02, v0  }
0x9c: {  	vm14 =	vgt.f32 v0, $0.0e+00  }
0x9d: {  	v0 =	vsel vm14, v0, v1  }
0x9e: {  	v0 =	vmul.f32 $1.442695020e+00, v0;
	_ =	sdelay $0x1  }
0x9f: {  	(erf) = vpow2.f32 v0;
	_ =	sdelay $0x2  }
0xa0: {  	v60 =	vld [tilespmem:s25+$0x4F90]  }
0xa1: {  	v61 =	vld [tilespmem:s25+$0x7710];
	_ =	sdelay $0x4  }
0xa2: {  	v62 =	vpop (erf)  }
0xa3: {  	[tilespmem:s25+$0x9E80] =	vst v62  }
0xa4: {  	v0 =	vld.idx.msk [tilespmem:v60+s3+$0x0], $0xffff  }
0xa5: {  	v1 =	vld.idx.msk [tilespmem:v61+s13+$0x0], $0xffff;
	_ =	sdelay $0x4  }
0xa6: {  	v0 =	vadd.f32 v1, v0;
	_ =	sdelay $0x1  }
0xa7: {  	v1 =	vmul.f32 $5.000000070e-02, v0  }
0xa8: {  	vm15 =	vgt.f32 v0, $0.0e+00  }
0xa9: {  	v0 =	vsel vm15, v0, v1  }
0xaa: {  	v0 =	vmul.f32 $1.442695020e+00, v0;
	_ =	sdelay $0x1  }
0xab: {  	(erf) = vpow2.f32 v0;
	_ =	sdelay $0x8  }
0xac: {  	v0 =	vpop (erf)  }
0xad: {  	s26 =	simm.s32 @!p1 $0x2;
	[tilespmem:s25+$0x9E90] =	vst v0  }
0xae: {  	_ =	swait.ge @!p1 [sflag:s26], $0x50  }
0xaf: {  	[sflag:s26] =	ssyncset.done @!p1 $0x0  }
0xb0: {  	[sflag:s26] =	ssyncadd.s32 @!p1 $0xFFFFFFB0  }
0xb1: {  	v63 =	vld [tilespmem:s25+$0x4F50];
	_ =	sdelay $0x4  }
0xb2: {  	[tilespmem:$0xC600] =	vst v63  }
0xb3: {  	v0 =	vld [tilespmem:s25+$0x4F60];
	_ =	sdelay $0x4  }
0xb4: {  	[tilespmem:$0xC610] =	vst v0  }
0xb5: {  	v0 =	vld [tilespmem:s25+$0x4F70];
	_ =	sdelay $0x4  }
0xb6: {  	[tilespmem:$0xC620] =	vst v0  }
0xb7: {  	v0 =	vld [tilespmem:s25+$0x4F80];
	_ =	sdelay $0x4  }
0xb8: {  	[tilespmem:$0xC630] =	vst v0  }
0xb9: {  	s24 =	sadd.s32 $0x280, s24;
	v0 =	vld [tilespmem:s25+$0x4F90]  }
0xba: {  	p1 =	sne.s32 s24, $0x9B00  }
.Ltmp0:
0xbb: {  	_ = 	snop;
	(pc) =	sbr.rel @p1 .LBB2_2-.Ltmp0, $3  }
0xbc: {  	_ =	sdelay $0x1  }
0xbd: {  	s25 =	sadd.s32 $0x9E50, s25;
	[tilespmem:$0xC640] =	vst v0  }
0xbe: {  	[spmem:s2] =	stream.indirect.scatter.add.f32 [tilespmem:s25], [sflag:$0x2], $0x1, s18, s16, $0xb8;
	[tilespmem:$0xC8F8] =	vst v63  }
0xbf: {  	v0 =	vld [tilespmem:$0x75C0]  }
0xc0: {  	v1 =	vld [tilespmem:$0x9D40];
	_ =	sdelay $0x6  }
0xc1: {  	v0 =	vld.idx.msk [tilespmem:v0+s3+$0x0], $0xffff  }
0xc2: {  	v1 =	vld.idx.msk [tilespmem:v1+s13+$0x0], $0xffff;
	_ =	sdelay $0x4  }
0xc3: {  	v0 =	vadd.f32 v1, v0;
	_ =	sdelay $0x1  }
0xc4: {  	v1 =	vmul.f32 $5.000000070e-02, v0  }
0xc5: {  	vm0 =	vgt.f32 v0, $0.0e+00  }
0xc6: {  	v0 =	vsel vm0, v0, v1  }
0xc7: {  	v0 =	vmul.f32 $1.442695020e+00, v0;
	_ =	sdelay $0x1  }
0xc8: {  	(erf) = vpow2.f32 v0;
	_ =	sdelay $0x2  }
0xc9: {  	v50 =	vld [tilespmem:$0x75D0]  }
0xca: {  	v51 =	vld [tilespmem:$0x9D50];
	_ =	sdelay $0x4  }
0xcb: {  	v2 =	vpop (erf)  }
0xcc: {  	[tilespmem:$0xC4C0] =	vst v2  }
0xcd: {  	v0 =	vld.idx.msk [tilespmem:v50+s3+$0x0], $0xffff  }
0xce: {  	v1 =	vld.idx.msk [tilespmem:v51+s13+$0x0], $0xffff;
	_ =	sdelay $0x4  }
0xcf: {  	v0 =	vadd.f32 v1, v0;
	_ =	sdelay $0x1  }
0xd0: {  	v1 =	vmul.f32 $5.000000070e-02, v0  }
0xd1: {  	vm12 =	vgt.f32 v0, $0.0e+00  }
0xd2: {  	v0 =	vsel vm12, v0, v1  }
0xd3: {  	v0 =	vmul.f32 $1.442695020e+00, v0;
	_ =	sdelay $0x1  }
0xd4: {  	(erf) = vpow2.f32 v0;
	_ =	sdelay $0x2  }
0xd5: {  	v52 =	vld [tilespmem:$0x75E0]  }
0xd6: {  	v53 =	vld [tilespmem:$0x9D60];
	_ =	sdelay $0x4  }
0xd7: {  	v54 =	vpop (erf)  }
0xd8: {  	[tilespmem:$0xC4D0] =	vst v54  }
0xd9: {  	v0 =	vld.idx.msk [tilespmem:v52+s3+$0x0], $0xffff  }
0xda: {  	v1 =	vld.idx.msk [tilespmem:v53+s13+$0x0], $0xffff;
	_ =	sdelay $0x4  }
0xdb: {  	v0 =	vadd.f32 v1, v0;
	_ =	sdelay $0x1  }
0xdc: {  	v1 =	vmul.f32 $5.000000070e-02, v0  }
0xdd: {  	vm13 =	vgt.f32 v0, $0.0e+00  }
0xde: {  	v0 =	vsel vm13, v0, v1  }
0xdf: {  	v0 =	vmul.f32 $1.442695020e+00, v0;
	_ =	sdelay $0x1  }
0xe0: {  	(erf) = vpow2.f32 v0;
	_ =	sdelay $0x2  }
0xe1: {  	v55 =	vld [tilespmem:$0x75F0]  }
0xe2: {  	v56 =	vld [tilespmem:$0x9D70];
	_ =	sdelay $0x4  }
0xe3: {  	v57 =	vpop (erf)  }
0xe4: {  	[tilespmem:$0xC4E0] =	vst v57  }
0xe5: {  	v0 =	vld.idx.msk [tilespmem:v55+s3+$0x0], $0xffff  }
0xe6: {  	v1 =	vld.idx.msk [tilespmem:v56+s13+$0x0], $0xffff;
	_ =	sdelay $0x4  }
0xe7: {  	v0 =	vadd.f32 v1, v0;
	_ =	sdelay $0x1  }
0xe8: {  	v1 =	vmul.f32 $5.000000070e-02, v0  }
0xe9: {  	vm14 =	vgt.f32 v0, $0.0e+00  }
0xea: {  	v0 =	vsel vm14, v0, v1  }
0xeb: {  	v0 =	vmul.f32 $1.442695020e+00, v0;
	_ =	sdelay $0x1  }
0xec: {  	(erf) = vpow2.f32 v0;
	_ =	sdelay $0x2  }
0xed: {  	v58 =	vld [tilespmem:$0x7600]  }
0xee: {  	v59 =	vld [tilespmem:$0x9D80];
	_ =	sdelay $0x4  }
0xef: {  	v60 =	vpop (erf)  }
0xf0: {  	[tilespmem:$0xC4F0] =	vst v60  }
0xf1: {  	v0 =	vld.idx.msk [tilespmem:v58+s3+$0x0], $0xffff  }
0xf2: {  	v1 =	vld.idx.msk [tilespmem:v59+s13+$0x0], $0xffff;
	_ =	sdelay $0x4  }
0xf3: {  	v0 =	vadd.f32 v1, v0;
	_ =	sdelay $0x1  }
0xf4: {  	v1 =	vmul.f32 $5.000000070e-02, v0  }
0xf5: {  	vm15 =	vgt.f32 v0, $0.0e+00  }
0xf6: {  	v0 =	vsel vm15, v0, v1  }
0xf7: {  	v0 =	vmul.f32 $1.442695020e+00, v0;
	_ =	sdelay $0x1  }
0xf8: {  	(erf) = vpow2.f32 v0;
	_ =	sdelay $0x8  }
0xf9: {  	v0 =	vpop (erf)  }
0xfa: {  	[tilespmem:$0xC500] =	vst v0  }
0xfb: {  	_ =	swait.ge [sflag:s19], $0x50  }
0xfc: {  	[sflag:s19] =	ssyncset.done $0x0  }
0xfd: {  	[sflag:s19] =	ssyncadd.s32 $0xFFFFFFB0  }
0xfe: {  	v61 =	vld [tilespmem:$0x75C0]  }
0xff: {  	v62 =	vld [tilespmem:$0x75D0]  }
0x100: {  	v63 =	vld [tilespmem:$0x75E0]  }
0x101: {  	v3 =	vld [tilespmem:$0x75F0]  }
0x102: {  	v4 =	vld [tilespmem:$0x7600]  }
0x103: {  	[tilespmem:$0xC580] =	vst v61  }
0x104: {  	[tilespmem:$0xC590] =	vst v62  }
0x105: {  	[tilespmem:$0xC5A0] =	vst v63  }
0x106: {  	[tilespmem:$0xC5B0] =	vst v3  }
0x107: {  	[tilespmem:$0xC5C0] =	vst v4  }
0x108: {  	[spmem:s2] =	stream.indirect.scatter.add.f32 [tilespmem:s20], [sflag:$0x1], $0x1, s17, s16, $0xb8;
	[tilespmem:$0xC8F8] =	vst v63  }
0x109: {  	_ =	swait.ge [sflag:s21], $0x50  }
0x10a: {  	[sflag:s21] =	ssyncset.done $0x0  }
0x10b: {  	[sflag:s21] =	ssyncadd.s32 $0xFFFFFFB0  }
0x10c: {  	_ =	swait.ge [sflag:s19], $0x50  }
0x10d: {  	[sflag:s19] =	ssyncset.done $0x0  }
0x10e: {  	[sflag:s19] =	ssyncadd.s32 $0xFFFFFFB0  }
0x10f: {  	[hbm4b:s8+s3] =	stream.linear.scatter [tilespmem:s22], [sflag:$0x3], $0x2710, $0x38;
	[tilespmem:$0xC8F8] =	vst v63  }
0x110: {  	_ =	swait.ge [sflag:s12], $0x2710  }
0x111: {  	s24 =	simm.s32 @!p0 $0x1;
	s25 =	simm.s32 @!p0 $0x20;
	[sflag:s12] =	ssyncset.done $0x0  }
0x112: {  	s26 =	simm.s32 @!p0 $0x10;
	s23 =	sadd.s32 $0x1, s23;
	[sflag:s12] =	ssyncadd.s32 $0xFFFFD8F0  }
0x113: {  	s28 =	simm.s32 @!p0 $0x1C03;
	p1 =	sne.s32 s23, s10;
	[bflag:$0x0] =	sbarrier.arrive $0xFFFF  }
0x114: {  	[hbm:s9@s25], [sflag:s28] =	dma.strided @!p0 [spmem:s11@s26], $0x4F0, s24, $0x10   }
.Ltmp1:
0x115: {  	_ = 	snop;
	(pc) =	sbr.rel @p1 .LBB2_1-.Ltmp1, $4  }
0x116: {  	s24 =	simm.s32 @!p0 $0x3  }
0x117: {  	_ =	swait.ge @!p0 [sflag:s24], $0x4F0  }
0x118: {  	[sflag:s24] =	ssyncset.done @!p0 $0x0  }
0x119: {  	[sflag:s24] =	ssyncadd.s32 @!p0 $0xFFFFFB10  }
0x11a: {  	_ =	sfence.sel $0x180000  }
0x11b: {  	[bflag:$0x0] =	sbarrier.arrive $0xFFFF  }
0x11c: {  	_ =	strace $0x90000047  }
0x11d: {  	s0 =	sadd.s32 @!p0 $0x100000, s0;
	[bflag:$0x2] =	sbarrier.arrive $0xFFFF  }
0x11e: {  	[sflag:s0] =	ssyncadd.tile.s32 @!p0 $0x1;
	_ =	shalt  }
.Lfunc_end2:
_tile_overlayer_lowered:
.L_overlay_start_2:
0x11f: {  	(tag) =	ssettag $0x2  }
0x120: {  	s0 =	rddreg [dreg:$0x0];
	s2 =	stileid.u32  }
0x121: {  	s1 =	rddreg [dreg:$0x1];
	p0 =	sne.s32 s2, $0x0  }
0x122: {  	s3 =	rddreg [dreg:$0x2];
	[bflag:$0x3] =	sbarrier.arrive $0xFFFF;
	s2 =	simm.s32 @!p0 $0x1C03  }
0x123: {  	[timem:s3], [sflag:s2] =	dma.local @!p0 [hbm:s0], s1  }
0x124: {  	s0 =	simm.s32 @!p0 $0x3  }
0x125: {  	_ =	swait.ge @!p0 [sflag:s0], s1  }
0x126: {  	s1 =	ssub.s32 @!p0 $0x0, s1;
	[sflag:s0] =	ssyncset.done @!p0 $0x0  }
0x127: {  	[sflag:s0] =	ssyncadd.s32 @!p0 s1  }
0x128: {  	[bflag:$0x3] =	sbarrier.arrive $0xFFFF  }
0x129: {  	_ =	shalt  }

// kernel: _run.9.cloned.1.call-start
scs
__scs_entry_jumppad:
0x0: {  	(pc) =	sbr.rel $0x88, $3  }
0x1: {  	(tag) =	ssettag $0x0;
	lr =	simm.s32 $0x1  }
0x2: {  	[smem:$0x3F9C] =	sst lr;
	_ =	strace $0xD0000000  }
0x3: {  	_ = 	snop  }
0x4: {  	_ = 	snop  }
0x5: {  	_ = 	snop  }
0x6: {  	_ = 	snop  }
0x7: {  	_ = 	snop  }
__scs_overlays_trampoline_lowered:
0x8: {  	[smem:$0x3FAB] =	sst s0  }
0x9: {  	[smem:$0x3FAC] =	sst s1  }
0xa: {  	[smem:$0x3FAD] =	sst s2  }
0xb: {  	[smem:$0x3FAE] =	sst s3  }
0xc: {  	[smem:$0x3FAF] =	sst s4  }
0xd: {  	[smem:$0x3FB0] =	sst s5  }
0xe: {  	[smem:$0x3FB1] =	sst s6  }
0xf: {  	[smem:$0x3FB2] =	sst s7  }
0x10: {  	[smem:$0x3FB3] =	sst s8  }
0x11: {  	[smem:$0x3FB4] =	sst s9;
	s0 =	simm.s32 @!p0 $0x0  }
0x12: {  	s1 =	sld [smem:$0x3F9A];
	s0 =	simm.s32 @p0 $0x1  }
0x13: {  	[smem:$0x3FB5] =	sst s0;
	s0 =	simm.s32 @!p1 $0x0  }
0x14: {  	s2 =	sld [smem:$0x3F99];
	s0 =	simm.s32 @p1 $0x1  }
0x15: {  	[smem:$0x3FB6] =	sst s0;
	s0 =	simm.s32 @!p2 $0x0  }
0x16: {  	s3 =	sld [smem:$0x3FDB];
	s0 =	simm.s32 @p2 $0x1  }
0x17: {  	s4 =	simm.s32 $0x1BF5;
	[smem:$0x3FB8] =	sst s0  }
0x18: {  	s0 =	sld [smem:$0x3F9B];
	_ =	swait.ge [sflag:s4], $0x0  }
0x19: {  	s7 =	sld [smem:$0x3F9C]  }
0x1a: {  	s8 =	sadd.s32 $0xFFFFE003, lr  }
0x1b: {  	s9 =	sadd.s32 $0xFFFFFEF7, lr;
	s5 =	simm.s32 $0xFFFFFFFF;
	p2 =	slt.u32 s8, $0xFFFFF086  }
0x1c: {  	p1 =	slt.u32 s9, $0xF7A;
	s5 =	simm.s32 @!p2 $0x0  }
0x1d: {  	s5 =	simm.s32 @p1 $0x1;
	p0 =	seq.s32 s7, s2  }
0x1e: {  	s7 =	smul.u32 @!p0 $0xF7A, s2;
	p2 =	seq.s32 @!p0 s5, $0x0  }
0x1f: {  	s9 =	smul.u32 $0xF7A, s1;
	s8 =	simm.s32 @!p0 $0x1BF5;
	p2 =	por !p2, p0  }
0x20: {  	[sflag:s8] =	ssyncset.s32 @!p0 $0xFFFFF086;
	s6 =	sadd.s32 @!p0 s3, s7;
	s7 =	simm.s32 @!p0 $0x108  }
0x21: {  	s3 =	sadd.s32 s3, s9;
	s6 =	sadd.s32 @!p0 $0x88, s6;
	s7 =	simm.s32 @p2 $0x1082  }
0x22: {  	[simem:s7], [sflag:s8] =	dma.local @!p0 [hbm:s6], $0xF7A  }
0x23: {  	s9 =	sor.u32 $0xD0000000, s2;
	s6 =	simm.s32 $0x108;
	_ =	swait.ge @!p0 [sflag:s8], $0x0  }
0x24: {  	s3 =	sadd.s32 $0x88, s3;
	s6 =	simm.s32 @!p1 $0x1082;
	[sflag:s4] =	ssyncset.s32 $0xFFFFF086  }
0x25: {  	[simem:s6], [sflag:s4] =	dma.local [hbm:s3], $0xF7A  }
0x26: {  	[smem:$0x3F9C] =	sst s1;
	(tag) =	ssettag s2;
	_ =	strace s9  }
0x27: {  	s1 =	sld [smem:$0x3FAC]  }
0x28: {  	s2 =	sld [smem:$0x3FAD]  }
0x29: {  	s4 =	sld [smem:$0x3FAF]  }
0x2a: {  	p0 =	seq.s32 s5, $0x0;
	s5 =	sld [smem:$0x3FB0]  }
0x2b: {  	s6 =	sld [smem:$0x3FB1]  }
0x2c: {  	s7 =	sld [smem:$0x3FB2]  }
0x2d: {  	s3 =	simm.s32 $0x108;
	s8 =	sld [smem:$0x3FB3]  }
0x2e: {  	s3 =	simm.s32 @!p0 $0x1082;
	s9 =	sld [smem:$0x3FB4]  }
0x2f: {  	lr =	sadd.s32 s0, s3;
	s0 =	sld [smem:$0x3FAB]  }
0x30: {  	s3 =	sld [smem:$0x3FAE]  }
0x31: {  	[smem:$0x3FB7] =	sst s10  }
0x32: {  	s10 =	sld [smem:$0x3FB5];
	_ =	sdelay $0x3  }
0x33: {  	p0 =	seq.s32 s10, $0x1;
	s10 =	sld [smem:$0x3FB7];
	_ =	sdelay $0x3  }
0x34: {  	[smem:$0x3FB7] =	sst s10  }
0x35: {  	s10 =	sld [smem:$0x3FB6];
	_ =	sdelay $0x3  }
0x36: {  	p1 =	seq.s32 s10, $0x1;
	s10 =	sld [smem:$0x3FB7];
	_ =	sdelay $0x3  }
0x37: {  	[smem:$0x3FB7] =	sst s10  }
0x38: {  	s10 =	sld [smem:$0x3FB8]  }
0x39: {  	_ = 	snop;
	(pc) =	sbr.ind lr, $3  }
0x3a: {  	_ = 	snop  }
0x3b: {  	_ = 	snop  }
0x3c: {  	p2 =	seq.s32 s10, $0x1;
	s10 =	sld [smem:$0x3FB7]  }
0x3d: {  	_ =	shalt  }
0x3e: {  	_ =	shalt  }
0x3f: {  	_ =	shalt  }
0x40: {  	_ =	shalt  }
0x41: {  	_ =	shalt  }
0x42: {  	_ =	shalt  }
0x43: {  	_ =	shalt  }
0x44: {  	_ =	shalt  }
0x45: {  	_ =	shalt  }
0x46: {  	_ =	shalt  }
0x47: {  	_ =	shalt  }
0x48: {  	_ =	shalt  }
0x49: {  	_ =	shalt  }
0x4a: {  	_ =	shalt  }
0x4b: {  	_ =	shalt  }
0x4c: {  	_ =	shalt  }
0x4d: {  	_ =	shalt  }
0x4e: {  	_ =	shalt  }
0x4f: {  	_ =	shalt  }
0x50: {  	_ =	shalt  }
0x51: {  	_ =	shalt  }
0x52: {  	_ =	shalt  }
0x53: {  	_ =	shalt  }
0x54: {  	_ =	shalt  }
0x55: {  	_ =	shalt  }
0x56: {  	_ =	shalt  }
0x57: {  	_ =	shalt  }
0x58: {  	_ =	shalt  }
0x59: {  	_ =	shalt  }
0x5a: {  	_ =	shalt  }
0x5b: {  	_ =	shalt  }
0x5c: {  	_ =	shalt  }
0x5d: {  	_ =	shalt  }
0x5e: {  	_ =	shalt  }
0x5f: {  	_ =	shalt  }
0x60: {  	_ =	shalt  }
0x61: {  	_ =	shalt  }
0x62: {  	_ =	shalt  }
0x63: {  	_ =	shalt  }
0x64: {  	_ =	shalt  }
0x65: {  	_ =	shalt  }
0x66: {  	_ =	shalt  }
0x67: {  	_ =	shalt  }
0x68: {  	_ =	shalt  }
0x69: {  	_ =	shalt  }
0x6a: {  	_ =	shalt  }
0x6b: {  	_ =	shalt  }
0x6c: {  	_ =	shalt  }
0x6d: {  	_ =	shalt  }
0x6e: {  	_ =	shalt  }
0x6f: {  	_ =	shalt  }
0x70: {  	_ =	shalt  }
0x71: {  	_ =	shalt  }
0x72: {  	_ =	shalt  }
0x73: {  	_ =	shalt  }
0x74: {  	_ =	shalt  }
0x75: {  	_ =	shalt  }
0x76: {  	_ =	shalt  }
0x77: {  	_ =	shalt  }
0x78: {  	_ =	shalt  }
0x79: {  	_ =	shalt  }
0x7a: {  	_ =	shalt  }
0x7b: {  	_ =	shalt  }
0x7c: {  	_ =	shalt  }
0x7d: {  	_ =	shalt  }
0x7e: {  	_ =	shalt  }
0x7f: {  	_ =	shalt  }
0x80: {  	_ =	shalt  }
0x81: {  	_ =	shalt  }
0x82: {  	_ =	shalt  }
0x83: {  	_ =	shalt  }
0x84: {  	_ =	shalt  }
0x85: {  	_ =	shalt  }
0x86: {  	_ =	shalt  }
0x87: {  	_ =	shalt  }
.Lfunc_end0:
.L_simem_size_0:
called_computation.1_lowered:
.L_overlay_start_0:
0x88: {  	s2 =	sld [smem:$0x3FD9]  }
0x89: {  	s3 =	sld [smem:$0x3FFE];
	_ =	sdelay $0x1  }
0x8a: {  	s1 =	srdreg.scid  }
0x8b: {  	s0 =	sand.u32 $0x1, s1  }
0x8c: {  	s14 =	sshll.u32 s0, $0xA;
	s2 =	sadd.s32 s3, s2  }
0x8d: {  	s2 =	sadd.s32 s2, s14  }
0x8e: {  	[smem:$0x3FC3] =	sst s2  }
0x8f: {  	_ = 	snop  }
0x90: {  	s2 =	sld [smem:$0x3FD0];
	_ =	sdelay $0x2  }
0x91: {  	s15 =	simm.s32 $0xA;
	s4 =	simm.s32 $0x10  }
0x92: {  	[smem:s4], [sflag:s15] =	dma.local [hbm:s2], $0x1  }
0x93: {  	_ =	swait.eq [sflag:s15], $0x1  }
0x94: {  	[sflag:s15] =	ssyncset.done $0x0  }
0x95: {  	s16 =	sld [smem:$0x10];
	[sflag:s15] =	ssyncadd.s32 $0xFFFFFFFF  }
0x96: {  	s17 =	sld [smem:$0x11];
	(tm) =	ssettm $0x1  }
0x97: {  	s18 =	sld [smem:$0x3FFB];
	_ =	sdelay $0x3  }
0x98: {  	_ =	strace s18  }
0x99: {  	s4 =	sld [smem:$0x3FFC];
	_ =	sdelay $0x3  }
0x9a: {  	_ =	strace s4  }
0x9b: {  	s4 =	sld [smem:$0x3FFD];
	_ =	sdelay $0x3  }
0x9c: {  	_ =	strace s4  }
0x9d: {  	_ =	strace $0x8FFFFFFF  }
0x9e: {  	s19 =	sld [smem:$0x3FDB];
	_ =	sdelay $0x1  }
0x9f: {  	s5 =	simm.s32 $_scs_section_size  }
0xa0: {  	s6 =	simm.s32 $_size__tile_overlayer_lowered;
	s7 =	simm.s32 $_tile_overlayer_lowered  }
0xa1: {  	s22 =	simm.s32 $0x1BFF;
	s21 =	sshll.u32 s7, $0x1;
	s4 =	sadd.s32 s5, s19  }
0xa2: {  	s8 =	simm.s32 $0x0;
	s20 =	sshll.u32 s6, $0x1;
	s6 =	sadd.s32 s21, s4  }
0xa3: {  	[timem:s8], [sflag:s22] =	dma.local [hbm:s6], s20  }
0xa4: {  	_ =	swait.ge [sflag:s22], s20  }
0xa5: {  	s5 =	ssub.s32 $0x0, s20;
	[sflag:s22] =	ssyncset.done $0x0  }
0xa6: {  	[sflag:s22] =	ssyncadd.s32 s5;
	_ =	sdelay $0x1  }
0xa7: {  	s23 =	simm.s32 $0x1B8B  }
0xa8: {  	_ =	swait.ge [sflag:s23], $0x1  }
0xa9: {  	[sflag:s23] =	ssyncset.done $0x0  }
0xaa: {  	s25 =	simm.s32 $0x1B8E;
	s24 =	sld [smem:$0x3FFE];
	[sflag:s23] =	ssyncadd.s32 $0xFFFFFFFF  }
0xab: {  	s26 =	simm.s32 $execute0_lowered;
	[smem:$0x3FD2] =	sst s25  }
0xac: {  	s6 =	sshll.u32 s26, $0x1;
	_ =	strace $0x80000049;
	[dreg:$0x1] =	wrdreg $0xFFFFFFFF  }
0xad: {  	s28 =	simm.s32 $_size_execute0_lowered;
	s4 =	sadd.s32 s4, s6;
	[dreg:$0x0] =	wrdreg $0x0  }
0xae: {  	s6 =	sshll.u32 s28, $0x1;
	[dreg:$0x2] =	wrdreg s4  }
0xaf: {  	[dreg:$0x3] =	wrdreg s6  }
0xb0: {  	[dreg:$0x4] =	wrdreg $0xC0  }
0xb1: {  	_ =	task [dreg:s8], $0x5FFFF  }
0xb2: {  	[dreg:$0x1] =	wrdreg $0xFFFFFFFF  }
0xb3: {  	[dreg:$0x0] =	wrdreg $0x60  }
0xb4: {  	[dreg:$0x2] =	wrdreg s24  }
0xb5: {  	[dreg:$0x3] =	wrdreg s16  }
0xb6: {  	[dreg:$0x4] =	wrdreg s17  }
0xb7: {  	[dreg:$0x5] =	wrdreg $0xA2000  }
0xb8: {  	[dreg:$0x6] =	wrdreg $0x9  }
0xb9: {  	_ =	task.clear_ibuf [dreg:s8], $0x7FFFF;
	_ =	strace $0x90000049  }
0xba: {  	s29 =	simm.s32 $0x9;
	_ =	strace $0x8000004B  }
0xbb: {  	_ =	swait.ge [sflag:s29], $0x1  }
0xbc: {  	[sflag:s29] =	ssyncadd.s32 $0xFFFFFFFF  }
0xbd: {  	_ =	strace $0x9000004B  }
0xbe: {  	_ =	sfence  }
0xbf: {  	s30 =	sld [smem:$0x0];
	_ =	sdelay $0x2  }
0xc0: {  	s31 =	sshll.u32 s1, $0xD;
	s1 =	sshrl.u32 s1, $0x2  }
0xc1: {  	s3 =	sand.u32 $0x4000, s31;
	s1 =	sadd.s32 s1, s30  }
0xc2: {  	s0 =	sor.u32 s3, s0;
	s1 =	sshll.u32 s1, $0x11  }
0xc3: {  	s0 =	sor.u32 s1, s0  }
0xc4: {  	s0 =	sadd.s32 $0x8F2B, s0  }
0xc5: {  	[sflag:s0] =	ssyncadd.remote.s32 $0x1  }
0xc6: {  	_ =	sfence.sel $0xFFFF  }
0xc7: {  	[dreg:$0x0] =	wrdreg $0xFFFFFFFF;
	(pc) =	sbr.abs _section_cstart, $3  }
0xc8: {  	[dreg:$0x1] =	wrdreg $0xFFFFFFFF  }
0xc9: {  	_ =	task.clear_ibuf [dreg:s8], $0x2FFFF;
	_ =	strace $0x9FFFFFFF  }
0xca: {  	(tm) =	ssettm $0x7FFFFFFF  }
0xcb: {  	_ =	shalt  }
tec
execute0_lowered:
.L_overlay_start_1:
0x0: {  	(tag) =	ssettag $0x1  }
0x1: {  	s24 =	rddreg [dreg:$0x0]  }
0x2: {  	s22 =	rddreg [dreg:$0x2]  }
0x3: {  	s4 =	rddreg [dreg:$0x3];
	s1 =	simm.s32 $0x0  }
0x4: {  	s0 =	stileid.u32;
	s9 =	srdreg.scid;
	s29 =	simm.s32 $0x4F00  }
0x5: {  	s30 =	simm.s32 $0x5000;
	s31 =	simm.s32 $0x5100;
	s28 =	simm.s32 $0x5200  }
0x6: {  	[smem:$0x7FF] =	sst s1;
	s5 =	smul.u32 $0x13800, s0;
	s6 =	sadd.s32 $0x14800, s24  }
0x7: {  	s26 =	sadd.s32 $0x1E600, s24;
	s8 =	sadd.s32 $0x9E00, s24;
	s10 =	sand.u32 $0x1, s9  }
0x8: {  	s12 =	smul.u32 $0x4E000, s0;
	s13 =	sadd.s32 $0x46200, s24;
	s15 =	sadd.s32 $0x46000, s24  }
0x9: {  	s16 =	sadd.s32 $0x1E610, s24;
	_ =	strace $0x8000004A;
	[dreg:$0x5] =	wrdreg s26  }
0xa: {  	p0 =	sne.s32 s0, $0x0;
	s9 =	ssub.s32 $0x2, s10;
	[dreg:$0xa] =	wrdreg s15  }
0xb: {  	s11 =	sshll.u32 s10, $0x4;
	[dreg:$0xb] =	wrdreg s16;
	s10 =	smul.u32 $0x138800, s10  }
0xc: {  	s15 =	simm.s32 $0x7;
	s16 =	simm.s32 $0x4;
	s7 =	sshrl.u32 s5, $0x3  }
0xd: {  	s14 =	sshrl.u32 s9, $0x1;
	s11 =	sor.u32 s0, s11;
	s2 =	sshrl.u32 s12, $0x2  }
0xe: {  	s12 =	sadd.s32 $0x138000, s4;
	s7 =	sadd.s32 s7, s24;
	s14 =	ssub.s32 s9, s14  }
0xf: {  	s9 =	smul.u32 $0x2710, s11;
	s3 =	sadd.s32 s2, s4;
	s11 =	sshll.u32 s0, $0x6  }
0x10: {  	[dreg:$0x9] =	wrdreg s12;
	s5 =	sadd.s32 s5, s10;
	s10 =	sshrl.u32 s10, $0x3  }
0x11: {  	s0 =	simm.s32 $0x1;
	s12 =	simm.s32 $0x0;
	[dreg:$0x6] =	wrdreg s3  }
0x12: {  	s7 =	sadd.s32 $0x1F000, s7;
	s2 =	sor.u32 $0x1C09, s11;
	s5 =	sshrl.u32 s5, $0x3  }
0x13: {  	s10 =	sadd.s32 s13, s10;
	s26 =	smax.u32 s14, $0x1;
	s11 =	simm.s32 $0x5180  }
0x14: {  	s14 =	simm.s32 $0x5;
	[dreg:$0x7] =	wrdreg s7;
	s17 =	sshrl.u32 s9, $0x3  }
0x15: {  	s23 =	sadd.s32 s13, s5;
	s25 =	sadd.s32 $0x27000, s10;
	[dreg:$0x12] =	wrdreg s26  }
0x16: {  	s5 =	simm.s32 $0x50;
	s10 =	simm.s32 $0x5080;
	[dreg:$0x8] =	wrdreg s2  }
0x17: {  	s26 =	simm.s32 $0x2;
	s13 =	simm.s32 $0x7A00;
	[dreg:$0x10] =	wrdreg s23  }
0x18: {  	s18 =	sadd.s32 s8, s17;
	s19 =	sadd.s32 s24, s17;
	[dreg:$0x11] =	wrdreg s25  }
0x19: {  	s20 =	sadd.s32 s6, s17;
	s7 =	sadd.s32 s22, s17;
	[dreg:$0xc] =	wrdreg s18  }
0x1a: {  	s17 =	simm.s32 $0x9;
	s25 =	simm.s32 $0x3;
	[dreg:$0xd] =	wrdreg s19  }
0x1b: {  	s23 =	simm.s32 $0x0;
	[dreg:$0xe] =	wrdreg s20;
	s21 =	sadd.s32 $0x4D8, s7  }
0x1c: {  	s19 =	sadd.s32 $0xA0, s9;
	s7 =	simm.s32 $0x4F80;
	[dreg:$0xf] =	wrdreg s21  }
.LBB2_1:
0x1d: {  	[dreg:$0x13] =	wrdreg s12  }
0x1e: {  	s1 =	rddreg [dreg:$0x6]  }
0x1f: {  	s21 =	rddreg [dreg:$0x7];
	s3 =	sshrl.u32 s1, $0x3  }
0x20: {  	[dreg:$0x14] =	wrdreg s3  }
0x21: {  	[spmem:s3], [sflag:s2] =	dma.local [hbm:s21], $0x2700  }
0x22: {  	_ =	swait.ge [sflag:s17], $0x2700  }
0x23: {  	s1 =	rddreg [dreg:$0x9]  }
0x24: {  	[sflag:s17] =	ssyncset.done $0x0;
	s3 =	sshrl.u32 @!p0 s1, $0x3;
	s1 =	rddreg [dreg:$0xa]  }
0x25: {  	s12 =	simm.s32 @!p0 $0x9;
	[sflag:s17] =	ssyncadd.s32 $0xFFFFD900;
	[dreg:$0x15] =	wrdreg s3  }
0x26: {  	[spmem:s3], [sflag:s2] =	dma.local @!p0 [hbm:s1], $0x100  }
0x27: {  	_ =	swait.ge @!p0 [sflag:s12], $0x100  }
0x28: {  	s18 =	simm.s32 $0x100;
	s2 =	simm.s32 $0x0;
	[sflag:s12] =	ssyncset.done @!p0 $0x0  }
0x29: {  	s3 =	rddreg [dreg:$0x5];
	[sflag:s12] =	ssyncadd.s32 @!p0 $0xFFFFFF00;
	s12 =	simm.s32 $0x80  }
0x2a: {  	[tilespmem:s2], [sflag:$0x9] =	stream.strided.gather [hbm4b:s3+s12], $0x2780, s18, s12, $0x38;
	[tilespmem:$0x1DA80] =	vst v63  }
0x2b: {  	_ =	swait.ge [sflag:s17], $0x2780  }
0x2c: {  	[sflag:s17] =	ssyncset.done $0x0  }
0x2d: {  	s21 =	simm.s32 $0x2780;
	s20 =	rddreg [dreg:$0xb];
	[sflag:s17] =	ssyncadd.s32 $0xFFFFD880  }
0x2e: {  	[tilespmem:s21], [sflag:$0x9] =	stream.strided.gather [hbm4b:s20+s12], $0x2780, s18, s12, $0x38;
	[tilespmem:$0x1DA80] =	vst v63  }
0x2f: {  	_ =	swait.ge [sflag:s17], $0x2780  }
0x30: {  	[sflag:s17] =	ssyncset.done $0x0  }
0x31: {  	s12 =	simm.s32 $0x0;
	[sflag:s17] =	ssyncadd.s32 $0xFFFFD880  }
0x32: {  	s17 =	simm.s32 $0x40;
	v0 =	vld [tilespmem:s12+$0x2780]  }
.LBB2_2:
0x33: {  	p1 =	sne.s32 s17, $0x9C00;
	v1 =	vld [tilespmem:s12+$0x0];
	_ =	sdelay $0x2  }
.Ltmp0:
0x34: {  	(pc) =	sbr.rel @p1 .LBB2_2-.Ltmp0, $4  }
0x35: {  	_ = 	snop  }
0x36: {  	v1 =	vadd.f32 v0, v1  }
0x37: {  	s18 =	sshra.s32 s17, $0x2  }
0x38: {  	s17 =	sadd.s32 $0x40, s17;
	v0 =	vld [tilespmem:s18+$0x2780];
	[tilespmem:s12+$0x0] =	vst v1;
	s12 =	smov.u32 s18  }
0x39: {  	v1 =	vld [tilespmem:s12+$0x0];
	_ =	sdelay $0x4  }
0x3a: {  	v0 =	vadd.f32 v0, v1;
	_ =	sdelay $0x1  }
0x3b: {  	[tilespmem:s12+$0x0] =	vst v0  }
0x3c: {  	[bflag:$0x0] =	sbarrier.arrive $0xFFFF  }
0x3d: {  	s1 =	rddreg [dreg:$0xc]  }
0x3e: {  	[tilespmem:s29], [sflag:$0x1] =	stream.linear.gather [hbm4b:s1+s23], $0x50, $0x38;
	[tilespmem:$0x1DA80] =	vst v63  }
0x3f: {  	s18 =	rddreg [dreg:$0xd]  }
0x40: {  	[tilespmem:s30], [sflag:$0x1] =	stream.linear.gather [hbm4b:s18+s23], $0x50, $0x38;
	[tilespmem:$0x1DA80] =	vst v63  }
0x41: {  	s20 =	rddreg [dreg:$0xe]  }
0x42: {  	[tilespmem:s31], [sflag:$0x1] =	stream.linear.gather [hbm4b:s20+s23], $0x50, $0x38;
	[tilespmem:$0x1DA80] =	vst v63  }
0x43: {  	_ =	swait.ge [sflag:s0], $0x50  }
0x44: {  	[sflag:s0] =	ssyncset.done $0x0  }
0x45: {  	[sflag:s0] =	ssyncadd.s32 $0xFFFFFFB0  }
0x46: {  	_ =	swait.ge [sflag:s0], $0x50  }
0x47: {  	[sflag:s0] =	ssyncset.done $0x0  }
0x48: {  	[sflag:s0] =	ssyncadd.s32 $0xFFFFFFB0  }
0x49: {  	_ =	swait.ge [sflag:s0], $0x50  }
0x4a: {  	[sflag:s0] =	ssyncset.done $0x0  }
0x4b: {  	[sflag:s0] =	ssyncadd.s32 $0xFFFFFFB0  }
0x4c: {  	s17 =	simm.s32 $0x0;
	s21 =	rddreg [dreg:$0x1]  }
0x4d: {  	[tilespmem:s28], [sflag:$0x3] =	stream.indirect.gather [hbm4b:s21+s5], $0x80, s30, s5, $0xb8;
	[tilespmem:$0x1DA80] =	vst v63  }
.LBB2_4:
0x4e: {  	p1 =	seq.s32 s17, $0x0  }
0x4f: {  	s12 =	simm.s32 @!p1 $0x6;
	s21 =	smul.u32 @!p1 $0xA0, s17  }
0x50: {  	_ =	swait.ge @!p1 [sflag:s12], $0x2800  }
0x51: {  	[sflag:s12] =	ssyncset.done @!p1 $0x0;
	s18 =	sadd.s32 @!p1 $0x50, s21  }
0x52: {  	[sflag:s12] =	ssyncadd.s32 @!p1 $0xFFFFD800;
	s12 =	simm.s32 @!p1 $0x8;
	s18 =	simm.s32 @p1 $0x50  }
0x53: {  	_ =	swait.ge @!p1 [sflag:s12], $0x50;
	s18 =	sadd.s32 s9, s18  }
0x54: {  	[sflag:s12] =	ssyncset.done @!p1 $0x0;
	s18 =	sshrl.u32 s18, $0x3  }
0x55: {  	[sflag:s12] =	ssyncadd.s32 @!p1 $0xFFFFFFB0;
	s20 =	sadd.s32 s8, s18  }
0x56: {  	[tilespmem:s7], [sflag:$0x2] =	stream.linear.gather [hbm4b:s20+s23], $0x50, $0x38;
	[tilespmem:$0x1DA80] =	vst v63  }
0x57: {  	s1 =	sadd.s32 s24, s18  }
0x58: {  	[tilespmem:s10], [sflag:$0x2] =	stream.linear.gather [hbm4b:s1+s23], $0x50, $0x38;
	[tilespmem:$0x1DA80] =	vst v63  }
0x59: {  	s3 =	sadd.s32 s6, s18  }
0x5a: {  	[tilespmem:s11], [sflag:$0x2] =	stream.linear.gather [hbm4b:s3+s23], $0x50, $0x38;
	[tilespmem:$0x1DA80] =	vst v63  }
0x5b: {  	_ =	swait.ge [sflag:s25], $0x2800  }
0x5c: {  	[sflag:s25] =	ssyncset.done $0x0  }
0x5d: {  	[sflag:s25] =	ssyncadd.s32 $0xFFFFD800  }
0x5e: {  	v0 =	vld [tilespmem:$0x4F00];
	_ =	sdelay $0x7  }
0x5f: {  	v0 =	vld.idx.msk [tilespmem:v0+s23+$0x0], $0xffff;
	_ =	sdelay $0x4  }
0x60: {  	(erf) = vrcp.f32 v0;
	_ =	sdelay $0x3  }
0x61: {  	v1 =	vld [tilespmem:$0x4F10]  }
0x62: {  	v0 =	vld [tilespmem:$0x5100];
	_ =	sdelay $0x3  }
0x63: {  	v2 =	vpop (erf)  }
0x64: {  	v0 =	vmul.f32 v2, v0;
	_ =	sdelay $0x1  }
0x65: {  	[tilespmem:$0x5100] =	vst v0  }
0x66: {  	v0 =	vld.idx.msk [tilespmem:v1+s23+$0x0], $0xffff;
	_ =	sdelay $0x4  }
0x67: {  	(erf) = vrcp.f32 v0;
	_ =	sdelay $0x3  }
0x68: {  	v1 =	vld [tilespmem:$0x4F20]  }
0x69: {  	v0 =	vld [tilespmem:$0x5110];
	_ =	sdelay $0x3  }
0x6a: {  	v2 =	vpop (erf)  }
0x6b: {  	v0 =	vmul.f32 v2, v0;
	_ =	sdelay $0x1  }
0x6c: {  	[tilespmem:$0x5110] =	vst v0  }
0x6d: {  	v0 =	vld.idx.msk [tilespmem:v1+s23+$0x0], $0xffff;
	_ =	sdelay $0x4  }
0x6e: {  	(erf) = vrcp.f32 v0;
	_ =	sdelay $0x3  }
0x6f: {  	v1 =	vld [tilespmem:$0x4F30]  }
0x70: {  	v0 =	vld [tilespmem:$0x5120];
	_ =	sdelay $0x3  }
0x71: {  	v2 =	vpop (erf)  }
0x72: {  	v0 =	vmul.f32 v2, v0;
	_ =	sdelay $0x1  }
0x73: {  	[tilespmem:$0x5120] =	vst v0  }
0x74: {  	v0 =	vld.idx.msk [tilespmem:v1+s23+$0x0], $0xffff;
	_ =	sdelay $0x4  }
0x75: {  	(erf) = vrcp.f32 v0;
	_ =	sdelay $0x3  }
0x76: {  	v1 =	vld [tilespmem:$0x4F40]  }
0x77: {  	v0 =	vld [tilespmem:$0x5130];
	_ =	sdelay $0x3  }
0x78: {  	v2 =	vpop (erf)  }
0x79: {  	v0 =	vmul.f32 v2, v0;
	_ =	sdelay $0x1  }
0x7a: {  	[tilespmem:$0x5130] =	vst v0  }
0x7b: {  	v0 =	vld.idx.msk [tilespmem:v1+s23+$0x0], $0xffff;
	_ =	sdelay $0x4  }
0x7c: {  	(erf) = vrcp.f32 v0;
	_ =	sdelay $0x4  }
0x7d: {  	v0 =	vld [tilespmem:$0x5140];
	_ =	sdelay $0x3  }
0x7e: {  	s21 =	simm.s32 @p1 $0x0;
	v1 =	vpop (erf)  }
0x7f: {  	s20 =	sadd.s32 s9, s21;
	v0 =	vmul.f32 v1, v0  }
0x80: {  	s12 =	sshrl.u32 s20, $0x3  }
0x81: {  	s12 =	sadd.s32 s22, s12;
	[tilespmem:$0x5140] =	vst v0  }
0x82: {  	[hbm4b:s12+s23] =	stream.linear.scatter [tilespmem:s31], [sflag:$0x7], $0x50, $0x38;
	[tilespmem:$0x1DA80] =	vst v63  }
0x83: {  	_ =	swait.ge [sflag:s26], $0x50  }
0x84: {  	[sflag:s26] =	ssyncset.done $0x0  }
0x85: {  	[sflag:s26] =	ssyncadd.s32 $0xFFFFFFB0  }
0x86: {  	s1 =	smov.u32 s22;
	s22 =	simm.s32 $0x2;
	v0 =	vmov s23;
	_ =	swait.ge [sflag:s26], $0x50  }
0x87: {  	v1 =	vmov s22;
	v0 =	vand.u32 $0xFFFFFFFC, v0;
	[sflag:s26] =	ssyncset.done $0x0  }
0x88: {  	v1 =	vand.u32 $0xFFFFFFFE, v1;
	v0 =	vbroadcast v0, $0x0;
	[sflag:s26] =	ssyncadd.s32 $0xFFFFFFB0  }
0x89: {  	v1 =	vbroadcast v1, $0x0;
	_ =	swait.ge [sflag:s26], $0x50  }
0x8a: {  	[sflag:s26] =	ssyncset.done $0x0  }
0x8b: {  	[sflag:s26] =	ssyncadd.s32 $0xFFFFFFB0  }
0x8c: {  	s3 =	rddreg [dreg:$0x1]  }
0x8d: {  	[tilespmem:s13], [sflag:$0x4] =	stream.indirect.gather [hbm4b:s3+s5], $0x80, s10, s5, $0xb8;
	[tilespmem:$0x1DA80] =	vst v63  }
0x8e: {  	v0 =	vld.idx.msk [tilespmem:v0+s31+$0x0], $0xffff  }
0x8f: {  	s2 =	smov.u32 s24;
	s24 =	simm.s32 $0x1;
	s22 =	simm.s32 $0x5300;
	v1 =	vld.idx.msk [tilespmem:v1+s31+$0x0], $0xffff  }
0x90: {  	v2 =	vmov s24;
	v3 =	vld [tilespmem:s22+$0x70]  }
0x91: {  	v2 =	vand.u32 $0xFFFFFFFD, v2;
	v4 =	vld [tilespmem:s22+$0xFFFFFF00]  }
0x92: {  	v2 =	vbroadcast v2, $0x0;
	v5 =	vld [tilespmem:s22+$0xFFFFFF10]  }
0x93: {  	v6 =	vld [tilespmem:s22+$0xFFFFFF20]  }
0x94: {  	v7 =	vld [tilespmem:s22+$0xFFFFFF30]  }
0x95: {  	v8 =	vld [tilespmem:s22+$0xFFFFFF40]  }
0x96: {  	v9 =	vld [tilespmem:s22+$0xFFFFFF50]  }
0x97: {  	v10 =	vld [tilespmem:s22+$0xFFFFFF60];
	v4 =	vmul.f32 v4, v0  }
0x98: {  	v2 =	vld.idx.msk [tilespmem:v2+s31+$0x0], $0xffff;
	v3 =	vmul.f32 v3, v1  }
0x99: {  	v12 =	vld [tilespmem:s22+$0x40];
	[tilespmem:s22+$0xFFFFFF00] =	vst v4;
	v4 =	vmul.f32 v5, v0  }
0x9a: {  	v5 =	vld [tilespmem:s22+$0xFFFFFF70];
	[tilespmem:s22+$0x70] =	vst v3;
	v3 =	vmul.f32 v6, v0  }
0x9b: {  	v6 =	vld [tilespmem:s22+$0xFFFFFF80];
	[tilespmem:s22+$0xFFFFFF10] =	vst v4;
	v4 =	vmul.f32 v7, v0  }
0x9c: {  	v7 =	vld [tilespmem:s22+$0xFFFFFF90];
	[tilespmem:s22+$0xFFFFFF20] =	vst v3;
	v3 =	vmul.f32 v8, v0  }
0x9d: {  	v8 =	vld [tilespmem:s22+$0xFFFFFFA0];
	[tilespmem:s22+$0xFFFFFF30] =	vst v4;
	v4 =	vmul.f32 v9, v0  }
0x9e: {  	v9 =	vld [tilespmem:s22+$0xFFFFFFB0];
	[tilespmem:s22+$0xFFFFFF40] =	vst v3;
	v3 =	vmul.f32 v10, v0  }
0x9f: {  	v10 =	vld [tilespmem:s22+$0xFFFFFFC0];
	v5 =	vmul.f32 v5, v0;
	[tilespmem:s22+$0xFFFFFF50] =	vst v4  }
0xa0: {  	v4 =	vmul.f32 v6, v2;
	v6 =	vld [tilespmem:s22+$0xFFFFFFD0];
	[tilespmem:s22+$0xFFFFFF60] =	vst v3  }
0xa1: {  	s3 =	simm.s32 $0x3;
	v3 =	vld [tilespmem:s22+$0xFFFFFFE0];
	v7 =	vmul.f32 v7, v2;
	[tilespmem:s22+$0xFFFFFF70] =	vst v5  }
0xa2: {  	v11 =	vmov s3;
	v5 =	vld [tilespmem:s22+$0xFFFFFFF0];
	[tilespmem:s22+$0xFFFFFF80] =	vst v4;
	v4 =	vmul.f32 v8, v2  }
0xa3: {  	v8 =	vld [tilespmem:s22+$0x0];
	[tilespmem:s22+$0xFFFFFF90] =	vst v7;
	v7 =	vmul.f32 v9, v2  }
0xa4: {  	v9 =	vld [tilespmem:s22+$0x10];
	[tilespmem:s22+$0xFFFFFFA0] =	vst v4;
	v4 =	vmul.f32 v10, v2  }
0xa5: {  	[tilespmem:s22+$0xFFFFFFB0] =	vst v7;
	v6 =	vmul.f32 v6, v2;
	v7 =	vld [tilespmem:s22+$0x20]  }
0xa6: {  	v10 =	vld [tilespmem:s22+$0x30];
	v3 =	vmul.f32 v3, v2;
	[tilespmem:s22+$0xFFFFFFC0] =	vst v4  }
0xa7: {  	v0 =	vld.idx.msk [tilespmem:v11+s31+$0x0], $0xffff;
	v2 =	vmul.f32 v5, v2;
	[tilespmem:s22+$0xFFFFFFD0] =	vst v6  }
0xa8: {  	[tilespmem:s22+$0xFFFFFFE0] =	vst v3;
	v4 =	vmul.f32 v8, v1;
	v3 =	vld [tilespmem:s22+$0x50]  }
0xa9: {  	s20 =	simm.s32 $0x4;
	[tilespmem:s22+$0xFFFFFFF0] =	vst v2;
	v5 =	vmul.f32 v9, v1;
	v2 =	vld [tilespmem:s22+$0x60]  }
0xaa: {  	s24 =	simm.s32 $0x7;
	v6 =	vmov s20;
	[tilespmem:s22+$0x0] =	vst v4;
	v8 =	vmul.f32 v7, v1;
	v7 =	vld [tilespmem:s22+$0x80]  }
0xab: {  	s20 =	simm.s32 $0x5;
	v11 =	vand.u32 $0xFFFFFFFC, v6;
	v6 =	vld [tilespmem:s22+$0x90];
	v4 =	vmov s24;
	v9 =	vmul.f32 v10, v1;
	[tilespmem:s22+$0x10] =	vst v5  }
0xac: {  	s12 =	simm.s32 $0x5300;
	s24 =	simm.s32 $0x8;
	v10 =	vmul.f32 v12, v1;
	v5 =	vbroadcast v11, $0x0;
	v11 =	vmov s20;
	s20 =	simm.s32 $0x6;
	[tilespmem:s22+$0x20] =	vst v8;
	v8 =	vld [tilespmem:s22+$0xA0]  }
.LBB2_5:
0xad: {  	p1 =	slt.u32 s24, $0x4C;
	v11 =	vand.u32 $0xFFFFFFFD, v11;
	v12 =	vmov s20;
	[tilespmem:s22+$0x30] =	vst v9;
	v3 =	vmul.f32 v3, v1;
	v9 =	vld [tilespmem:s22+$0xB0]  }
0xae: {  	v11 =	vbroadcast v11, $0x0;
	v12 =	vand.u32 $0xFFFFFFFE, v12;
	[tilespmem:s22+$0x40] =	vst v10;
	v1 =	vmul.f32 v2, v1;
	v2 =	vld [tilespmem:s22+$0xC0]  }
0xaf: {  	v10 =	vbroadcast v12, $0x0;
	[tilespmem:s22+$0x50] =	vst v3;
	v3 =	vmul.f32 v7, v0;
	v7 =	vld [tilespmem:s22+$0xD0]  }
0xb0: {  	[tilespmem:s22+$0x60] =	vst v1;
	v1 =	vmul.f32 v6, v0;
	v6 =	vld [tilespmem:s22+$0xE0]  }
0xb1: {  	[tilespmem:s22+$0x80] =	vst v3;
	v3 =	vmul.f32 v8, v0;
	v8 =	vld [tilespmem:s22+$0xF0]  }
0xb2: {  	v4 =	vld.idx.msk [tilespmem:v4+s31+$0x0], $0xffff;
	[tilespmem:s22+$0x90] =	vst v1;
	v1 =	vmul.f32 v9, v0  }
0xb3: {  	v5 =	vld.idx.msk [tilespmem:v5+s31+$0x0], $0xffff;
	[tilespmem:s22+$0xA0] =	vst v3;
	v2 =	vmul.f32 v2, v0  }
0xb4: {  	v3 =	vld.idx.msk [tilespmem:v11+s31+$0x0], $0xffff;
	[tilespmem:s22+$0xB0] =	vst v1;
	v7 =	vmul.f32 v7, v0  }
0xb5: {  	s22 =	sadd.s32 $0x200, s22;
	v1 =	vld.idx.msk [tilespmem:v10+s31+$0x0], $0xffff;
	[tilespmem:s12+$0xC0] =	vst v2;
	v2 =	vmul.f32 v6, v0  }
0xb6: {  	v6 =	vld [tilespmem:s22+$0x70];
	[tilespmem:s12+$0xD0] =	vst v7;
	v8 =	vmul.f32 v8, v0  }
0xb7: {  	v7 =	vld [tilespmem:s22+$0xFFFFFF00];
	[tilespmem:s12+$0xE0] =	vst v2  }
0xb8: {  	v0 =	vmov v4;
	v2 =	vld [tilespmem:s22+$0xFFFFFF10];
	[tilespmem:s12+$0xF0] =	vst v8;
	s12 =	smov.u32 s22  }
0xb9: {  	v4 =	vld [tilespmem:s22+$0xFFFFFF20]  }
0xba: {  	v8 =	vld [tilespmem:s22+$0xFFFFFF30]  }
0xbb: {  	v9 =	vld [tilespmem:s22+$0xFFFFFF40];
	v6 =	vmul.f32 v6, v1  }
0xbc: {  	v7 =	vmul.f32 v7, v5;
	v10 =	vld [tilespmem:s22+$0xFFFFFF50]  }
0xbd: {  	v2 =	vmul.f32 v2, v5;
	v11 =	vld [tilespmem:s22+$0xFFFFFF60];
	[tilespmem:s22+$0x70] =	vst v6  }
0xbe: {  	[tilespmem:s22+$0xFFFFFF00] =	vst v7;
	v4 =	vmul.f32 v4, v5;
	v6 =	vld [tilespmem:s22+$0xFFFFFF70]  }
0xbf: {  	[tilespmem:s22+$0xFFFFFF10] =	vst v2;
	v2 =	vmul.f32 v8, v5;
	v7 =	vld [tilespmem:s22+$0xFFFFFF80]  }
0xc0: {  	[tilespmem:s22+$0xFFFFFF20] =	vst v4;
	v4 =	vmul.f32 v9, v5;
	v8 =	vld [tilespmem:s22+$0xFFFFFF90]  }
0xc1: {  	[tilespmem:s22+$0xFFFFFF30] =	vst v2;
	v2 =	vmul.f32 v10, v5;
	v9 =	vld [tilespmem:s22+$0xFFFFFFA0]  }
0xc2: {  	[tilespmem:s22+$0xFFFFFF40] =	vst v4;
	v4 =	vmul.f32 v11, v5;
	v10 =	vld [tilespmem:s22+$0xFFFFFFB0]  }
0xc3: {  	[tilespmem:s22+$0xFFFFFF50] =	vst v2;
	v2 =	vmul.f32 v6, v5;
	v5 =	vld [tilespmem:s22+$0xFFFFFFC0]  }
0xc4: {  	[tilespmem:s22+$0xFFFFFF60] =	vst v4;
	v4 =	vmul.f32 v7, v3;
	v6 =	vld [tilespmem:s22+$0xFFFFFFD0]  }
0xc5: {  	[tilespmem:s22+$0xFFFFFF70] =	vst v2;
	v2 =	vmul.f32 v8, v3;
	v7 =	vld [tilespmem:s22+$0xFFFFFFE0]  }
0xc6: {  	[tilespmem:s22+$0xFFFFFF80] =	vst v4;
	v4 =	vmul.f32 v9, v3;
	v8 =	vld [tilespmem:s22+$0xFFFFFFF0]  }
0xc7: {  	[tilespmem:s22+$0xFFFFFF90] =	vst v2;
	v2 =	vmul.f32 v10, v3;
	v9 =	vld [tilespmem:s22+$0x0]  }
0xc8: {  	[tilespmem:s22+$0xFFFFFFA0] =	vst v4;
	v4 =	vmul.f32 v5, v3;
	v5 =	vld [tilespmem:s22+$0x10]  }
0xc9: {  	[tilespmem:s22+$0xFFFFFFB0] =	vst v2;
	v2 =	vmul.f32 v6, v3;
	v6 =	vld [tilespmem:s22+$0x20]  }
0xca: {  	[tilespmem:s22+$0xFFFFFFC0] =	vst v4;
	v4 =	vmul.f32 v7, v3;
	v10 =	vld [tilespmem:s22+$0x30]  }
0xcb: {  	[tilespmem:s22+$0xFFFFFFD0] =	vst v2;
	v2 =	vmul.f32 v8, v3;
	v8 =	vld [tilespmem:s22+$0x40]  }
.Ltmp1:
0xcc: {  	[tilespmem:s22+$0xFFFFFFE0] =	vst v4;
	v4 =	vmul.f32 v9, v1;
	v3 =	vld [tilespmem:s22+$0x50];
	(pc) =	sbr.rel @p1 .LBB2_5-.Ltmp1, $4  }
0xcd: {  	[tilespmem:s22+$0xFFFFFFF0] =	vst v2;
	v5 =	vmul.f32 v5, v1;
	v2 =	vld [tilespmem:s22+$0x60]  }
0xce: {  	s20 =	sadd.s32 $0x3, s24;
	v9 =	vmov s24;
	[tilespmem:s22+$0x0] =	vst v4;
	v12 =	vmul.f32 v6, v1;
	v7 =	vld [tilespmem:s22+$0x80]  }
0xcf: {  	s3 =	sadd.s32 $0x1, s24;
	v11 =	vand.u32 $0xFFFFFFFC, v9;
	v4 =	vmov s20;
	[tilespmem:s22+$0x10] =	vst v5;
	v9 =	vmul.f32 v10, v1;
	v6 =	vld [tilespmem:s22+$0x90]  }
0xd0: {  	s20 =	sadd.s32 $0x2, s24;
	s24 =	sadd.s32 $0x4, s24;
	v5 =	vbroadcast v11, $0x0;
	v11 =	vmov s3;
	[tilespmem:s22+$0x20] =	vst v12;
	v10 =	vmul.f32 v8, v1;
	v8 =	vld [tilespmem:s22+$0xA0]  }
0xd1: {  	v12 =	vld [tilespmem:s22+$0xB0]  }
0xd2: {  	v14 =	vld [tilespmem:s22+$0xC0]  }
0xd3: {  	v13 =	vmov s20;
	v15 =	vld [tilespmem:s22+$0xD0]  }
0xd4: {  	v16 =	vld [tilespmem:s22+$0xE0];
	[tilespmem:s22+$0x30] =	vst v9;
	v3 =	vmul.f32 v3, v1;
	v13 =	vand.u32 $0xFFFFFFFE, v13  }
0xd5: {  	v11 =	vand.u32 $0xFFFFFFFD, v11;
	v4 =	vld.idx.msk [tilespmem:v4+s31+$0x0], $0xffff;
	[tilespmem:s22+$0x40] =	vst v10;
	v1 =	vmul.f32 v2, v1;
	v13 =	vbroadcast v13, $0x0  }
0xd6: {  	s24 =	sadd.s32 $0x200, s22;
	v11 =	vbroadcast v11, $0x0;
	v2 =	vld.idx.msk [tilespmem:v5+s31+$0x0], $0xffff;
	v7 =	vmul.f32 v7, v0;
	[tilespmem:s22+$0x50] =	vst v3  }
0xd7: {  	v9 =	vld [tilespmem:s24+$0xFFFFFF00];
	v3 =	vmul.f32 v6, v0;
	[tilespmem:s22+$0x60] =	vst v1  }
0xd8: {  	[tilespmem:s22+$0x80] =	vst v7;
	v7 =	vld [tilespmem:s22+$0xF0];
	v1 =	vmul.f32 v8, v0  }
0xd9: {  	v10 =	vld [tilespmem:s24+$0xFFFFFF10];
	[tilespmem:s22+$0x90] =	vst v3;
	v3 =	vmul.f32 v12, v0  }
0xda: {  	v8 =	vld [tilespmem:s24+$0x70];
	[tilespmem:s22+$0xA0] =	vst v1;
	v1 =	vmul.f32 v14, v0  }
0xdb: {  	[tilespmem:s22+$0xB0] =	vst v3;
	v3 =	vmul.f32 v15, v0;
	v6 =	vld.idx.msk [tilespmem:v13+s31+$0x0], $0xffff  }
0xdc: {  	v5 =	vld.idx.msk [tilespmem:v11+s31+$0x0], $0xffff;
	[tilespmem:s12+$0xC0] =	vst v1;
	v1 =	vmul.f32 v16, v0  }
0xdd: {  	v11 =	vld [tilespmem:s24+$0xFFFFFF20];
	[tilespmem:s12+$0xD0] =	vst v3;
	v0 =	vmul.f32 v7, v0  }
0xde: {  	v3 =	vld [tilespmem:s24+$0xFFFFFF30];
	[tilespmem:s12+$0xE0] =	vst v1  }
0xdf: {  	v1 =	vld [tilespmem:s24+$0xFFFFFF40];
	[tilespmem:s12+$0xF0] =	vst v0;
	v0 =	vmul.f32 v9, v2  }
0xe0: {  	v7 =	vmul.f32 v8, v6;
	v8 =	vld [tilespmem:s24+$0xFFFFFF50]  }
0xe1: {  	v9 =	vmul.f32 v10, v2;
	v10 =	vld [tilespmem:s24+$0xFFFFFF60];
	[tilespmem:s24+$0xFFFFFF00] =	vst v0  }
0xe2: {  	v0 =	vmul.f32 v11, v2;
	[tilespmem:s24+$0x70] =	vst v7;
	v7 =	vld [tilespmem:s24+$0xFFFFFF70]  }
0xe3: {  	[tilespmem:s24+$0xFFFFFF10] =	vst v9;
	v9 =	vld [tilespmem:s24+$0xFFFFFF80];
	v3 =	vmul.f32 v3, v2  }
0xe4: {  	[tilespmem:s24+$0xFFFFFF20] =	vst v0;
	v0 =	vmul.f32 v1, v2;
	v1 =	vld [tilespmem:s24+$0xFFFFFF90]  }
0xe5: {  	[tilespmem:s24+$0xFFFFFF30] =	vst v3;
	v3 =	vmul.f32 v8, v2;
	v8 =	vld [tilespmem:s24+$0xFFFFFFA0]  }
0xe6: {  	[tilespmem:s24+$0xFFFFFF40] =	vst v0;
	v0 =	vmul.f32 v10, v2;
	v10 =	vld [tilespmem:s24+$0xFFFFFFB0]  }
0xe7: {  	[tilespmem:s24+$0xFFFFFF50] =	vst v3;
	v2 =	vmul.f32 v7, v2;
	v3 =	vld [tilespmem:s24+$0xFFFFFFC0]  }
0xe8: {  	[tilespmem:s24+$0xFFFFFF60] =	vst v0;
	v0 =	vmul.f32 v9, v5;
	v7 =	vld [tilespmem:s24+$0xFFFFFFD0]  }
0xe9: {  	v1 =	vmul.f32 v1, v5;
	[tilespmem:s24+$0xFFFFFF70] =	vst v2;
	v2 =	vld [tilespmem:s24+$0xFFFFFFE0]  }
0xea: {  	[tilespmem:s24+$0xFFFFFF80] =	vst v0;
	v0 =	vmul.f32 v8, v5;
	v8 =	vld [tilespmem:s24+$0xFFFFFFF0]  }
0xeb: {  	v9 =	vld [tilespmem:s24+$0x0];
	[tilespmem:s24+$0xFFFFFF90] =	vst v1;
	v1 =	vmul.f32 v10, v5  }
0xec: {  	[tilespmem:s24+$0xFFFFFFA0] =	vst v0;
	v0 =	vmul.f32 v3, v5;
	v3 =	vld [tilespmem:s24+$0x10]  }
0xed: {  	[tilespmem:s24+$0xFFFFFFB0] =	vst v1;
	v1 =	vmul.f32 v7, v5;
	v7 =	vld [tilespmem:s24+$0x20]  }
0xee: {  	[tilespmem:s24+$0xFFFFFFC0] =	vst v0;
	v0 =	vmul.f32 v2, v5;
	v2 =	vld [tilespmem:s24+$0x30]  }
0xef: {  	[tilespmem:s24+$0xFFFFFFD0] =	vst v1;
	v1 =	vmul.f32 v8, v5;
	v5 =	vld [tilespmem:s24+$0x40]  }
0xf0: {  	v8 =	vld [tilespmem:s24+$0x50];
	[tilespmem:s24+$0xFFFFFFE0] =	vst v0;
	v0 =	vmul.f32 v9, v6  }
0xf1: {  	[tilespmem:s24+$0xFFFFFFF0] =	vst v1;
	v1 =	vmul.f32 v3, v6;
	v3 =	vld [tilespmem:s24+$0x60]  }
0xf2: {  	[tilespmem:s24+$0x0] =	vst v0;
	v0 =	vmul.f32 v7, v6;
	v7 =	vld [tilespmem:s24+$0x80]  }
0xf3: {  	[tilespmem:s24+$0x10] =	vst v1;
	v1 =	vmul.f32 v2, v6;
	v2 =	vld [tilespmem:s24+$0x90]  }
0xf4: {  	[tilespmem:s24+$0x20] =	vst v0;
	v0 =	vmul.f32 v5, v6;
	v5 =	vld [tilespmem:s24+$0xA0]  }
0xf5: {  	[tilespmem:s24+$0x30] =	vst v1;
	v1 =	vmul.f32 v8, v6;
	v8 =	vld [tilespmem:s24+$0xB0]  }
0xf6: {  	[tilespmem:s24+$0x40] =	vst v0;
	v0 =	vmul.f32 v3, v6;
	v3 =	vld [tilespmem:s24+$0xC0]  }
0xf7: {  	v6 =	vld [tilespmem:s24+$0xD0];
	[tilespmem:s24+$0x50] =	vst v1;
	v1 =	vmul.f32 v7, v4  }
0xf8: {  	[tilespmem:s24+$0x60] =	vst v0;
	v0 =	vmul.f32 v2, v4;
	v2 =	vld [tilespmem:s24+$0xE0]  }
0xf9: {  	[tilespmem:s24+$0x80] =	vst v1;
	v1 =	vmul.f32 v5, v4;
	v5 =	vld [tilespmem:s24+$0xF0]  }
0xfa: {  	[tilespmem:s24+$0x90] =	vst v0;
	v0 =	vmul.f32 v8, v4  }
0xfb: {  	[tilespmem:s24+$0xA0] =	vst v1;
	v1 =	vmul.f32 v3, v4  }
0xfc: {  	[tilespmem:s24+$0xB0] =	vst v0;
	v0 =	vmul.f32 v6, v4  }
0xfd: {  	[tilespmem:s24+$0xC0] =	vst v1;
	v1 =	vmul.f32 v2, v4  }
0xfe: {  	[tilespmem:s24+$0xD0] =	vst v0;
	v0 =	vmul.f32 v5, v4  }
0xff: {  	[tilespmem:s24+$0xE0] =	vst v1  }
0x100: {  	[tilespmem:s24+$0xF0] =	vst v0  }
0x101: {  	[spmem:s4] =	stream.indirect.scatter.add.f32 [tilespmem:s28], [sflag:$0x5], $0x80, s29, s5, $0xb8;
	[tilespmem:$0x1DA80] =	vst v63  }
0x102: {  	_ =	swait.ge [sflag:s14], $0x2800  }
0x103: {  	[sflag:s14] =	ssyncset.done $0x0  }
0x104: {  	[sflag:s14] =	ssyncadd.s32 $0xFFFFD800  }
0x105: {  	s3 =	sadd.s32 s21, s19;
	_ =	swait.ge [sflag:s15], $0x50  }
0x106: {  	s3 =	sshrl.u32 s3, $0x3;
	[sflag:s15] =	ssyncset.done $0x0  }
0x107: {  	s21 =	simm.s32 $0x0;
	s20 =	sadd.s32 s8, s3;
	[sflag:s15] =	ssyncadd.s32 $0xFFFFFFB0  }
0x108: {  	[tilespmem:s29], [sflag:$0x1] =	stream.linear.gather [hbm4b:s20+s21], $0x50, $0x38;
	[tilespmem:$0x1DA80] =	vst v63  }
0x109: {  	s24 =	smov.u32 s2;
	s2 =	sadd.s32 s2, s3  }
0x10a: {  	[tilespmem:s30], [sflag:$0x1] =	stream.linear.gather [hbm4b:s2+s21], $0x50, $0x38;
	[tilespmem:$0x1DA80] =	vst v63  }
0x10b: {  	s3 =	sadd.s32 s6, s3  }
0x10c: {  	[tilespmem:s31], [sflag:$0x1] =	stream.linear.gather [hbm4b:s3+s21], $0x50, $0x38;
	[tilespmem:$0x1DA80] =	vst v63  }
0x10d: {  	_ =	swait.ge [sflag:s16], $0x2800  }
0x10e: {  	[sflag:s16] =	ssyncset.done $0x0  }
0x10f: {  	[sflag:s16] =	ssyncadd.s32 $0xFFFFD800  }
0x110: {  	v0 =	vld [tilespmem:$0x4F80];
	_ =	sdelay $0x7  }
0x111: {  	v0 =	vld.idx.msk [tilespmem:v0+s21+$0x0], $0xffff;
	_ =	sdelay $0x4  }
0x112: {  	(erf) = vrcp.f32 v0;
	_ =	sdelay $0x3  }
0x113: {  	v1 =	vld [tilespmem:$0x4F90]  }
0x114: {  	v0 =	vld [tilespmem:$0x5180];
	_ =	sdelay $0x3  }
0x115: {  	v2 =	vpop (erf)  }
0x116: {  	v0 =	vmul.f32 v2, v0;
	_ =	sdelay $0x1  }
0x117: {  	[tilespmem:$0x5180] =	vst v0  }
0x118: {  	v0 =	vld.idx.msk [tilespmem:v1+s21+$0x0], $0xffff;
	_ =	sdelay $0x4  }
0x119: {  	(erf) = vrcp.f32 v0;
	_ =	sdelay $0x3  }
0x11a: {  	v1 =	vld [tilespmem:$0x4FA0]  }
0x11b: {  	v0 =	vld [tilespmem:$0x5190];
	_ =	sdelay $0x3  }
0x11c: {  	v2 =	vpop (erf)  }
0x11d: {  	v0 =	vmul.f32 v2, v0;
	_ =	sdelay $0x1  }
0x11e: {  	[tilespmem:$0x5190] =	vst v0  }
0x11f: {  	v0 =	vld.idx.msk [tilespmem:v1+s21+$0x0], $0xffff;
	_ =	sdelay $0x4  }
0x120: {  	(erf) = vrcp.f32 v0;
	_ =	sdelay $0x3  }
0x121: {  	v1 =	vld [tilespmem:$0x4FB0]  }
0x122: {  	v0 =	vld [tilespmem:$0x51A0];
	_ =	sdelay $0x3  }
0x123: {  	v2 =	vpop (erf)  }
0x124: {  	v0 =	vmul.f32 v2, v0;
	_ =	sdelay $0x1  }
0x125: {  	[tilespmem:$0x51A0] =	vst v0  }
0x126: {  	v0 =	vld.idx.msk [tilespmem:v1+s21+$0x0], $0xffff;
	_ =	sdelay $0x4  }
0x127: {  	(erf) = vrcp.f32 v0;
	_ =	sdelay $0x3  }
0x128: {  	v1 =	vld [tilespmem:$0x4FC0]  }
0x129: {  	v0 =	vld [tilespmem:$0x51B0];
	_ =	sdelay $0x3  }
0x12a: {  	v2 =	vpop (erf)  }
0x12b: {  	v0 =	vmul.f32 v2, v0;
	_ =	sdelay $0x1  }
0x12c: {  	[tilespmem:$0x51B0] =	vst v0  }
0x12d: {  	v0 =	vld.idx.msk [tilespmem:v1+s21+$0x0], $0xffff;
	_ =	sdelay $0x4  }
0x12e: {  	(erf) = vrcp.f32 v0;
	_ =	sdelay $0x4  }
0x12f: {  	v0 =	vld [tilespmem:$0x51C0];
	_ =	sdelay $0x3  }
0x130: {  	v1 =	vpop (erf)  }
0x131: {  	v0 =	vmul.f32 v1, v0;
	_ =	sdelay $0x1  }
0x132: {  	s18 =	sadd.s32 s1, s18;
	[tilespmem:$0x51C0] =	vst v0  }
0x133: {  	[hbm4b:s18+s21] =	stream.linear.scatter [tilespmem:s11], [sflag:$0x8], $0x50, $0x38;
	[tilespmem:$0x1DA80] =	vst v63  }
0x134: {  	_ =	swait.ge [sflag:s0], $0x50  }
0x135: {  	[sflag:s0] =	ssyncset.done $0x0  }
0x136: {  	[sflag:s0] =	ssyncadd.s32 $0xFFFFFFB0  }
0x137: {  	s20 =	simm.s32 $0x2;
	v0 =	vmov s21;
	_ =	swait.ge [sflag:s0], $0x50  }
0x138: {  	v1 =	vmov s20;
	v0 =	vand.u32 $0xFFFFFFFC, v0;
	[sflag:s0] =	ssyncset.done $0x0  }
0x139: {  	v1 =	vand.u32 $0xFFFFFFFE, v1;
	v0 =	vbroadcast v0, $0x0;
	[sflag:s0] =	ssyncadd.s32 $0xFFFFFFB0  }
0x13a: {  	v1 =	vbroadcast v1, $0x0;
	_ =	swait.ge [sflag:s0], $0x50  }
0x13b: {  	[sflag:s0] =	ssyncset.done $0x0  }
0x13c: {  	[sflag:s0] =	ssyncadd.s32 $0xFFFFFFB0  }
0x13d: {  	s21 =	rddreg [dreg:$0x1]  }
0x13e: {  	[tilespmem:s28], [sflag:$0x3] =	stream.indirect.gather [hbm4b:s21+s5], $0x80, s30, s5, $0xb8;
	[tilespmem:$0x1DA80] =	vst v63  }
0x13f: {  	v0 =	vld.idx.msk [tilespmem:v0+s11+$0x0], $0xffff  }
0x140: {  	s22 =	smov.u32 s1;
	s1 =	simm.s32 $0x1;
	s18 =	simm.s32 $0x7B00;
	v1 =	vld.idx.msk [tilespmem:v1+s11+$0x0], $0xffff  }
0x141: {  	v2 =	vmov s1;
	v3 =	vld [tilespmem:s18+$0x70]  }
0x142: {  	v2 =	vand.u32 $0xFFFFFFFD, v2;
	v4 =	vld [tilespmem:s18+$0xFFFFFF00]  }
0x143: {  	v2 =	vbroadcast v2, $0x0;
	v5 =	vld [tilespmem:s18+$0xFFFFFF10]  }
0x144: {  	v6 =	vld [tilespmem:s18+$0xFFFFFF20]  }
0x145: {  	v7 =	vld [tilespmem:s18+$0xFFFFFF30]  }
0x146: {  	v8 =	vld [tilespmem:s18+$0xFFFFFF40]  }
0x147: {  	v9 =	vld [tilespmem:s18+$0xFFFFFF50]  }
0x148: {  	v10 =	vld [tilespmem:s18+$0xFFFFFF60];
	v4 =	vmul.f32 v4, v0  }
0x149: {  	v2 =	vld.idx.msk [tilespmem:v2+s11+$0x0], $0xffff;
	v3 =	vmul.f32 v3, v1  }
0x14a: {  	v63 =	vld [tilespmem:s18+$0x40];
	[tilespmem:s18+$0xFFFFFF00] =	vst v4;
	v4 =	vmul.f32 v5, v0  }
0x14b: {  	v5 =	vld [tilespmem:s18+$0xFFFFFF70];
	[tilespmem:s18+$0x70] =	vst v3;
	v3 =	vmul.f32 v6, v0  }
0x14c: {  	v6 =	vld [tilespmem:s18+$0xFFFFFF80];
	[tilespmem:s18+$0xFFFFFF10] =	vst v4;
	v4 =	vmul.f32 v7, v0  }
0x14d: {  	v7 =	vld [tilespmem:s18+$0xFFFFFF90];
	[tilespmem:s18+$0xFFFFFF20] =	vst v3;
	v3 =	vmul.f32 v8, v0  }
0x14e: {  	v8 =	vld [tilespmem:s18+$0xFFFFFFA0];
	[tilespmem:s18+$0xFFFFFF30] =	vst v4;
	v4 =	vmul.f32 v9, v0  }
0x14f: {  	v9 =	vld [tilespmem:s18+$0xFFFFFFB0];
	[tilespmem:s18+$0xFFFFFF40] =	vst v3;
	v3 =	vmul.f32 v10, v0  }
0x150: {  	v10 =	vld [tilespmem:s18+$0xFFFFFFC0];
	v5 =	vmul.f32 v5, v0;
	[tilespmem:s18+$0xFFFFFF50] =	vst v4  }
0x151: {  	v4 =	vmul.f32 v6, v2;
	v6 =	vld [tilespmem:s18+$0xFFFFFFD0];
	[tilespmem:s18+$0xFFFFFF60] =	vst v3  }
0x152: {  	s2 =	simm.s32 $0x3;
	v3 =	vld [tilespmem:s18+$0xFFFFFFE0];
	v7 =	vmul.f32 v7, v2;
	[tilespmem:s18+$0xFFFFFF70] =	vst v5  }
0x153: {  	v11 =	vmov s2;
	v5 =	vld [tilespmem:s18+$0xFFFFFFF0];
	[tilespmem:s18+$0xFFFFFF80] =	vst v4;
	v4 =	vmul.f32 v8, v2  }
0x154: {  	v8 =	vld [tilespmem:s18+$0x0];
	[tilespmem:s18+$0xFFFFFF90] =	vst v7;
	v7 =	vmul.f32 v9, v2  }
0x155: {  	v9 =	vld [tilespmem:s18+$0x10];
	[tilespmem:s18+$0xFFFFFFA0] =	vst v4;
	v4 =	vmul.f32 v10, v2  }
0x156: {  	[tilespmem:s18+$0xFFFFFFB0] =	vst v7;
	v6 =	vmul.f32 v6, v2;
	v7 =	vld [tilespmem:s18+$0x20]  }
0x157: {  	v10 =	vld [tilespmem:s18+$0x30];
	v3 =	vmul.f32 v3, v2;
	[tilespmem:s18+$0xFFFFFFC0] =	vst v4  }
0x158: {  	v0 =	vld.idx.msk [tilespmem:v11+s11+$0x0], $0xffff;
	v2 =	vmul.f32 v5, v2;
	[tilespmem:s18+$0xFFFFFFD0] =	vst v6  }
0x159: {  	[tilespmem:s18+$0xFFFFFFE0] =	vst v3;
	v4 =	vmul.f32 v8, v1;
	v3 =	vld [tilespmem:s18+$0x50]  }
0x15a: {  	s12 =	simm.s32 $0x4;
	[tilespmem:s18+$0xFFFFFFF0] =	vst v2;
	v5 =	vmul.f32 v9, v1;
	v2 =	vld [tilespmem:s18+$0x60]  }
0x15b: {  	s20 =	simm.s32 $0x7;
	v6 =	vmov s12;
	[tilespmem:s18+$0x0] =	vst v4;
	v8 =	vmul.f32 v7, v1;
	v7 =	vld [tilespmem:s18+$0x80]  }
0x15c: {  	s21 =	simm.s32 $0x5;
	v11 =	vand.u32 $0xFFFFFFFC, v6;
	v6 =	vld [tilespmem:s18+$0x90];
	v4 =	vmov s20;
	v9 =	vmul.f32 v10, v1;
	[tilespmem:s18+$0x10] =	vst v5  }
0x15d: {  	s12 =	simm.s32 $0x7B00;
	s20 =	simm.s32 $0x6;
	v10 =	vmul.f32 v63, v1;
	v5 =	vbroadcast v11, $0x0;
	v11 =	vmov s21;
	s21 =	simm.s32 $0x8;
	[tilespmem:s18+$0x20] =	vst v8;
	v8 =	vld [tilespmem:s18+$0xA0]  }
.LBB2_7:
0x15e: {  	p1 =	slt.u32 s21, $0x4C;
	v11 =	vand.u32 $0xFFFFFFFD, v11;
	v12 =	vmov s20;
	[tilespmem:s18+$0x30] =	vst v9;
	v3 =	vmul.f32 v3, v1;
	v9 =	vld [tilespmem:s18+$0xB0]  }
0x15f: {  	v11 =	vbroadcast v11, $0x0;
	v12 =	vand.u32 $0xFFFFFFFE, v12;
	[tilespmem:s18+$0x40] =	vst v10;
	v1 =	vmul.f32 v2, v1;
	v2 =	vld [tilespmem:s18+$0xC0]  }
0x160: {  	v10 =	vbroadcast v12, $0x0;
	[tilespmem:s18+$0x50] =	vst v3;
	v3 =	vmul.f32 v7, v0;
	v7 =	vld [tilespmem:s18+$0xD0]  }
0x161: {  	[tilespmem:s18+$0x60] =	vst v1;
	v1 =	vmul.f32 v6, v0;
	v6 =	vld [tilespmem:s18+$0xE0]  }
0x162: {  	[tilespmem:s18+$0x80] =	vst v3;
	v3 =	vmul.f32 v8, v0;
	v8 =	vld [tilespmem:s18+$0xF0]  }
0x163: {  	v4 =	vld.idx.msk [tilespmem:v4+s11+$0x0], $0xffff;
	[tilespmem:s18+$0x90] =	vst v1;
	v1 =	vmul.f32 v9, v0  }
0x164: {  	v5 =	vld.idx.msk [tilespmem:v5+s11+$0x0], $0xffff;
	[tilespmem:s18+$0xA0] =	vst v3;
	v2 =	vmul.f32 v2, v0  }
0x165: {  	v3 =	vld.idx.msk [tilespmem:v11+s11+$0x0], $0xffff;
	[tilespmem:s18+$0xB0] =	vst v1;
	v7 =	vmul.f32 v7, v0  }
0x166: {  	s18 =	sadd.s32 $0x200, s18;
	v1 =	vld.idx.msk [tilespmem:v10+s11+$0x0], $0xffff;
	[tilespmem:s12+$0xC0] =	vst v2;
	v2 =	vmul.f32 v6, v0  }
0x167: {  	v6 =	vld [tilespmem:s18+$0x70];
	[tilespmem:s12+$0xD0] =	vst v7;
	v8 =	vmul.f32 v8, v0  }
0x168: {  	v7 =	vld [tilespmem:s18+$0xFFFFFF00];
	[tilespmem:s12+$0xE0] =	vst v2  }
0x169: {  	v0 =	vmov v4;
	v2 =	vld [tilespmem:s18+$0xFFFFFF10];
	[tilespmem:s12+$0xF0] =	vst v8;
	s12 =	smov.u32 s18  }
0x16a: {  	v4 =	vld [tilespmem:s18+$0xFFFFFF20]  }
0x16b: {  	v8 =	vld [tilespmem:s18+$0xFFFFFF30]  }
0x16c: {  	v9 =	vld [tilespmem:s18+$0xFFFFFF40];
	v6 =	vmul.f32 v6, v1  }
0x16d: {  	v7 =	vmul.f32 v7, v5;
	v10 =	vld [tilespmem:s18+$0xFFFFFF50]  }
0x16e: {  	v2 =	vmul.f32 v2, v5;
	v11 =	vld [tilespmem:s18+$0xFFFFFF60];
	[tilespmem:s18+$0x70] =	vst v6  }
0x16f: {  	[tilespmem:s18+$0xFFFFFF00] =	vst v7;
	v4 =	vmul.f32 v4, v5;
	v6 =	vld [tilespmem:s18+$0xFFFFFF70]  }
0x170: {  	[tilespmem:s18+$0xFFFFFF10] =	vst v2;
	v2 =	vmul.f32 v8, v5;
	v7 =	vld [tilespmem:s18+$0xFFFFFF80]  }
0x171: {  	[tilespmem:s18+$0xFFFFFF20] =	vst v4;
	v4 =	vmul.f32 v9, v5;
	v8 =	vld [tilespmem:s18+$0xFFFFFF90]  }
0x172: {  	[tilespmem:s18+$0xFFFFFF30] =	vst v2;
	v2 =	vmul.f32 v10, v5;
	v9 =	vld [tilespmem:s18+$0xFFFFFFA0]  }
0x173: {  	[tilespmem:s18+$0xFFFFFF40] =	vst v4;
	v4 =	vmul.f32 v11, v5;
	v10 =	vld [tilespmem:s18+$0xFFFFFFB0]  }
0x174: {  	[tilespmem:s18+$0xFFFFFF50] =	vst v2;
	v2 =	vmul.f32 v6, v5;
	v5 =	vld [tilespmem:s18+$0xFFFFFFC0]  }
0x175: {  	[tilespmem:s18+$0xFFFFFF60] =	vst v4;
	v4 =	vmul.f32 v7, v3;
	v6 =	vld [tilespmem:s18+$0xFFFFFFD0]  }
0x176: {  	[tilespmem:s18+$0xFFFFFF70] =	vst v2;
	v2 =	vmul.f32 v8, v3;
	v7 =	vld [tilespmem:s18+$0xFFFFFFE0]  }
0x177: {  	[tilespmem:s18+$0xFFFFFF80] =	vst v4;
	v4 =	vmul.f32 v9, v3;
	v8 =	vld [tilespmem:s18+$0xFFFFFFF0]  }
0x178: {  	[tilespmem:s18+$0xFFFFFF90] =	vst v2;
	v2 =	vmul.f32 v10, v3;
	v9 =	vld [tilespmem:s18+$0x0]  }
0x179: {  	[tilespmem:s18+$0xFFFFFFA0] =	vst v4;
	v4 =	vmul.f32 v5, v3;
	v5 =	vld [tilespmem:s18+$0x10]  }
0x17a: {  	[tilespmem:s18+$0xFFFFFFB0] =	vst v2;
	v2 =	vmul.f32 v6, v3;
	v6 =	vld [tilespmem:s18+$0x20]  }
0x17b: {  	[tilespmem:s18+$0xFFFFFFC0] =	vst v4;
	v4 =	vmul.f32 v7, v3;
	v10 =	vld [tilespmem:s18+$0x30]  }
0x17c: {  	[tilespmem:s18+$0xFFFFFFD0] =	vst v2;
	v2 =	vmul.f32 v8, v3;
	v8 =	vld [tilespmem:s18+$0x40]  }
.Ltmp2:
0x17d: {  	[tilespmem:s18+$0xFFFFFFE0] =	vst v4;
	v4 =	vmul.f32 v9, v1;
	v3 =	vld [tilespmem:s18+$0x50];
	(pc) =	sbr.rel @p1 .LBB2_7-.Ltmp2, $4  }
0x17e: {  	[tilespmem:s18+$0xFFFFFFF0] =	vst v2;
	v5 =	vmul.f32 v5, v1;
	v2 =	vld [tilespmem:s18+$0x60]  }
0x17f: {  	s3 =	sadd.s32 $0x3, s21;
	v9 =	vmov s21;
	[tilespmem:s18+$0x0] =	vst v4;
	v12 =	vmul.f32 v6, v1;
	v7 =	vld [tilespmem:s18+$0x80]  }
0x180: {  	s20 =	sadd.s32 $0x1, s21;
	v11 =	vand.u32 $0xFFFFFFFC, v9;
	v4 =	vmov s3;
	[tilespmem:s18+$0x10] =	vst v5;
	v9 =	vmul.f32 v10, v1;
	v6 =	vld [tilespmem:s18+$0x90]  }
0x181: {  	v5 =	vbroadcast v11, $0x0;
	v11 =	vmov s20;
	s20 =	sadd.s32 $0x2, s21;
	s21 =	sadd.s32 $0x4, s21;
	[tilespmem:s18+$0x20] =	vst v12;
	v10 =	vmul.f32 v8, v1;
	v8 =	vld [tilespmem:s18+$0xA0]  }
0x182: {  	v12 =	vld [tilespmem:s18+$0xB0]  }
0x183: {  	v14 =	vld [tilespmem:s18+$0xC0]  }
0x184: {  	v15 =	vld [tilespmem:s18+$0xD0]  }
0x185: {  	v16 =	vld [tilespmem:s18+$0xE0]  }
0x186: {  	v44 =	vld [tilespmem:s18+$0xF0];
	[tilespmem:s18+$0x30] =	vst v9;
	v3 =	vmul.f32 v3, v1  }
0x187: {  	v4 =	vld.idx.msk [tilespmem:v4+s11+$0x0], $0xffff;
	[tilespmem:s18+$0x40] =	vst v10;
	v45 =	vmul.f32 v2, v1  }
0x188: {  	s21 =	sadd.s32 $0x200, s18;
	v46 =	vld.idx.msk [tilespmem:v5+s11+$0x0], $0xffff;
	v7 =	vmul.f32 v7, v0;
	[tilespmem:s18+$0x50] =	vst v3  }
0x189: {  	v51 =	vld [tilespmem:s21+$0x70];
	v47 =	vmul.f32 v6, v0;
	[tilespmem:s18+$0x60] =	vst v45  }
0x18a: {  	v53 =	vld [tilespmem:s21+$0xFFFFFF00];
	[tilespmem:s18+$0x80] =	vst v7;
	v49 =	vmul.f32 v8, v0  }
0x18b: {  	v55 =	vld [tilespmem:s21+$0xFFFFFF10];
	[tilespmem:s18+$0x90] =	vst v47;
	v50 =	vmul.f32 v12, v0  }
0x18c: {  	v11 =	vand.u32 $0xFFFFFFFD, v11;
	v57 =	vld [tilespmem:s21+$0xFFFFFF20];
	v52 =	vmul.f32 v14, v0;
	[tilespmem:s18+$0xA0] =	vst v49  }
0x18d: {  	v11 =	vbroadcast v11, $0x0;
	v59 =	vld [tilespmem:s21+$0xFFFFFF30];
	v54 =	vmul.f32 v15, v0;
	[tilespmem:s18+$0xB0] =	vst v50  }
0x18e: {  	v60 =	vld [tilespmem:s21+$0xFFFFFF40];
	v56 =	vmul.f32 v16, v0;
	[tilespmem:s12+$0xC0] =	vst v52  }
0x18f: {  	v63 =	vld [tilespmem:s21+$0xFFFFFF50];
	v58 =	vmul.f32 v44, v0;
	[tilespmem:s12+$0xD0] =	vst v54  }
0x190: {  	v15 =	vld [tilespmem:s21+$0xFFFFFF70];
	v62 =	vmul.f32 v53, v46;
	[tilespmem:s12+$0xE0] =	vst v56  }
0x191: {  	v16 =	vld [tilespmem:s21+$0xFFFFFF80];
	v12 =	vmul.f32 v55, v46;
	[tilespmem:s12+$0xF0] =	vst v58  }
0x192: {  	v44 =	vld [tilespmem:s21+$0x80];
	v14 =	vmul.f32 v57, v46;
	[tilespmem:s21+$0xFFFFFF00] =	vst v62  }
0x193: {  	v3 =	vmul.f32 v59, v46;
	v48 =	vld.idx.msk [tilespmem:v11+s11+$0x0], $0xffff;
	[tilespmem:s21+$0xFFFFFF10] =	vst v12  }
0x194: {  	v13 =	vmov s20;
	v18 =	vld [tilespmem:s21+$0xFFFFFF90];
	v17 =	vmul.f32 v60, v46;
	[tilespmem:s21+$0xFFFFFF20] =	vst v14  }
0x195: {  	v13 =	vand.u32 $0xFFFFFFFE, v13;
	v20 =	vld [tilespmem:s21+$0xFFFFFFA0];
	v19 =	vmul.f32 v63, v46;
	[tilespmem:s21+$0xFFFFFF30] =	vst v3  }
0x196: {  	v22 =	vld [tilespmem:s21+$0xFFFFFFB0];
	v13 =	vbroadcast v13, $0x0;
	[tilespmem:s21+$0xFFFFFF40] =	vst v17;
	v2 =	vmul.f32 v15, v46  }
0x197: {  	v23 =	vld [tilespmem:s21+$0xFFFFFFC0];
	[tilespmem:s21+$0xFFFFFF50] =	vst v19;
	v53 =	vmul.f32 v44, v4  }
0x198: {  	v25 =	vld [tilespmem:s21+$0xFFFFFFD0];
	v24 =	vmul.f32 v16, v48;
	[tilespmem:s21+$0xFFFFFF70] =	vst v2  }
0x199: {  	v26 =	vld [tilespmem:s21+$0xFFFFFFE0];
	v1 =	vmul.f32 v18, v48;
	[tilespmem:s21+$0x80] =	vst v53  }
0x19a: {  	v28 =	vld [tilespmem:s21+$0xFFFFFFF0];
	v27 =	vmul.f32 v20, v48;
	[tilespmem:s21+$0xFFFFFF80] =	vst v24  }
0x19b: {  	v50 =	vld [tilespmem:s21+$0xB0];
	v29 =	vmul.f32 v22, v48;
	[tilespmem:s21+$0xFFFFFF90] =	vst v1  }
0x19c: {  	v6 =	vld.idx.msk [tilespmem:v13+s11+$0x0], $0xffff;
	v31 =	vmul.f32 v23, v48;
	[tilespmem:s21+$0xFFFFFFA0] =	vst v27  }
0x19d: {  	v13 =	vld [tilespmem:s21+$0xFFFFFF60];
	v33 =	vmul.f32 v25, v48;
	[tilespmem:s21+$0xFFFFFFB0] =	vst v29  }
0x19e: {  	v30 =	vld [tilespmem:s21+$0x0];
	v35 =	vmul.f32 v26, v48;
	[tilespmem:s21+$0xFFFFFFC0] =	vst v31  }
0x19f: {  	v32 =	vld [tilespmem:s21+$0x10];
	v37 =	vmul.f32 v28, v48;
	[tilespmem:s21+$0xFFFFFFD0] =	vst v33  }
0x1a0: {  	v34 =	vld [tilespmem:s21+$0x20];
	v59 =	vmul.f32 v50, v4;
	[tilespmem:s21+$0xFFFFFFE0] =	vst v35  }
0x1a1: {  	v36 =	vld [tilespmem:s21+$0x30];
	v61 =	vmul.f32 v51, v6;
	[tilespmem:s21+$0xFFFFFFF0] =	vst v37  }
0x1a2: {  	v38 =	vld [tilespmem:s21+$0x40];
	v21 =	vmul.f32 v13, v46;
	[tilespmem:s21+$0xB0] =	vst v59  }
0x1a3: {  	v40 =	vld [tilespmem:s21+$0x50];
	v39 =	vmul.f32 v30, v6;
	[tilespmem:s21+$0x70] =	vst v61  }
0x1a4: {  	v42 =	vld [tilespmem:s21+$0x60];
	v41 =	vmul.f32 v32, v6;
	[tilespmem:s21+$0xFFFFFF60] =	vst v21  }
0x1a5: {  	v52 =	vld [tilespmem:s21+$0xC0];
	v43 =	vmul.f32 v34, v6;
	[tilespmem:s21+$0x0] =	vst v39  }
0x1a6: {  	v56 =	vld [tilespmem:s21+$0xE0];
	v45 =	vmul.f32 v36, v6;
	[tilespmem:s21+$0x10] =	vst v41  }
0x1a7: {  	v58 =	vld [tilespmem:s21+$0xF0];
	v47 =	vmul.f32 v38, v6;
	[tilespmem:s21+$0x20] =	vst v43  }
0x1a8: {  	v54 =	vld [tilespmem:s21+$0xD0];
	v49 =	vmul.f32 v40, v6;
	[tilespmem:s21+$0x30] =	vst v45  }
0x1a9: {  	v48 =	vld [tilespmem:s21+$0xA0];
	v51 =	vmul.f32 v42, v6;
	[tilespmem:s21+$0x40] =	vst v47  }
0x1aa: {  	v46 =	vld [tilespmem:s21+$0x90];
	v60 =	vmul.f32 v52, v4;
	[tilespmem:s21+$0x50] =	vst v49  }
0x1ab: {  	v62 =	vmul.f32 v56, v4;
	[tilespmem:s21+$0x60] =	vst v51  }
0x1ac: {  	s17 =	sadd.s32 $0x1, s17;
	v63 =	vmul.f32 v58, v4;
	[tilespmem:s21+$0xC0] =	vst v60  }
0x1ad: {  	p1 =	sne.s32 s17, $0x3E;
	v61 =	vmul.f32 v54, v4;
	[tilespmem:s21+$0xE0] =	vst v62  }
.Ltmp3:
0x1ae: {  	[tilespmem:s21+$0xF0] =	vst v63;
	v57 =	vmul.f32 v48, v4;
	(pc) =	sbr.rel @p1 .LBB2_4-.Ltmp3, $4  }
0x1af: {  	[tilespmem:s21+$0xD0] =	vst v61;
	v55 =	vmul.f32 v46, v4  }
0x1b0: {  	[tilespmem:s21+$0xA0] =	vst v57  }
0x1b1: {  	[tilespmem:s21+$0x90] =	vst v55  }
0x1b2: {  	[spmem:s4] =	stream.indirect.scatter.add.f32 [tilespmem:s13], [sflag:$0x6], $0x80, s7, s5, $0xb8;
	[tilespmem:$0x1DA80] =	vst v63  }
0x1b3: {  	s1 =	simm.s32 $0x6  }
0x1b4: {  	_ =	swait.ge [sflag:s1], $0x2800  }
0x1b5: {  	[sflag:s1] =	ssyncset.done $0x0  }
0x1b6: {  	s20 =	simm.s32 $0x8;
	[sflag:s1] =	ssyncadd.s32 $0xFFFFD800  }
0x1b7: {  	_ =	swait.ge [sflag:s20], $0x50  }
0x1b8: {  	[sflag:s20] =	ssyncset.done $0x0  }
0x1b9: {  	[sflag:s20] =	ssyncadd.s32 $0xFFFFFFB0  }
0x1ba: {  	_ =	swait.ge [sflag:s25], $0x2800  }
0x1bb: {  	[sflag:s25] =	ssyncset.done $0x0  }
0x1bc: {  	[sflag:s25] =	ssyncadd.s32 $0xFFFFD800  }
0x1bd: {  	v0 =	vld [tilespmem:$0x4F00];
	_ =	sdelay $0x6  }
0x1be: {  	s3 =	simm.s32 $0x0  }
0x1bf: {  	v0 =	vld.idx.msk [tilespmem:v0+s3+$0x0], $0xffff;
	_ =	sdelay $0x4  }
0x1c0: {  	(erf) = vrcp.f32 v0;
	_ =	sdelay $0x3  }
0x1c1: {  	v1 =	vld [tilespmem:$0x4F10]  }
0x1c2: {  	v0 =	vld [tilespmem:$0x5100];
	_ =	sdelay $0x3  }
0x1c3: {  	v2 =	vpop (erf)  }
0x1c4: {  	v0 =	vmul.f32 v2, v0;
	_ =	sdelay $0x1  }
0x1c5: {  	[tilespmem:$0x5100] =	vst v0  }
0x1c6: {  	v0 =	vld.idx.msk [tilespmem:v1+s3+$0x0], $0xffff;
	_ =	sdelay $0x4  }
0x1c7: {  	(erf) = vrcp.f32 v0;
	_ =	sdelay $0x3  }
0x1c8: {  	v1 =	vld [tilespmem:$0x4F20]  }
0x1c9: {  	v0 =	vld [tilespmem:$0x5110];
	_ =	sdelay $0x3  }
0x1ca: {  	v2 =	vpop (erf)  }
0x1cb: {  	v0 =	vmul.f32 v2, v0;
	_ =	sdelay $0x1  }
0x1cc: {  	[tilespmem:$0x5110] =	vst v0  }
0x1cd: {  	v0 =	vld.idx.msk [tilespmem:v1+s3+$0x0], $0xffff;
	_ =	sdelay $0x4  }
0x1ce: {  	(erf) = vrcp.f32 v0;
	_ =	sdelay $0x3  }
0x1cf: {  	v1 =	vld [tilespmem:$0x4F30]  }
0x1d0: {  	v0 =	vld [tilespmem:$0x5120];
	_ =	sdelay $0x3  }
0x1d1: {  	v2 =	vpop (erf)  }
0x1d2: {  	v0 =	vmul.f32 v2, v0;
	_ =	sdelay $0x1  }
0x1d3: {  	[tilespmem:$0x5120] =	vst v0  }
0x1d4: {  	v0 =	vld.idx.msk [tilespmem:v1+s3+$0x0], $0xffff;
	_ =	sdelay $0x4  }
0x1d5: {  	(erf) = vrcp.f32 v0;
	_ =	sdelay $0x3  }
0x1d6: {  	v1 =	vld [tilespmem:$0x4F40]  }
0x1d7: {  	v0 =	vld [tilespmem:$0x5130];
	_ =	sdelay $0x3  }
0x1d8: {  	v2 =	vpop (erf)  }
0x1d9: {  	v0 =	vmul.f32 v2, v0;
	_ =	sdelay $0x1  }
0x1da: {  	[tilespmem:$0x5130] =	vst v0  }
0x1db: {  	v0 =	vld.idx.msk [tilespmem:v1+s3+$0x0], $0xffff;
	_ =	sdelay $0x4  }
0x1dc: {  	(erf) = vrcp.f32 v0;
	_ =	sdelay $0x4  }
0x1dd: {  	v0 =	vld [tilespmem:$0x5140]  }
0x1de: {  	s12 =	simm.s32 $0x2;
	v1 =	vmov s3  }
0x1df: {  	v2 =	vmov s12;
	v1 =	vand.u32 $0xFFFFFFFC, v1  }
0x1e0: {  	v2 =	vand.u32 $0xFFFFFFFE, v2;
	v1 =	vbroadcast v1, $0x0  }
0x1e1: {  	v2 =	vbroadcast v2, $0x0;
	v3 =	vpop (erf)  }
0x1e2: {  	v0 =	vmul.f32 v3, v0;
	_ =	sdelay $0x1  }
0x1e3: {  	s21 =	rddreg [dreg:$0xf];
	[tilespmem:$0x5140] =	vst v0  }
0x1e4: {  	[hbm4b:s21+s3] =	stream.linear.scatter [tilespmem:s31], [sflag:$0x7], $0x50, $0x38;
	[tilespmem:$0x1DA80] =	vst v63  }
0x1e5: {  	v0 =	vld.idx.msk [tilespmem:v1+s31+$0x0], $0xffff  }
0x1e6: {  	s17 =	simm.s32 $0x5300;
	v1 =	vld.idx.msk [tilespmem:v2+s31+$0x0], $0xffff  }
0x1e7: {  	v3 =	vld [tilespmem:s17+$0x70]  }
0x1e8: {  	v4 =	vld [tilespmem:s17+$0xFFFFFF00]  }
0x1e9: {  	s2 =	simm.s32 $0x1;
	v5 =	vld [tilespmem:s17+$0xFFFFFF10]  }
0x1ea: {  	v2 =	vmov s2;
	v6 =	vld [tilespmem:s17+$0xFFFFFF20]  }
0x1eb: {  	v7 =	vld [tilespmem:s17+$0xFFFFFF30];
	v2 =	vand.u32 $0xFFFFFFFD, v2  }
0x1ec: {  	v8 =	vld [tilespmem:s17+$0xFFFFFF40];
	v2 =	vbroadcast v2, $0x0  }
0x1ed: {  	v9 =	vld [tilespmem:s17+$0xFFFFFF50]  }
0x1ee: {  	v10 =	vld [tilespmem:s17+$0xFFFFFF60];
	v4 =	vmul.f32 v4, v0  }
0x1ef: {  	v12 =	vld [tilespmem:s17+$0x40];
	v3 =	vmul.f32 v3, v1  }
0x1f0: {  	[tilespmem:s17+$0xFFFFFF00] =	vst v4;
	v4 =	vmul.f32 v5, v0;
	v5 =	vld [tilespmem:s17+$0xFFFFFF70]  }
0x1f1: {  	[tilespmem:s17+$0x70] =	vst v3;
	v3 =	vmul.f32 v6, v0;
	v6 =	vld [tilespmem:s17+$0xFFFFFF80]  }
0x1f2: {  	v2 =	vld.idx.msk [tilespmem:v2+s31+$0x0], $0xffff;
	[tilespmem:s17+$0xFFFFFF10] =	vst v4;
	v4 =	vmul.f32 v7, v0  }
0x1f3: {  	v7 =	vld [tilespmem:s17+$0xFFFFFF90];
	[tilespmem:s17+$0xFFFFFF20] =	vst v3;
	v3 =	vmul.f32 v8, v0  }
0x1f4: {  	v8 =	vld [tilespmem:s17+$0xFFFFFFA0];
	[tilespmem:s17+$0xFFFFFF30] =	vst v4;
	v4 =	vmul.f32 v9, v0  }
0x1f5: {  	v9 =	vld [tilespmem:s17+$0xFFFFFFB0];
	[tilespmem:s17+$0xFFFFFF40] =	vst v3;
	v3 =	vmul.f32 v10, v0  }
0x1f6: {  	v10 =	vld [tilespmem:s17+$0xFFFFFFC0];
	v5 =	vmul.f32 v5, v0;
	[tilespmem:s17+$0xFFFFFF50] =	vst v4  }
0x1f7: {  	v4 =	vmul.f32 v6, v2;
	v6 =	vld [tilespmem:s17+$0xFFFFFFD0];
	[tilespmem:s17+$0xFFFFFF60] =	vst v3  }
0x1f8: {  	s12 =	simm.s32 $0x3;
	v3 =	vld [tilespmem:s17+$0xFFFFFFE0];
	v7 =	vmul.f32 v7, v2;
	[tilespmem:s17+$0xFFFFFF70] =	vst v5  }
0x1f9: {  	v11 =	vmov s12;
	v5 =	vld [tilespmem:s17+$0xFFFFFFF0];
	[tilespmem:s17+$0xFFFFFF80] =	vst v4;
	v4 =	vmul.f32 v8, v2  }
0x1fa: {  	v8 =	vld [tilespmem:s17+$0x0];
	[tilespmem:s17+$0xFFFFFF90] =	vst v7;
	v7 =	vmul.f32 v9, v2  }
0x1fb: {  	v9 =	vld [tilespmem:s17+$0x10];
	[tilespmem:s17+$0xFFFFFFA0] =	vst v4;
	v4 =	vmul.f32 v10, v2  }
0x1fc: {  	[tilespmem:s17+$0xFFFFFFB0] =	vst v7;
	v6 =	vmul.f32 v6, v2;
	v7 =	vld [tilespmem:s17+$0x20]  }
0x1fd: {  	v10 =	vld [tilespmem:s17+$0x30];
	v3 =	vmul.f32 v3, v2;
	[tilespmem:s17+$0xFFFFFFC0] =	vst v4  }
0x1fe: {  	v0 =	vld.idx.msk [tilespmem:v11+s31+$0x0], $0xffff;
	v2 =	vmul.f32 v5, v2;
	[tilespmem:s17+$0xFFFFFFD0] =	vst v6  }
0x1ff: {  	[tilespmem:s17+$0xFFFFFFE0] =	vst v3;
	v4 =	vmul.f32 v8, v1;
	v3 =	vld [tilespmem:s17+$0x50]  }
0x200: {  	s18 =	simm.s32 $0x4;
	[tilespmem:s17+$0xFFFFFFF0] =	vst v2;
	v5 =	vmul.f32 v9, v1;
	v2 =	vld [tilespmem:s17+$0x60]  }
0x201: {  	s20 =	simm.s32 $0x7;
	v6 =	vmov s18;
	[tilespmem:s17+$0x0] =	vst v4;
	v8 =	vmul.f32 v7, v1;
	v7 =	vld [tilespmem:s17+$0x80]  }
0x202: {  	s21 =	simm.s32 $0x5;
	v11 =	vand.u32 $0xFFFFFFFC, v6;
	v6 =	vld [tilespmem:s17+$0x90];
	v4 =	vmov s20;
	v9 =	vmul.f32 v10, v1;
	[tilespmem:s17+$0x10] =	vst v5  }
0x203: {  	s12 =	simm.s32 $0x5300;
	s18 =	simm.s32 $0x8;
	s20 =	simm.s32 $0x6;
	v10 =	vmul.f32 v12, v1;
	v5 =	vbroadcast v11, $0x0;
	v11 =	vmov s21;
	[tilespmem:s17+$0x20] =	vst v8;
	v8 =	vld [tilespmem:s17+$0xA0]  }
.LBB2_10:
0x204: {  	p1 =	slt.u32 s18, $0x4C;
	v11 =	vand.u32 $0xFFFFFFFD, v11;
	v12 =	vmov s20;
	[tilespmem:s17+$0x30] =	vst v9;
	v3 =	vmul.f32 v3, v1;
	v9 =	vld [tilespmem:s17+$0xB0]  }
0x205: {  	v11 =	vbroadcast v11, $0x0;
	v12 =	vand.u32 $0xFFFFFFFE, v12;
	[tilespmem:s17+$0x40] =	vst v10;
	v1 =	vmul.f32 v2, v1;
	v2 =	vld [tilespmem:s17+$0xC0]  }
0x206: {  	v10 =	vbroadcast v12, $0x0;
	[tilespmem:s17+$0x50] =	vst v3;
	v3 =	vmul.f32 v7, v0;
	v7 =	vld [tilespmem:s17+$0xD0]  }
0x207: {  	[tilespmem:s17+$0x60] =	vst v1;
	v1 =	vmul.f32 v6, v0;
	v6 =	vld [tilespmem:s17+$0xE0]  }
0x208: {  	[tilespmem:s17+$0x80] =	vst v3;
	v3 =	vmul.f32 v8, v0;
	v8 =	vld [tilespmem:s17+$0xF0]  }
0x209: {  	v4 =	vld.idx.msk [tilespmem:v4+s31+$0x0], $0xffff;
	[tilespmem:s17+$0x90] =	vst v1;
	v1 =	vmul.f32 v9, v0  }
0x20a: {  	v5 =	vld.idx.msk [tilespmem:v5+s31+$0x0], $0xffff;
	[tilespmem:s17+$0xA0] =	vst v3;
	v2 =	vmul.f32 v2, v0  }
0x20b: {  	v3 =	vld.idx.msk [tilespmem:v11+s31+$0x0], $0xffff;
	[tilespmem:s17+$0xB0] =	vst v1;
	v7 =	vmul.f32 v7, v0  }
0x20c: {  	s17 =	sadd.s32 $0x200, s17;
	v1 =	vld.idx.msk [tilespmem:v10+s31+$0x0], $0xffff;
	[tilespmem:s12+$0xC0] =	vst v2;
	v2 =	vmul.f32 v6, v0  }
0x20d: {  	v6 =	vld [tilespmem:s17+$0x70];
	[tilespmem:s12+$0xD0] =	vst v7;
	v8 =	vmul.f32 v8, v0  }
0x20e: {  	v7 =	vld [tilespmem:s17+$0xFFFFFF00];
	[tilespmem:s12+$0xE0] =	vst v2  }
0x20f: {  	v0 =	vmov v4;
	v2 =	vld [tilespmem:s17+$0xFFFFFF10];
	[tilespmem:s12+$0xF0] =	vst v8;
	s12 =	smov.u32 s17  }
0x210: {  	v4 =	vld [tilespmem:s17+$0xFFFFFF20]  }
0x211: {  	v8 =	vld [tilespmem:s17+$0xFFFFFF30]  }
0x212: {  	v9 =	vld [tilespmem:s17+$0xFFFFFF40];
	v6 =	vmul.f32 v6, v1  }
0x213: {  	v7 =	vmul.f32 v7, v5;
	v10 =	vld [tilespmem:s17+$0xFFFFFF50]  }
0x214: {  	v2 =	vmul.f32 v2, v5;
	v11 =	vld [tilespmem:s17+$0xFFFFFF60];
	[tilespmem:s17+$0x70] =	vst v6  }
0x215: {  	[tilespmem:s17+$0xFFFFFF00] =	vst v7;
	v4 =	vmul.f32 v4, v5;
	v6 =	vld [tilespmem:s17+$0xFFFFFF70]  }
0x216: {  	[tilespmem:s17+$0xFFFFFF10] =	vst v2;
	v2 =	vmul.f32 v8, v5;
	v7 =	vld [tilespmem:s17+$0xFFFFFF80]  }
0x217: {  	[tilespmem:s17+$0xFFFFFF20] =	vst v4;
	v4 =	vmul.f32 v9, v5;
	v8 =	vld [tilespmem:s17+$0xFFFFFF90]  }
0x218: {  	[tilespmem:s17+$0xFFFFFF30] =	vst v2;
	v2 =	vmul.f32 v10, v5;
	v9 =	vld [tilespmem:s17+$0xFFFFFFA0]  }
0x219: {  	[tilespmem:s17+$0xFFFFFF40] =	vst v4;
	v4 =	vmul.f32 v11, v5;
	v10 =	vld [tilespmem:s17+$0xFFFFFFB0]  }
0x21a: {  	[tilespmem:s17+$0xFFFFFF50] =	vst v2;
	v2 =	vmul.f32 v6, v5;
	v5 =	vld [tilespmem:s17+$0xFFFFFFC0]  }
0x21b: {  	[tilespmem:s17+$0xFFFFFF60] =	vst v4;
	v4 =	vmul.f32 v7, v3;
	v6 =	vld [tilespmem:s17+$0xFFFFFFD0]  }
0x21c: {  	[tilespmem:s17+$0xFFFFFF70] =	vst v2;
	v2 =	vmul.f32 v8, v3;
	v7 =	vld [tilespmem:s17+$0xFFFFFFE0]  }
0x21d: {  	[tilespmem:s17+$0xFFFFFF80] =	vst v4;
	v4 =	vmul.f32 v9, v3;
	v8 =	vld [tilespmem:s17+$0xFFFFFFF0]  }
0x21e: {  	[tilespmem:s17+$0xFFFFFF90] =	vst v2;
	v2 =	vmul.f32 v10, v3;
	v9 =	vld [tilespmem:s17+$0x0]  }
0x21f: {  	[tilespmem:s17+$0xFFFFFFA0] =	vst v4;
	v4 =	vmul.f32 v5, v3;
	v5 =	vld [tilespmem:s17+$0x10]  }
0x220: {  	[tilespmem:s17+$0xFFFFFFB0] =	vst v2;
	v2 =	vmul.f32 v6, v3;
	v6 =	vld [tilespmem:s17+$0x20]  }
0x221: {  	[tilespmem:s17+$0xFFFFFFC0] =	vst v4;
	v4 =	vmul.f32 v7, v3;
	v10 =	vld [tilespmem:s17+$0x30]  }
0x222: {  	[tilespmem:s17+$0xFFFFFFD0] =	vst v2;
	v2 =	vmul.f32 v8, v3;
	v8 =	vld [tilespmem:s17+$0x40]  }
.Ltmp4:
0x223: {  	[tilespmem:s17+$0xFFFFFFE0] =	vst v4;
	v4 =	vmul.f32 v9, v1;
	v3 =	vld [tilespmem:s17+$0x50];
	(pc) =	sbr.rel @p1 .LBB2_10-.Ltmp4, $4  }
0x224: {  	[tilespmem:s17+$0xFFFFFFF0] =	vst v2;
	v5 =	vmul.f32 v5, v1;
	v2 =	vld [tilespmem:s17+$0x60]  }
0x225: {  	s3 =	sadd.s32 $0x3, s18;
	v9 =	vmov s18;
	[tilespmem:s17+$0x0] =	vst v4;
	v12 =	vmul.f32 v6, v1;
	v7 =	vld [tilespmem:s17+$0x80]  }
0x226: {  	s20 =	sadd.s32 $0x1, s18;
	v11 =	vand.u32 $0xFFFFFFFC, v9;
	v4 =	vmov s3;
	[tilespmem:s17+$0x10] =	vst v5;
	v9 =	vmul.f32 v10, v1;
	v6 =	vld [tilespmem:s17+$0x90]  }
0x227: {  	v5 =	vbroadcast v11, $0x0;
	v11 =	vmov s20;
	s20 =	sadd.s32 $0x2, s18;
	s18 =	sadd.s32 $0x4, s18;
	[tilespmem:s17+$0x20] =	vst v12;
	v10 =	vmul.f32 v8, v1;
	v8 =	vld [tilespmem:s17+$0xA0]  }
0x228: {  	v12 =	vld [tilespmem:s17+$0xB0]  }
0x229: {  	v14 =	vld [tilespmem:s17+$0xC0]  }
0x22a: {  	v15 =	vld [tilespmem:s17+$0xD0]  }
0x22b: {  	v16 =	vld [tilespmem:s17+$0xE0]  }
0x22c: {  	v44 =	vld [tilespmem:s17+$0xF0];
	[tilespmem:s17+$0x30] =	vst v9;
	v3 =	vmul.f32 v3, v1  }
0x22d: {  	v4 =	vld.idx.msk [tilespmem:v4+s31+$0x0], $0xffff;
	[tilespmem:s17+$0x40] =	vst v10;
	v45 =	vmul.f32 v2, v1  }
0x22e: {  	s18 =	sadd.s32 $0x200, s17;
	v46 =	vld.idx.msk [tilespmem:v5+s31+$0x0], $0xffff;
	v7 =	vmul.f32 v7, v0;
	[tilespmem:s17+$0x50] =	vst v3  }
0x22f: {  	v51 =	vld [tilespmem:s18+$0x70];
	v47 =	vmul.f32 v6, v0;
	[tilespmem:s17+$0x60] =	vst v45  }
0x230: {  	v53 =	vld [tilespmem:s18+$0xFFFFFF00];
	[tilespmem:s17+$0x80] =	vst v7;
	v49 =	vmul.f32 v8, v0  }
0x231: {  	v55 =	vld [tilespmem:s18+$0xFFFFFF10];
	[tilespmem:s17+$0x90] =	vst v47;
	v50 =	vmul.f32 v12, v0  }
0x232: {  	v11 =	vand.u32 $0xFFFFFFFD, v11;
	v57 =	vld [tilespmem:s18+$0xFFFFFF20];
	v52 =	vmul.f32 v14, v0;
	[tilespmem:s17+$0xA0] =	vst v49  }
0x233: {  	v11 =	vbroadcast v11, $0x0;
	v59 =	vld [tilespmem:s18+$0xFFFFFF30];
	v54 =	vmul.f32 v15, v0;
	[tilespmem:s17+$0xB0] =	vst v50  }
0x234: {  	v60 =	vld [tilespmem:s18+$0xFFFFFF40];
	v56 =	vmul.f32 v16, v0;
	[tilespmem:s12+$0xC0] =	vst v52  }
0x235: {  	v63 =	vld [tilespmem:s18+$0xFFFFFF50];
	v58 =	vmul.f32 v44, v0;
	[tilespmem:s12+$0xD0] =	vst v54  }
0x236: {  	v15 =	vld [tilespmem:s18+$0xFFFFFF70];
	v62 =	vmul.f32 v53, v46;
	[tilespmem:s12+$0xE0] =	vst v56  }
0x237: {  	v16 =	vld [tilespmem:s18+$0xFFFFFF80];
	v12 =	vmul.f32 v55, v46;
	[tilespmem:s12+$0xF0] =	vst v58  }
0x238: {  	v44 =	vld [tilespmem:s18+$0x80];
	v14 =	vmul.f32 v57, v46;
	[tilespmem:s18+$0xFFFFFF00] =	vst v62  }
0x239: {  	v3 =	vmul.f32 v59, v46;
	v48 =	vld.idx.msk [tilespmem:v11+s31+$0x0], $0xffff;
	[tilespmem:s18+$0xFFFFFF10] =	vst v12  }
0x23a: {  	v13 =	vmov s20;
	v18 =	vld [tilespmem:s18+$0xFFFFFF90];
	v17 =	vmul.f32 v60, v46;
	[tilespmem:s18+$0xFFFFFF20] =	vst v14  }
0x23b: {  	v13 =	vand.u32 $0xFFFFFFFE, v13;
	v20 =	vld [tilespmem:s18+$0xFFFFFFA0];
	v19 =	vmul.f32 v63, v46;
	[tilespmem:s18+$0xFFFFFF30] =	vst v3  }
0x23c: {  	v22 =	vld [tilespmem:s18+$0xFFFFFFB0];
	v13 =	vbroadcast v13, $0x0;
	[tilespmem:s18+$0xFFFFFF40] =	vst v17;
	v2 =	vmul.f32 v15, v46  }
0x23d: {  	v23 =	vld [tilespmem:s18+$0xFFFFFFC0];
	[tilespmem:s18+$0xFFFFFF50] =	vst v19;
	v53 =	vmul.f32 v44, v4  }
0x23e: {  	v25 =	vld [tilespmem:s18+$0xFFFFFFD0];
	v24 =	vmul.f32 v16, v48;
	[tilespmem:s18+$0xFFFFFF70] =	vst v2  }
0x23f: {  	v26 =	vld [tilespmem:s18+$0xFFFFFFE0];
	v1 =	vmul.f32 v18, v48;
	[tilespmem:s18+$0x80] =	vst v53  }
0x240: {  	v28 =	vld [tilespmem:s18+$0xFFFFFFF0];
	v27 =	vmul.f32 v20, v48;
	[tilespmem:s18+$0xFFFFFF80] =	vst v24  }
0x241: {  	v50 =	vld [tilespmem:s18+$0xB0];
	v29 =	vmul.f32 v22, v48;
	[tilespmem:s18+$0xFFFFFF90] =	vst v1  }
0x242: {  	v6 =	vld.idx.msk [tilespmem:v13+s31+$0x0], $0xffff;
	v31 =	vmul.f32 v23, v48;
	[tilespmem:s18+$0xFFFFFFA0] =	vst v27  }
0x243: {  	v13 =	vld [tilespmem:s18+$0xFFFFFF60];
	v33 =	vmul.f32 v25, v48;
	[tilespmem:s18+$0xFFFFFFB0] =	vst v29  }
0x244: {  	v30 =	vld [tilespmem:s18+$0x0];
	v35 =	vmul.f32 v26, v48;
	[tilespmem:s18+$0xFFFFFFC0] =	vst v31  }
0x245: {  	v32 =	vld [tilespmem:s18+$0x10];
	v37 =	vmul.f32 v28, v48;
	[tilespmem:s18+$0xFFFFFFD0] =	vst v33  }
0x246: {  	v34 =	vld [tilespmem:s18+$0x20];
	v59 =	vmul.f32 v50, v4;
	[tilespmem:s18+$0xFFFFFFE0] =	vst v35  }
0x247: {  	v36 =	vld [tilespmem:s18+$0x30];
	v61 =	vmul.f32 v51, v6;
	[tilespmem:s18+$0xFFFFFFF0] =	vst v37  }
0x248: {  	v38 =	vld [tilespmem:s18+$0x40];
	v21 =	vmul.f32 v13, v46;
	[tilespmem:s18+$0xB0] =	vst v59  }
0x249: {  	v40 =	vld [tilespmem:s18+$0x50];
	v39 =	vmul.f32 v30, v6;
	[tilespmem:s18+$0x70] =	vst v61  }
0x24a: {  	v42 =	vld [tilespmem:s18+$0x60];
	v41 =	vmul.f32 v32, v6;
	[tilespmem:s18+$0xFFFFFF60] =	vst v21  }
0x24b: {  	v52 =	vld [tilespmem:s18+$0xC0];
	v43 =	vmul.f32 v34, v6;
	[tilespmem:s18+$0x0] =	vst v39  }
0x24c: {  	v56 =	vld [tilespmem:s18+$0xE0];
	v45 =	vmul.f32 v36, v6;
	[tilespmem:s18+$0x10] =	vst v41  }
0x24d: {  	v58 =	vld [tilespmem:s18+$0xF0];
	v47 =	vmul.f32 v38, v6;
	[tilespmem:s18+$0x20] =	vst v43  }
0x24e: {  	v54 =	vld [tilespmem:s18+$0xD0];
	v49 =	vmul.f32 v40, v6;
	[tilespmem:s18+$0x30] =	vst v45  }
0x24f: {  	v48 =	vld [tilespmem:s18+$0xA0];
	v51 =	vmul.f32 v42, v6;
	[tilespmem:s18+$0x40] =	vst v47  }
0x250: {  	v46 =	vld [tilespmem:s18+$0x90];
	v60 =	vmul.f32 v52, v4;
	[tilespmem:s18+$0x50] =	vst v49  }
0x251: {  	v62 =	vmul.f32 v56, v4;
	[tilespmem:s18+$0x60] =	vst v51  }
0x252: {  	v63 =	vmul.f32 v58, v4;
	[tilespmem:s18+$0xC0] =	vst v60  }
0x253: {  	v61 =	vmul.f32 v54, v4;
	[tilespmem:s18+$0xE0] =	vst v62  }
0x254: {  	[tilespmem:s18+$0xF0] =	vst v63;
	v57 =	vmul.f32 v48, v4  }
0x255: {  	[tilespmem:s18+$0xD0] =	vst v61;
	v55 =	vmul.f32 v46, v4  }
0x256: {  	[tilespmem:s18+$0xA0] =	vst v57  }
0x257: {  	[tilespmem:s18+$0x90] =	vst v55  }
0x258: {  	[spmem:s4] =	stream.indirect.scatter.add.f32 [tilespmem:s28], [sflag:$0x5], $0x80, s29, s5, $0xb8;
	[tilespmem:$0x1DA80] =	vst v63  }
0x259: {  	_ =	swait.ge [sflag:s14], $0x2800  }
0x25a: {  	[sflag:s14] =	ssyncset.done $0x0  }
0x25b: {  	[sflag:s14] =	ssyncadd.s32 $0xFFFFD800  }
0x25c: {  	_ =	swait.ge [sflag:s15], $0x50  }
0x25d: {  	[sflag:s15] =	ssyncset.done $0x0  }
0x25e: {  	[sflag:s15] =	ssyncadd.s32 $0xFFFFFFB0  }
0x25f: {  	[bflag:$0x0] =	sbarrier.arrive $0xFFFF  }
0x260: {  	s2 =	rddreg [dreg:$0x8]  }
0x261: {  	s1 =	rddreg [dreg:$0x10]  }
0x262: {  	s17 =	simm.s32 $0x9;
	s3 =	rddreg [dreg:$0x14]  }
0x263: {  	[hbm:s1], [sflag:s2] =	dma.local [spmem:s3], $0x2700  }
0x264: {  	_ =	swait.ge [sflag:s17], $0x2700  }
0x265: {  	[sflag:s17] =	ssyncset.done $0x0;
	s1 =	rddreg [dreg:$0x11]  }
0x266: {  	s3 =	rddreg [dreg:$0x15];
	[sflag:s17] =	ssyncadd.s32 $0xFFFFD900  }
0x267: {  	[hbm:s1], [sflag:s2] =	dma.local @!p0 [spmem:s3], $0x100  }
0x268: {  	s3 =	simm.s32 @!p0 $0x9  }
0x269: {  	_ =	swait.ge @!p0 [sflag:s3], $0x100  }
0x26a: {  	s20 =	rddreg [dreg:$0x13]  }
0x26b: {  	s21 =	rddreg [dreg:$0x12];
	s12 =	sadd.s32 $0x1, s20  }
0x26c: {  	p1 =	sne.s32 s12, s21  }
.Ltmp5:
0x26d: {  	_ = 	snop;
	(pc) =	sbr.rel @p1 .LBB2_1-.Ltmp5, $3  }
0x26e: {  	_ =	sdelay $0x1  }
0x26f: {  	[sflag:s3] =	ssyncset.done @!p0 $0x0  }
0x270: {  	[sflag:s3] =	ssyncadd.s32 @!p0 $0xFFFFFF00  }
0x271: {  	_ =	sfence.sel $0x180000  }
0x272: {  	[bflag:$0x0] =	sbarrier.arrive $0xFFFF  }
0x273: {  	_ =	strace $0x9000004A  }
0x274: {  	[bflag:$0x2] =	sbarrier.arrive $0xFFFF  }
0x275: {  	s0 =	rddreg [dreg:$0x4]  }
0x276: {  	s0 =	sadd.s32 @!p0 $0x100000, s0  }
0x277: {  	[sflag:s0] =	ssyncadd.tile.s32 @!p0 $0x1;
	_ =	shalt  }
.Lfunc_end2:
_tile_overlayer_lowered:
.L_overlay_start_2:
0x278: {  	(tag) =	ssettag $0x2  }
0x279: {  	s0 =	rddreg [dreg:$0x0];
	s2 =	stileid.u32  }
0x27a: {  	s1 =	rddreg [dreg:$0x1];
	p0 =	sne.s32 s2, $0x0  }
0x27b: {  	s3 =	rddreg [dreg:$0x2];
	[bflag:$0x3] =	sbarrier.arrive $0xFFFF;
	s2 =	simm.s32 @!p0 $0x1C09  }
0x27c: {  	[timem:s3], [sflag:s2] =	dma.local @!p0 [hbm:s0], s1  }
0x27d: {  	s0 =	simm.s32 @!p0 $0x9  }
0x27e: {  	_ =	swait.ge @!p0 [sflag:s0], s1  }
0x27f: {  	s1 =	ssub.s32 @!p0 $0x0, s1;
	[sflag:s0] =	ssyncset.done @!p0 $0x0  }
0x280: {  	[sflag:s0] =	ssyncadd.s32 @!p0 s1  }
0x281: {  	[bflag:$0x3] =	sbarrier.arrive $0xFFFF  }
0x282: {  	_ =	shalt  }

</sc_bundles>
